<compile_context>
chip_gen: v7x
topology: tpu7x:2x2x1
jax: 0.10.2.dev20260603
libtpu: 0.0.44.dev20260713+nightly
codegen_flags: <defaults>
</compile_context>

<pallas_src>
import functools

import jax
import jax.numpy as jnp
from jax import lax
from jax.experimental import pallas as pl
from jax.experimental.pallas import tpu as pltpu
from jax.experimental.pallas import tpu_sc as plsc

N = 10000
E = 320000
D = 128
H = 64
C = 10
G = 128

NC = 2
NS = 16
NW = NC * NS
CH = 128
NCH = 80
MR = 4
MCH = MR * CH
K0 = 20
K1 = 20
KM = max(K0, K1)
EP = NW * NCH * CH
NP = 10240
RPT = NP // NS

BN = 1000

def _segment_sum_body(table, src_idx0, dst_idx0, src_idx1, dst_idx1, zeros,
                      out, src_v, dst_v, rows_v, acc,
                      gsem0, gsem1, ssem0, ssem1):
    cid = lax.axis_index("c")
    sid = lax.axis_index("s")

    @pl.when(cid == 0)
    def _():
        pltpu.sync_copy(src_idx0.at[sid], src_v.at[pl.ds(0, K0)])
        pltpu.sync_copy(dst_idx0.at[sid], dst_v.at[pl.ds(0, K0)])

    @pl.when(cid == 1)
    def _():
        pltpu.sync_copy(src_idx1.at[sid], src_v.at[pl.ds(0, K1)])
        pltpu.sync_copy(dst_idx1.at[sid], dst_v.at[pl.ds(0, K1)])

    pltpu.sync_copy(zeros, acc.at[pl.ds(sid * RPT, RPT)])
    plsc.subcore_barrier()

    def gather(j, slot, sem):
        pltpu.make_async_copy(table.at[src_v.at[j]],
                              rows_v.at[slot], sem).start()

    def gather_wait(j, slot, sem):
        pltpu.make_async_copy(table.at[src_v.at[j]],
                              rows_v.at[slot], sem).wait()

    def scatter(j, slot, sem):
        pltpu.async_copy(rows_v.at[slot],
                         acc.at[dst_v.at[j]], sem, add=True)

    def scatter_wait(j, slot, sem):
        pltpu.make_async_copy(rows_v.at[slot],
                              acc.at[dst_v.at[j]], sem).wait()

    gather(0, 0, gsem0)
    gather(1, 1, gsem1)

    n_mc = jnp.where(cid == 0, K0, K1)

    def body(jj, carry):
        j0 = jj * 2
        gather_wait(j0, 0, gsem0)
        scatter(j0, 0, ssem0)
        gather_wait(j0 + 1, 1, gsem1)
        scatter(j0 + 1, 1, ssem1)
        scatter_wait(j0, 0, ssem0)

        @pl.when(j0 + 2 < n_mc)
        def _():
            gather(j0 + 2, 0, gsem0)

        scatter_wait(j0 + 1, 1, ssem1)

        @pl.when(j0 + 3 < n_mc)
        def _():
            gather(j0 + 3, 1, gsem1)

        return carry

    lax.fori_loop(0, n_mc // 2, body, 0)
    plsc.subcore_barrier()
    pltpu.sync_copy(acc.at[pl.ds(sid * RPT, RPT)],
                    out.at[cid, pl.ds(sid * RPT, RPT)])


@functools.cache
def _segment_sum_sc():
    mesh = plsc.VectorSubcoreMesh(core_axis_name="c", subcore_axis_name="s")
    return pl.kernel(
        _segment_sum_body,
        mesh=mesh,
        out_type=jax.ShapeDtypeStruct((NC, NP, H), jnp.float32),
        scratch_types=[
            pltpu.VMEM((KM, MCH), jnp.int32),
            pltpu.VMEM((KM, MCH), jnp.int32),
            pltpu.VMEM((2, MCH, H), jnp.float32),
            pltpu.VMEM_SHARED((NP, H), jnp.float32),
            pltpu.SemaphoreType.DMA,
            pltpu.SemaphoreType.DMA,
            pltpu.SemaphoreType.DMA,
            pltpu.SemaphoreType.DMA,
        ],
        compiler_params=pltpu.CompilerParams(use_tc_tiling_on_sc=False),
    )


def _proj2_body(x_ref, wa_ref, wb_ref, oa_ref, ob_ref):
    x = x_ref[...]
    dn = (((1,), (1,)), ((), ()))
    oa_ref[...] = lax.dot_general(x, wa_ref[...], dn,
                                  preferred_element_type=jnp.float32)
    ob_ref[...] = lax.dot_general(x, wb_ref[...], dn,
                                  preferred_element_type=jnp.float32)


def _proj2(x, wa, wb):
    d = x.shape[1]
    return pl.pallas_call(
        _proj2_body,
        grid=(N // BN,),
        in_specs=[
            pl.BlockSpec((BN, d), lambda i: (i, 0)),
            pl.BlockSpec((H, d), lambda i: (0, 0)),
            pl.BlockSpec((H, d), lambda i: (0, 0)),
        ],
        out_specs=[
            pl.BlockSpec((BN, H), lambda i: (i, 0)),
            pl.BlockSpec((BN, H), lambda i: (i, 0)),
        ],
        out_shape=[
            jax.ShapeDtypeStruct((N, H), jnp.float32),
            jax.ShapeDtypeStruct((N, H), jnp.float32),
        ],
    )(x, wa, wb)


def _layer_body(agg_ref, xr_ref, b_ref, wa_ref, wb_ref, oa_ref, ob_ref):
    h = jnp.maximum(agg_ref[0] + agg_ref[1] + xr_ref[...] + b_ref[...], 0.0)
    dn = (((1,), (1,)), ((), ()))
    oa_ref[...] = lax.dot_general(h, wa_ref[...], dn,
                                  preferred_element_type=jnp.float32)
    ob_ref[...] = lax.dot_general(h, wb_ref[...], dn,
                                  preferred_element_type=jnp.float32)


def _layer(agg, xr, b, wa, wb):
    return pl.pallas_call(
        _layer_body,
        grid=(N // BN,),
        in_specs=[
            pl.BlockSpec((NC, BN, H), lambda i: (0, i, 0)),
            pl.BlockSpec((BN, H), lambda i: (i, 0)),
            pl.BlockSpec((1, H), lambda i: (0, 0)),
            pl.BlockSpec((H, H), lambda i: (0, 0)),
            pl.BlockSpec((H, H), lambda i: (0, 0)),
        ],
        out_specs=[
            pl.BlockSpec((BN, H), lambda i: (i, 0)),
            pl.BlockSpec((BN, H), lambda i: (i, 0)),
        ],
        out_shape=[
            jax.ShapeDtypeStruct((N, H), jnp.float32),
            jax.ShapeDtypeStruct((N, H), jnp.float32),
        ],
    )(agg, xr, b, wa, wb)


def _pool_body(agg_ref, xr_ref, b_ref, batch_ref, wc_ref, bc_ref, out_ref,
               acc_ref):
    i = pl.program_id(0)

    @pl.when(i == 0)
    def _():
        acc_ref[...] = jnp.zeros_like(acc_ref)

    h = jnp.maximum(agg_ref[0] + agg_ref[1] + xr_ref[...] + b_ref[...], 0.0)
    ext = jnp.concatenate([h, jnp.ones((BN, 1), jnp.float32)], axis=1)
    onehot = (batch_ref[...] ==
              lax.broadcasted_iota(jnp.int32, (BN, G), 1)).astype(jnp.float32)
    acc_ref[...] += lax.dot_general(onehot, ext, (((0,), (0,)), ((), ())),
                                    preferred_element_type=jnp.float32)

    @pl.when(i == pl.num_programs(0) - 1)
    def _():
        sums = acc_ref[:, :H]
        cnt = acc_ref[:, H:H + 1]
        g = sums / jnp.maximum(cnt, 1.0)
        out_ref[...] = lax.dot_general(g, wc_ref[...], (((1,), (1,)), ((), ())),
                                       preferred_element_type=jnp.float32) \
            + bc_ref[...]


def _pool(agg, xr, b, batch2d, wc, bc2d):
    return pl.pallas_call(
        _pool_body,
        grid=(N // BN,),
        in_specs=[
            pl.BlockSpec((NC, BN, H), lambda i: (0, i, 0)),
            pl.BlockSpec((BN, H), lambda i: (i, 0)),
            pl.BlockSpec((1, H), lambda i: (0, 0)),
            pl.BlockSpec((BN, 1), lambda i: (i, 0)),
            pl.BlockSpec((C, H), lambda i: (0, 0)),
            pl.BlockSpec((1, C), lambda i: (0, 0)),
        ],
        out_specs=pl.BlockSpec((G, C), lambda i: (0, 0)),
        out_shape=jax.ShapeDtypeStruct((G, C), jnp.float32),
        scratch_shapes=[pltpu.VMEM((G, H + 1), jnp.float32)],
    )(agg, xr, b, batch2d, wc, bc2d)


def kernel(x, edge_index, batch, W1_rel, b1, W1_root, W2_rel, b2, W2_root,
           Wc, bc):
    src = edge_index[0]
    dst = edge_index[1]
    cap0, cap1 = NS * K0 * MCH, NS * K1 * MCH
    pad = cap0 + cap1 - E
    def slabs(idx, padval):
        full = jnp.concatenate([idx, jnp.full((pad,), padval, jnp.int32)])
        return (full[:cap0].reshape(NS, K0, MCH),
                full[cap0:].reshape(NS, K1, MCH))
    srcp0, srcp1 = slabs(src, 0)
    dstp0, dstp1 = slabs(dst, N)
    zeros = jnp.zeros((RPT, H), jnp.float32)

    seg = _segment_sum_sc()
    xw1, xr1 = _proj2(x, W1_rel, W1_root)
    agg1 = seg(xw1, srcp0, dstp0, srcp1, dstp1, zeros)
    h1w2, h1r2 = _layer(agg1, xr1, b1.reshape(1, H), W2_rel, W2_root)
    agg2 = seg(h1w2, srcp0, dstp0, srcp1, dstp1, zeros)
    return _pool(agg2, h1r2, b2.reshape(1, H), batch.reshape(N, 1), Wc,
                 bc.reshape(1, C))

# --- scband reference (transcript-rebuilt; emitter-appended) ---
"""Pipeline reference for scband-diff-pool-model-3083786518790 (READ-ONLY COPY).

The authoritative reference and input builder live on the scoring server;
editing this copy changes nothing except your own understanding.
"""

import jax, jax.numpy as jnp
import numpy as np

N = 10000
E = 320000
D = 128
H = 64
C = 10
G = 128


def setup_inputs(seed: int = 0) -> dict:
    key = jax.random.key(seed)
    ks = jax.random.split(key, 12)
    x = jax.random.normal(ks[0], (N, D), dtype=jnp.float32)
    edge_index = jax.random.randint(ks[1], (2, E), 0, N, dtype=jnp.int32)
    batch = jnp.sort(jax.random.randint(ks[2], (N,), 0, G, dtype=jnp.int32))
    s1 = 1.0 / np.sqrt(D)
    s2 = 1.0 / np.sqrt(H)
    W1_rel = jax.random.uniform(ks[3], (H, D), jnp.float32, -s1, s1)
    b1 = jax.random.uniform(ks[4], (H,), jnp.float32, -s1, s1)
    W1_root = jax.random.uniform(ks[5], (H, D), jnp.float32, -s1, s1)
    W2_rel = jax.random.uniform(ks[6], (H, H), jnp.float32, -s2, s2)
    b2 = jax.random.uniform(ks[7], (H,), jnp.float32, -s2, s2)
    W2_root = jax.random.uniform(ks[8], (H, H), jnp.float32, -s2, s2)
    Wc = jax.random.uniform(ks[9], (C, H), jnp.float32, -s2, s2)
    bc = jax.random.uniform(ks[10], (C,), jnp.float32, -s2, s2)
    return {"x": x, "edge_index": edge_index, "batch": batch,
            "W1_rel": W1_rel, "b1": b1, "W1_root": W1_root,
            "W2_rel": W2_rel, "b2": b2, "W2_root": W2_root,
            "Wc": Wc, "bc": bc}


def _graph_conv(x, edge_index, W_rel, b_rel, W_root):
    # PyG GraphConv (aggr='add'): out = lin_rel(sum_{j in N(i)} x_j) + lin_root(x_i)
    src = edge_index[0]
    dst = edge_index[1]
    msgs = jnp.take(x, src, axis=0)
    agg = jax.ops.segment_sum(msgs, dst, num_segments=N)
    return agg @ W_rel.T + b_rel + x @ W_root.T


def _global_mean_pool(h, batch):
    sums = jax.ops.segment_sum(h, batch, num_segments=G)
    counts = jax.ops.segment_sum(jnp.ones((h.shape[0], 1), dtype=h.dtype), batch, num_segments=G)
    return sums / jnp.maximum(counts, 1.0)


def reference(x, edge_index, batch, W1_rel, b1, W1_root, W2_rel, b2, W2_root, Wc, bc):
    h = jax.nn.relu(_graph_conv(x, edge_index, W1_rel, b1, W1_root))
    h = jax.nn.relu(_graph_conv(h, edge_index, W2_rel, b2, W2_root))
    g = _global_mean_pool(h, batch)
    return g @ Wc.T + bc

if __name__ == "__main__":
    import jax
    _d = setup_inputs()
    print(jax.jit(kernel)(*tuple(_d.values())))

</pallas_src>

<mosaic_0001>
#map = affine_map<(d0, d1) -> (0, 0)>
#map1 = affine_map<(d0, d1) -> (0, 0, 0)>
module attributes {stable_mosaic.version = 14 : i64} {
  func.func @_segment_sum_body(%arg0: i32, %arg1: i32, %arg2: memref<10000x64xf32, #tpu.memory_space<hbm>>, %arg3: memref<16x20x512xi32, #tpu.memory_space<hbm>>, %arg4: memref<16x20x512xi32, #tpu.memory_space<hbm>>, %arg5: memref<16x20x512xi32, #tpu.memory_space<hbm>>, %arg6: memref<16x20x512xi32, #tpu.memory_space<hbm>>, %arg7: memref<640x64xf32, #tpu.memory_space<hbm>>, %arg8: memref<2x10240x64xf32, #tpu.memory_space<hbm>>, %arg9: memref<20x512xi32, #tpu.memory_space<vmem>>, %arg10: memref<20x512xi32, #tpu.memory_space<vmem>>, %arg11: memref<2x512x64xf32, #tpu.memory_space<vmem>>, %arg12: memref<10240x64xf32, #tpu.memory_space<vmem_shared>>, %arg13: memref<!tpu.dma_semaphore, #tpu.memory_space<semaphore_mem>>, %arg14: memref<!tpu.dma_semaphore, #tpu.memory_space<semaphore_mem>>, %arg15: memref<!tpu.dma_semaphore, #tpu.memory_space<semaphore_mem>>, %arg16: memref<!tpu.dma_semaphore, #tpu.memory_space<semaphore_mem>>) attributes {dimension_semantics = [#tpu.dimension_semantics<core_parallel>, #tpu.dimension_semantics<subcore_parallel>], iteration_bounds = array<i64: 2, 16>, scalar_prefetch = 0 : i64, scratch_operands = 8 : i64, tpu.core_type = #tpu.core_type<sc_vector_subcore>, window_params = [{transform_indices = #map}, {transform_indices = #map1}, {transform_indices = #map1}, {transform_indices = #map1}, {transform_indices = #map1}, {transform_indices = #map}, {transform_indices = #map1}]} {
    %eq3A = arith.constant 0 : i32
    %eq3A_0 = arith.cmpi eq, %arg0, %eq3A : i32
    %convert_element_type3A = arith.extui %eq3A_0 : i1 to i32
    %cond3A = arith.constant 0 : i32
    %cond3A_1 = arith.cmpi ne, %convert_element_type3A, %cond3A : i32
    scf.if %cond3A_1 {
      "tpu.region"() ({
        %run_scoped3A = tpu.sem_alloc : memref<!tpu.dma_semaphore, #tpu.memory_space<semaphore_mem>>
        %dma_start3A_66 = arith.constant 0 : i32
        %dma_start3A_67 = arith.constant 0 : i32
        %dma_start3A_68 = tpu.memref_slice %arg9[%dma_start3A_66, %dma_start3A_67] : memref<20x512xi32, #tpu.memory_space<vmem>> -> memref<20x512xi32, #tpu.memory_space<vmem>>
        %dma_start3A_69 = arith.constant 0 : i32
        %dma_start3A_70 = arith.constant 0 : i32
        %dma_start3A_71 = tpu.memref_slice %arg3[%arg1, %dma_start3A_69, %dma_start3A_70] : memref<16x20x512xi32, #tpu.memory_space<hbm>> -> memref<1x20x512xi32, #tpu.memory_space<hbm>>
        %dma_start3A_72 = tpu.memref_squeeze %dma_start3A_71 : memref<1x20x512xi32, #tpu.memory_space<hbm>> -> memref<20x512xi32, #tpu.memory_space<hbm>>
        %dma_start3A_73 = arith.constant 0 : i32
        %dma_start3A_74 = arith.constant 0 : i32
        %dma_start3A_75 = tpu.memref_slice %arg9[%dma_start3A_73, %dma_start3A_74] : memref<20x512xi32, #tpu.memory_space<vmem>> -> memref<20x512xi32, #tpu.memory_space<vmem>>
        %dma_start3A_76 = arith.constant 0 : i32
        %dma_start3A_77 = arith.constant 0 : i32
        %dma_start3A_78 = tpu.memref_slice %arg3[%arg1, %dma_start3A_76, %dma_start3A_77] : memref<16x20x512xi32, #tpu.memory_space<hbm>> -> memref<1x20x512xi32, #tpu.memory_space<hbm>>
        %dma_start3A_79 = tpu.memref_squeeze %dma_start3A_78 : memref<1x20x512xi32, #tpu.memory_space<hbm>> -> memref<20x512xi32, #tpu.memory_space<hbm>>
        tpu.enqueue_dma source(%dma_start3A_79 : memref<20x512xi32, #tpu.memory_space<hbm>>) target(%dma_start3A_75 : memref<20x512xi32, #tpu.memory_space<vmem>>) target_semaphore(%run_scoped3A : memref<!tpu.dma_semaphore, #tpu.memory_space<semaphore_mem>>)
        %dma_wait3A = arith.constant 0 : i32
        %dma_wait3A_80 = arith.constant 0 : i32
        %dma_wait3A_81 = tpu.memref_slice %arg9[%dma_wait3A, %dma_wait3A_80] : memref<20x512xi32, #tpu.memory_space<vmem>> -> memref<20x512xi32, #tpu.memory_space<vmem>>
        %dma_wait3A_82 = arith.constant 0 : i32
        %dma_wait3A_83 = arith.constant 0 : i32
        %dma_wait3A_84 = tpu.memref_slice %arg3[%arg1, %dma_wait3A_82, %dma_wait3A_83] : memref<16x20x512xi32, #tpu.memory_space<hbm>> -> memref<1x20x512xi32, #tpu.memory_space<hbm>>
        %dma_wait3A_85 = tpu.memref_squeeze %dma_wait3A_84 : memref<1x20x512xi32, #tpu.memory_space<hbm>> -> memref<20x512xi32, #tpu.memory_space<hbm>>
        %dma_wait3A_86 = arith.constant 0 : i32
        %dma_wait3A_87 = arith.constant 0 : i32
        %dma_wait3A_88 = tpu.memref_slice %arg9[%dma_wait3A_86, %dma_wait3A_87] : memref<20x512xi32, #tpu.memory_space<vmem>> -> memref<20x512xi32, #tpu.memory_space<vmem>>
        %dma_wait3A_89 = arith.constant 0 : i32
        %dma_wait3A_90 = arith.constant 0 : i32
        %dma_wait3A_91 = tpu.memref_slice %arg3[%arg1, %dma_wait3A_89, %dma_wait3A_90] : memref<16x20x512xi32, #tpu.memory_space<hbm>> -> memref<1x20x512xi32, #tpu.memory_space<hbm>>
        %dma_wait3A_92 = tpu.memref_squeeze %dma_wait3A_91 : memref<1x20x512xi32, #tpu.memory_space<hbm>> -> memref<20x512xi32, #tpu.memory_space<hbm>>
        tpu.wait_dma2 semaphore(%run_scoped3A : memref<!tpu.dma_semaphore, #tpu.memory_space<semaphore_mem>>) src(%dma_wait3A_92 : memref<20x512xi32, #tpu.memory_space<hbm>>) dst(%dma_wait3A_88 : memref<20x512xi32, #tpu.memory_space<vmem>>)
        tpu.yield
      }) : () -> ()
      "tpu.region"() ({
        %run_scoped3A = tpu.sem_alloc : memref<!tpu.dma_semaphore, #tpu.memory_space<semaphore_mem>>
        %dma_start3A_66 = arith.constant 0 : i32
        %dma_start3A_67 = arith.constant 0 : i32
        %dma_start3A_68 = tpu.memref_slice %arg10[%dma_start3A_66, %dma_start3A_67] : memref<20x512xi32, #tpu.memory_space<vmem>> -> memref<20x512xi32, #tpu.memory_space<vmem>>
        %dma_start3A_69 = arith.constant 0 : i32
        %dma_start3A_70 = arith.constant 0 : i32
        %dma_start3A_71 = tpu.memref_slice %arg4[%arg1, %dma_start3A_69, %dma_start3A_70] : memref<16x20x512xi32, #tpu.memory_space<hbm>> -> memref<1x20x512xi32, #tpu.memory_space<hbm>>
        %dma_start3A_72 = tpu.memref_squeeze %dma_start3A_71 : memref<1x20x512xi32, #tpu.memory_space<hbm>> -> memref<20x512xi32, #tpu.memory_space<hbm>>
        %dma_start3A_73 = arith.constant 0 : i32
        %dma_start3A_74 = arith.constant 0 : i32
        %dma_start3A_75 = tpu.memref_slice %arg10[%dma_start3A_73, %dma_start3A_74] : memref<20x512xi32, #tpu.memory_space<vmem>> -> memref<20x512xi32, #tpu.memory_space<vmem>>
        %dma_start3A_76 = arith.constant 0 : i32
        %dma_start3A_77 = arith.constant 0 : i32
        %dma_start3A_78 = tpu.memref_slice %arg4[%arg1, %dma_start3A_76, %dma_start3A_77] : memref<16x20x512xi32, #tpu.memory_space<hbm>> -> memref<1x20x512xi32, #tpu.memory_space<hbm>>
        %dma_start3A_79 = tpu.memref_squeeze %dma_start3A_78 : memref<1x20x512xi32, #tpu.memory_space<hbm>> -> memref<20x512xi32, #tpu.memory_space<hbm>>
        tpu.enqueue_dma source(%dma_start3A_79 : memref<20x512xi32, #tpu.memory_space<hbm>>) target(%dma_start3A_75 : memref<20x512xi32, #tpu.memory_space<vmem>>) target_semaphore(%run_scoped3A : memref<!tpu.dma_semaphore, #tpu.memory_space<semaphore_mem>>)
        %dma_wait3A = arith.constant 0 : i32
        %dma_wait3A_80 = arith.constant 0 : i32
        %dma_wait3A_81 = tpu.memref_slice %arg10[%dma_wait3A, %dma_wait3A_80] : memref<20x512xi32, #tpu.memory_space<vmem>> -> memref<20x512xi32, #tpu.memory_space<vmem>>
        %dma_wait3A_82 = arith.constant 0 : i32
        %dma_wait3A_83 = arith.constant 0 : i32
        %dma_wait3A_84 = tpu.memref_slice %arg4[%arg1, %dma_wait3A_82, %dma_wait3A_83] : memref<16x20x512xi32, #tpu.memory_space<hbm>> -> memref<1x20x512xi32, #tpu.memory_space<hbm>>
        %dma_wait3A_85 = tpu.memref_squeeze %dma_wait3A_84 : memref<1x20x512xi32, #tpu.memory_space<hbm>> -> memref<20x512xi32, #tpu.memory_space<hbm>>
        %dma_wait3A_86 = arith.constant 0 : i32
        %dma_wait3A_87 = arith.constant 0 : i32
        %dma_wait3A_88 = tpu.memref_slice %arg10[%dma_wait3A_86, %dma_wait3A_87] : memref<20x512xi32, #tpu.memory_space<vmem>> -> memref<20x512xi32, #tpu.memory_space<vmem>>
        %dma_wait3A_89 = arith.constant 0 : i32
        %dma_wait3A_90 = arith.constant 0 : i32
        %dma_wait3A_91 = tpu.memref_slice %arg4[%arg1, %dma_wait3A_89, %dma_wait3A_90] : memref<16x20x512xi32, #tpu.memory_space<hbm>> -> memref<1x20x512xi32, #tpu.memory_space<hbm>>
        %dma_wait3A_92 = tpu.memref_squeeze %dma_wait3A_91 : memref<1x20x512xi32, #tpu.memory_space<hbm>> -> memref<20x512xi32, #tpu.memory_space<hbm>>
        tpu.wait_dma2 semaphore(%run_scoped3A : memref<!tpu.dma_semaphore, #tpu.memory_space<semaphore_mem>>) src(%dma_wait3A_92 : memref<20x512xi32, #tpu.memory_space<hbm>>) dst(%dma_wait3A_88 : memref<20x512xi32, #tpu.memory_space<vmem>>)
        tpu.yield
      }) : () -> ()
    } else {
    }
    %eq3A_2 = arith.constant 1 : i32
    %eq3A_3 = arith.cmpi eq, %arg0, %eq3A_2 : i32
    %convert_element_type3A_4 = arith.extui %eq3A_3 : i1 to i32
    %cond3A_5 = arith.constant 0 : i32
    %cond3A_6 = arith.cmpi ne, %convert_element_type3A_4, %cond3A_5 : i32
    scf.if %cond3A_6 {
      "tpu.region"() ({
        %run_scoped3A = tpu.sem_alloc : memref<!tpu.dma_semaphore, #tpu.memory_space<semaphore_mem>>
        %dma_start3A_66 = arith.constant 0 : i32
        %dma_start3A_67 = arith.constant 0 : i32
        %dma_start3A_68 = tpu.memref_slice %arg9[%dma_start3A_66, %dma_start3A_67] : memref<20x512xi32, #tpu.memory_space<vmem>> -> memref<20x512xi32, #tpu.memory_space<vmem>>
        %dma_start3A_69 = arith.constant 0 : i32
        %dma_start3A_70 = arith.constant 0 : i32
        %dma_start3A_71 = tpu.memref_slice %arg5[%arg1, %dma_start3A_69, %dma_start3A_70] : memref<16x20x512xi32, #tpu.memory_space<hbm>> -> memref<1x20x512xi32, #tpu.memory_space<hbm>>
        %dma_start3A_72 = tpu.memref_squeeze %dma_start3A_71 : memref<1x20x512xi32, #tpu.memory_space<hbm>> -> memref<20x512xi32, #tpu.memory_space<hbm>>
        %dma_start3A_73 = arith.constant 0 : i32
        %dma_start3A_74 = arith.constant 0 : i32
        %dma_start3A_75 = tpu.memref_slice %arg9[%dma_start3A_73, %dma_start3A_74] : memref<20x512xi32, #tpu.memory_space<vmem>> -> memref<20x512xi32, #tpu.memory_space<vmem>>
        %dma_start3A_76 = arith.constant 0 : i32
        %dma_start3A_77 = arith.constant 0 : i32
        %dma_start3A_78 = tpu.memref_slice %arg5[%arg1, %dma_start3A_76, %dma_start3A_77] : memref<16x20x512xi32, #tpu.memory_space<hbm>> -> memref<1x20x512xi32, #tpu.memory_space<hbm>>
        %dma_start3A_79 = tpu.memref_squeeze %dma_start3A_78 : memref<1x20x512xi32, #tpu.memory_space<hbm>> -> memref<20x512xi32, #tpu.memory_space<hbm>>
        tpu.enqueue_dma source(%dma_start3A_79 : memref<20x512xi32, #tpu.memory_space<hbm>>) target(%dma_start3A_75 : memref<20x512xi32, #tpu.memory_space<vmem>>) target_semaphore(%run_scoped3A : memref<!tpu.dma_semaphore, #tpu.memory_space<semaphore_mem>>)
        %dma_wait3A = arith.constant 0 : i32
        %dma_wait3A_80 = arith.constant 0 : i32
        %dma_wait3A_81 = tpu.memref_slice %arg9[%dma_wait3A, %dma_wait3A_80] : memref<20x512xi32, #tpu.memory_space<vmem>> -> memref<20x512xi32, #tpu.memory_space<vmem>>
        %dma_wait3A_82 = arith.constant 0 : i32
        %dma_wait3A_83 = arith.constant 0 : i32
        %dma_wait3A_84 = tpu.memref_slice %arg5[%arg1, %dma_wait3A_82, %dma_wait3A_83] : memref<16x20x512xi32, #tpu.memory_space<hbm>> -> memref<1x20x512xi32, #tpu.memory_space<hbm>>
        %dma_wait3A_85 = tpu.memref_squeeze %dma_wait3A_84 : memref<1x20x512xi32, #tpu.memory_space<hbm>> -> memref<20x512xi32, #tpu.memory_space<hbm>>
        %dma_wait3A_86 = arith.constant 0 : i32
        %dma_wait3A_87 = arith.constant 0 : i32
        %dma_wait3A_88 = tpu.memref_slice %arg9[%dma_wait3A_86, %dma_wait3A_87] : memref<20x512xi32, #tpu.memory_space<vmem>> -> memref<20x512xi32, #tpu.memory_space<vmem>>
        %dma_wait3A_89 = arith.constant 0 : i32
        %dma_wait3A_90 = arith.constant 0 : i32
        %dma_wait3A_91 = tpu.memref_slice %arg5[%arg1, %dma_wait3A_89, %dma_wait3A_90] : memref<16x20x512xi32, #tpu.memory_space<hbm>> -> memref<1x20x512xi32, #tpu.memory_space<hbm>>
        %dma_wait3A_92 = tpu.memref_squeeze %dma_wait3A_91 : memref<1x20x512xi32, #tpu.memory_space<hbm>> -> memref<20x512xi32, #tpu.memory_space<hbm>>
        tpu.wait_dma2 semaphore(%run_scoped3A : memref<!tpu.dma_semaphore, #tpu.memory_space<semaphore_mem>>) src(%dma_wait3A_92 : memref<20x512xi32, #tpu.memory_space<hbm>>) dst(%dma_wait3A_88 : memref<20x512xi32, #tpu.memory_space<vmem>>)
        tpu.yield
      }) : () -> ()
      "tpu.region"() ({
        %run_scoped3A = tpu.sem_alloc : memref<!tpu.dma_semaphore, #tpu.memory_space<semaphore_mem>>
        %dma_start3A_66 = arith.constant 0 : i32
        %dma_start3A_67 = arith.constant 0 : i32
        %dma_start3A_68 = tpu.memref_slice %arg10[%dma_start3A_66, %dma_start3A_67] : memref<20x512xi32, #tpu.memory_space<vmem>> -> memref<20x512xi32, #tpu.memory_space<vmem>>
        %dma_start3A_69 = arith.constant 0 : i32
        %dma_start3A_70 = arith.constant 0 : i32
        %dma_start3A_71 = tpu.memref_slice %arg6[%arg1, %dma_start3A_69, %dma_start3A_70] : memref<16x20x512xi32, #tpu.memory_space<hbm>> -> memref<1x20x512xi32, #tpu.memory_space<hbm>>
        %dma_start3A_72 = tpu.memref_squeeze %dma_start3A_71 : memref<1x20x512xi32, #tpu.memory_space<hbm>> -> memref<20x512xi32, #tpu.memory_space<hbm>>
        %dma_start3A_73 = arith.constant 0 : i32
        %dma_start3A_74 = arith.constant 0 : i32
        %dma_start3A_75 = tpu.memref_slice %arg10[%dma_start3A_73, %dma_start3A_74] : memref<20x512xi32, #tpu.memory_space<vmem>> -> memref<20x512xi32, #tpu.memory_space<vmem>>
        %dma_start3A_76 = arith.constant 0 : i32
        %dma_start3A_77 = arith.constant 0 : i32
        %dma_start3A_78 = tpu.memref_slice %arg6[%arg1, %dma_start3A_76, %dma_start3A_77] : memref<16x20x512xi32, #tpu.memory_space<hbm>> -> memref<1x20x512xi32, #tpu.memory_space<hbm>>
        %dma_start3A_79 = tpu.memref_squeeze %dma_start3A_78 : memref<1x20x512xi32, #tpu.memory_space<hbm>> -> memref<20x512xi32, #tpu.memory_space<hbm>>
        tpu.enqueue_dma source(%dma_start3A_79 : memref<20x512xi32, #tpu.memory_space<hbm>>) target(%dma_start3A_75 : memref<20x512xi32, #tpu.memory_space<vmem>>) target_semaphore(%run_scoped3A : memref<!tpu.dma_semaphore, #tpu.memory_space<semaphore_mem>>)
        %dma_wait3A = arith.constant 0 : i32
        %dma_wait3A_80 = arith.constant 0 : i32
        %dma_wait3A_81 = tpu.memref_slice %arg10[%dma_wait3A, %dma_wait3A_80] : memref<20x512xi32, #tpu.memory_space<vmem>> -> memref<20x512xi32, #tpu.memory_space<vmem>>
        %dma_wait3A_82 = arith.constant 0 : i32
        %dma_wait3A_83 = arith.constant 0 : i32
        %dma_wait3A_84 = tpu.memref_slice %arg6[%arg1, %dma_wait3A_82, %dma_wait3A_83] : memref<16x20x512xi32, #tpu.memory_space<hbm>> -> memref<1x20x512xi32, #tpu.memory_space<hbm>>
        %dma_wait3A_85 = tpu.memref_squeeze %dma_wait3A_84 : memref<1x20x512xi32, #tpu.memory_space<hbm>> -> memref<20x512xi32, #tpu.memory_space<hbm>>
        %dma_wait3A_86 = arith.constant 0 : i32
        %dma_wait3A_87 = arith.constant 0 : i32
        %dma_wait3A_88 = tpu.memref_slice %arg10[%dma_wait3A_86, %dma_wait3A_87] : memref<20x512xi32, #tpu.memory_space<vmem>> -> memref<20x512xi32, #tpu.memory_space<vmem>>
        %dma_wait3A_89 = arith.constant 0 : i32
        %dma_wait3A_90 = arith.constant 0 : i32
        %dma_wait3A_91 = tpu.memref_slice %arg6[%arg1, %dma_wait3A_89, %dma_wait3A_90] : memref<16x20x512xi32, #tpu.memory_space<hbm>> -> memref<1x20x512xi32, #tpu.memory_space<hbm>>
        %dma_wait3A_92 = tpu.memref_squeeze %dma_wait3A_91 : memref<1x20x512xi32, #tpu.memory_space<hbm>> -> memref<20x512xi32, #tpu.memory_space<hbm>>
        tpu.wait_dma2 semaphore(%run_scoped3A : memref<!tpu.dma_semaphore, #tpu.memory_space<semaphore_mem>>) src(%dma_wait3A_92 : memref<20x512xi32, #tpu.memory_space<hbm>>) dst(%dma_wait3A_88 : memref<20x512xi32, #tpu.memory_space<vmem>>)
        tpu.yield
      }) : () -> ()
    } else {
    }
    %mul3A = arith.constant 640 : i32
    %mul3A_7 = arith.muli %arg1, %mul3A : i32
    "tpu.region"() ({
      %run_scoped3A = tpu.sem_alloc : memref<!tpu.dma_semaphore, #tpu.memory_space<semaphore_mem>>
      %dma_start3A_66 = arith.constant 0 : i32
      %dma_start3A_67 = tpu.memref_slice %arg12[%mul3A_7, %dma_start3A_66] : memref<10240x64xf32, #tpu.memory_space<vmem_shared>> -> memref<640x64xf32, #tpu.memory_space<vmem_shared>>
      tpu.enqueue_dma source(%arg7 : memref<640x64xf32, #tpu.memory_space<hbm>>) target(%dma_start3A_67 : memref<640x64xf32, #tpu.memory_space<vmem_shared>>) target_semaphore(%run_scoped3A : memref<!tpu.dma_semaphore, #tpu.memory_space<semaphore_mem>>)
      %dma_wait3A = arith.constant 0 : i32
      %dma_wait3A_68 = tpu.memref_slice %arg12[%mul3A_7, %dma_wait3A] : memref<10240x64xf32, #tpu.memory_space<vmem_shared>> -> memref<640x64xf32, #tpu.memory_space<vmem_shared>>
      tpu.wait_dma2 semaphore(%run_scoped3A : memref<!tpu.dma_semaphore, #tpu.memory_space<semaphore_mem>>) src(%arg7 : memref<640x64xf32, #tpu.memory_space<hbm>>) dst(%dma_wait3A_68 : memref<640x64xf32, #tpu.memory_space<vmem_shared>>)
      tpu.yield
    }) : () -> ()
    %barrier3A = arith.constant 0 : index
    tpu.barrier barrier_id(%barrier3A)
    %dma_start3A = arith.constant 0 : i32
    %dma_start3A_8 = arith.constant 0 : i32
    %dma_start3A_9 = arith.constant 0 : i32
    %dma_start3A_10 = arith.constant 0 : i32
    %dma_start3A_11 = tpu.memref_slice %arg11[%dma_start3A_8, %dma_start3A_9, %dma_start3A_10] : memref<2x512x64xf32, #tpu.memory_space<vmem>> -> memref<1x512x64xf32, #tpu.memory_space<vmem>>
    %dma_start3A_12 = tpu.memref_squeeze %dma_start3A_11 : memref<1x512x64xf32, #tpu.memory_space<vmem>> -> memref<512x64xf32, #tpu.memory_space<vmem>>
    %dma_start3A_13 = arith.constant 0 : i32
    %dma_start3A_14 = tpu.memref_slice %arg9[%dma_start3A, %dma_start3A_13] : memref<20x512xi32, #tpu.memory_space<vmem>> -> memref<1x512xi32, #tpu.memory_space<vmem>>
    %dma_start3A_15 = tpu.memref_squeeze %dma_start3A_14 : memref<1x512xi32, #tpu.memory_space<vmem>> -> memref<512xi32, #tpu.memory_space<vmem>>
    %dma_start3A_16 = arith.constant 0 : i32
    %dma_start3A_17 = arith.constant 0 : i32
    %dma_start3A_18 = tpu.memref_slice %arg2[%dma_start3A_16, %dma_start3A_17] : memref<10000x64xf32, #tpu.memory_space<hbm>> -> memref<10000x64xf32, #tpu.memory_space<hbm>>
    tpu.enqueue_indirect_dma source(%dma_start3A_18 : memref<10000x64xf32, #tpu.memory_space<hbm>>) target(%dma_start3A_12 : memref<512x64xf32, #tpu.memory_space<vmem>>) offsets(%dma_start3A_15 : memref<512xi32, #tpu.memory_space<vmem>>) semaphore(%arg13 : memref<!tpu.dma_semaphore, #tpu.memory_space<semaphore_mem>>)
    %dma_start3A_19 = arith.constant 1 : i32
    %dma_start3A_20 = arith.constant 1 : i32
    %dma_start3A_21 = arith.constant 0 : i32
    %dma_start3A_22 = arith.constant 0 : i32
    %dma_start3A_23 = tpu.memref_slice %arg11[%dma_start3A_20, %dma_start3A_21, %dma_start3A_22] : memref<2x512x64xf32, #tpu.memory_space<vmem>> -> memref<1x512x64xf32, #tpu.memory_space<vmem>>
    %dma_start3A_24 = tpu.memref_squeeze %dma_start3A_23 : memref<1x512x64xf32, #tpu.memory_space<vmem>> -> memref<512x64xf32, #tpu.memory_space<vmem>>
    %dma_start3A_25 = arith.constant 0 : i32
    %dma_start3A_26 = tpu.memref_slice %arg9[%dma_start3A_19, %dma_start3A_25] : memref<20x512xi32, #tpu.memory_space<vmem>> -> memref<1x512xi32, #tpu.memory_space<vmem>>
    %dma_start3A_27 = tpu.memref_squeeze %dma_start3A_26 : memref<1x512xi32, #tpu.memory_space<vmem>> -> memref<512xi32, #tpu.memory_space<vmem>>
    %dma_start3A_28 = arith.constant 0 : i32
    %dma_start3A_29 = arith.constant 0 : i32
    %dma_start3A_30 = tpu.memref_slice %arg2[%dma_start3A_28, %dma_start3A_29] : memref<10000x64xf32, #tpu.memory_space<hbm>> -> memref<10000x64xf32, #tpu.memory_space<hbm>>
    tpu.enqueue_indirect_dma source(%dma_start3A_30 : memref<10000x64xf32, #tpu.memory_space<hbm>>) target(%dma_start3A_24 : memref<512x64xf32, #tpu.memory_space<vmem>>) offsets(%dma_start3A_27 : memref<512xi32, #tpu.memory_space<vmem>>) semaphore(%arg14 : memref<!tpu.dma_semaphore, #tpu.memory_space<semaphore_mem>>)
    %eq3A_31 = arith.constant 0 : i32
    %eq3A_32 = arith.cmpi eq, %arg0, %eq3A_31 : i32
    %jit3A = arith.constant 20 : i32
    %jit3A_33 = arith.constant 20 : i32
    %select_n3A = arith.select %eq3A_32, %jit3A, %jit3A_33 : i32
    %jit3A_34 = arith.constant 2 : i32
    %div3A = arith.divsi %select_n3A, %jit3A_34 : i32
    %sign3A = arith.constant 0 : i32
    %sign3A_35 = arith.cmpi sgt, %select_n3A, %sign3A : i32
    %sign3A_36 = arith.extui %sign3A_35 : i1 to i32
    %sign3A_37 = arith.constant 0 : i32
    %sign3A_38 = arith.cmpi slt, %select_n3A, %sign3A_37 : i32
    %sign3A_39 = arith.extui %sign3A_38 : i1 to i32
    %sign3A_40 = arith.subi %sign3A_36, %sign3A_39 : i32
    %sign3A_41 = arith.constant 0 : i32
    %sign3A_42 = arith.cmpi sgt, %jit3A_34, %sign3A_41 : i32
    %sign3A_43 = arith.extui %sign3A_42 : i1 to i32
    %sign3A_44 = arith.constant 0 : i32
    %sign3A_45 = arith.cmpi slt, %jit3A_34, %sign3A_44 : i32
    %sign3A_46 = arith.extui %sign3A_45 : i1 to i32
    %sign3A_47 = arith.subi %sign3A_43, %sign3A_46 : i32
    %ne3A = arith.cmpi ne, %sign3A_40, %sign3A_47 : i32
    %rem3A = arith.remsi %select_n3A, %jit3A_34 : i32
    %ne3A_48 = arith.constant 0 : i32
    %ne3A_49 = arith.cmpi ne, %rem3A, %ne3A_48 : i32
    %and3A = arith.andi %ne3A, %ne3A_49 : i1
    %sub3A = arith.constant 1 : i32
    %sub3A_50 = arith.subi %div3A, %sub3A : i32
    %select_n3A_51 = arith.select %and3A, %sub3A_50, %div3A : i32
    %while3A = arith.constant 0 : i32
    %while3A_52 = arith.constant 0 : i32
    %while3A_53 = arith.subi %select_n3A_51, %while3A_52 : i32
    %while3A_54 = arith.addi %while3A_52, %while3A_53 : i32
    %while3A_55 = arith.constant 1 : i32
    %while3A_56 = arith.divsi %while3A_53, %while3A_55 : i32
    %while3A_57 = arith.muli %while3A_56, %while3A_55 : i32
    %while3A_58 = arith.addi %while3A_52, %while3A_57 : i32
    %while3A_59 = arith.constant 1 : i32
    scf.for %while3A_66 = %while3A_52 to %while3A_58 step %while3A_59  : i32 {
      %mul3A_67 = arith.constant 2 : i32
      %mul3A_68 = arith.muli %while3A_66, %mul3A_67 : i32
      %dma_wait3A = arith.constant 0 : i32
      %dma_wait3A_69 = arith.constant 0 : i32
      %dma_wait3A_70 = arith.constant 0 : i32
      %dma_wait3A_71 = tpu.memref_slice %arg11[%dma_wait3A, %dma_wait3A_69, %dma_wait3A_70] : memref<2x512x64xf32, #tpu.memory_space<vmem>> -> memref<1x512x64xf32, #tpu.memory_space<vmem>>
      %dma_wait3A_72 = tpu.memref_squeeze %dma_wait3A_71 : memref<1x512x64xf32, #tpu.memory_space<vmem>> -> memref<512x64xf32, #tpu.memory_space<vmem>>
      %dma_wait3A_73 = arith.constant 0 : i32
      %dma_wait3A_74 = tpu.memref_slice %arg9[%mul3A_68, %dma_wait3A_73] : memref<20x512xi32, #tpu.memory_space<vmem>> -> memref<1x512xi32, #tpu.memory_space<vmem>>
      %dma_wait3A_75 = tpu.memref_squeeze %dma_wait3A_74 : memref<1x512xi32, #tpu.memory_space<vmem>> -> memref<512xi32, #tpu.memory_space<vmem>>
      %dma_wait3A_76 = arith.constant 0 : i32
      %dma_wait3A_77 = arith.constant 0 : i32
      %dma_wait3A_78 = tpu.memref_slice %arg2[%dma_wait3A_76, %dma_wait3A_77] : memref<10000x64xf32, #tpu.memory_space<hbm>> -> memref<10000x64xf32, #tpu.memory_space<hbm>>
      tpu.wait_indirect_dma semaphore(%arg13 : memref<!tpu.dma_semaphore, #tpu.memory_space<semaphore_mem>>) src(%dma_wait3A_78 : memref<10000x64xf32, #tpu.memory_space<hbm>>) dst(%dma_wait3A_72 : memref<512x64xf32, #tpu.memory_space<vmem>>)
      %dma_start3A_79 = arith.constant 0 : i32
      %dma_start3A_80 = arith.constant 0 : i32
      %dma_start3A_81 = arith.constant 0 : i32
      %dma_start3A_82 = tpu.memref_slice %arg11[%dma_start3A_79, %dma_start3A_80, %dma_start3A_81] : memref<2x512x64xf32, #tpu.memory_space<vmem>> -> memref<1x512x64xf32, #tpu.memory_space<vmem>>
      %dma_start3A_83 = tpu.memref_squeeze %dma_start3A_82 : memref<1x512x64xf32, #tpu.memory_space<vmem>> -> memref<512x64xf32, #tpu.memory_space<vmem>>
      %dma_start3A_84 = arith.constant 0 : i32
      %dma_start3A_85 = tpu.memref_slice %arg10[%mul3A_68, %dma_start3A_84] : memref<20x512xi32, #tpu.memory_space<vmem>> -> memref<1x512xi32, #tpu.memory_space<vmem>>
      %dma_start3A_86 = tpu.memref_squeeze %dma_start3A_85 : memref<1x512xi32, #tpu.memory_space<vmem>> -> memref<512xi32, #tpu.memory_space<vmem>>
      %dma_start3A_87 = arith.constant 0 : i32
      %dma_start3A_88 = arith.constant 0 : i32
      %dma_start3A_89 = tpu.memref_slice %arg12[%dma_start3A_87, %dma_start3A_88] : memref<10240x64xf32, #tpu.memory_space<vmem_shared>> -> memref<10240x64xf32, #tpu.memory_space<vmem_shared>>
      tpu.enqueue_indirect_dma source(%dma_start3A_83 : memref<512x64xf32, #tpu.memory_space<vmem>>) target(%dma_start3A_89 : memref<10240x64xf32, #tpu.memory_space<vmem_shared>>) offsets(%dma_start3A_86 : memref<512xi32, #tpu.memory_space<vmem>>) semaphore(%arg15 : memref<!tpu.dma_semaphore, #tpu.memory_space<semaphore_mem>>) {add = true}
      %add3A = arith.constant 1 : i32
      %add3A_90 = arith.addi %mul3A_68, %add3A : i32
      %dma_wait3A_91 = arith.constant 1 : i32
      %dma_wait3A_92 = arith.constant 0 : i32
      %dma_wait3A_93 = arith.constant 0 : i32
      %dma_wait3A_94 = tpu.memref_slice %arg11[%dma_wait3A_91, %dma_wait3A_92, %dma_wait3A_93] : memref<2x512x64xf32, #tpu.memory_space<vmem>> -> memref<1x512x64xf32, #tpu.memory_space<vmem>>
      %dma_wait3A_95 = tpu.memref_squeeze %dma_wait3A_94 : memref<1x512x64xf32, #tpu.memory_space<vmem>> -> memref<512x64xf32, #tpu.memory_space<vmem>>
      %dma_wait3A_96 = arith.constant 0 : i32
      %dma_wait3A_97 = tpu.memref_slice %arg9[%add3A_90, %dma_wait3A_96] : memref<20x512xi32, #tpu.memory_space<vmem>> -> memref<1x512xi32, #tpu.memory_space<vmem>>
      %dma_wait3A_98 = tpu.memref_squeeze %dma_wait3A_97 : memref<1x512xi32, #tpu.memory_space<vmem>> -> memref<512xi32, #tpu.memory_space<vmem>>
      %dma_wait3A_99 = arith.constant 0 : i32
      %dma_wait3A_100 = arith.constant 0 : i32
      %dma_wait3A_101 = tpu.memref_slice %arg2[%dma_wait3A_99, %dma_wait3A_100] : memref<10000x64xf32, #tpu.memory_space<hbm>> -> memref<10000x64xf32, #tpu.memory_space<hbm>>
      tpu.wait_indirect_dma semaphore(%arg14 : memref<!tpu.dma_semaphore, #tpu.memory_space<semaphore_mem>>) src(%dma_wait3A_101 : memref<10000x64xf32, #tpu.memory_space<hbm>>) dst(%dma_wait3A_95 : memref<512x64xf32, #tpu.memory_space<vmem>>)
      %add3A_102 = arith.constant 1 : i32
      %add3A_103 = arith.addi %mul3A_68, %add3A_102 : i32
      %dma_start3A_104 = arith.constant 1 : i32
      %dma_start3A_105 = arith.constant 0 : i32
      %dma_start3A_106 = arith.constant 0 : i32
      %dma_start3A_107 = tpu.memref_slice %arg11[%dma_start3A_104, %dma_start3A_105, %dma_start3A_106] : memref<2x512x64xf32, #tpu.memory_space<vmem>> -> memref<1x512x64xf32, #tpu.memory_space<vmem>>
      %dma_start3A_108 = tpu.memref_squeeze %dma_start3A_107 : memref<1x512x64xf32, #tpu.memory_space<vmem>> -> memref<512x64xf32, #tpu.memory_space<vmem>>
      %dma_start3A_109 = arith.constant 0 : i32
      %dma_start3A_110 = tpu.memref_slice %arg10[%add3A_103, %dma_start3A_109] : memref<20x512xi32, #tpu.memory_space<vmem>> -> memref<1x512xi32, #tpu.memory_space<vmem>>
      %dma_start3A_111 = tpu.memref_squeeze %dma_start3A_110 : memref<1x512xi32, #tpu.memory_space<vmem>> -> memref<512xi32, #tpu.memory_space<vmem>>
      %dma_start3A_112 = arith.constant 0 : i32
      %dma_start3A_113 = arith.constant 0 : i32
      %dma_start3A_114 = tpu.memref_slice %arg12[%dma_start3A_112, %dma_start3A_113] : memref<10240x64xf32, #tpu.memory_space<vmem_shared>> -> memref<10240x64xf32, #tpu.memory_space<vmem_shared>>
      tpu.enqueue_indirect_dma source(%dma_start3A_108 : memref<512x64xf32, #tpu.memory_space<vmem>>) target(%dma_start3A_114 : memref<10240x64xf32, #tpu.memory_space<vmem_shared>>) offsets(%dma_start3A_111 : memref<512xi32, #tpu.memory_space<vmem>>) semaphore(%arg16 : memref<!tpu.dma_semaphore, #tpu.memory_space<semaphore_mem>>) {add = true}
      %dma_wait3A_115 = arith.constant 0 : i32
      %dma_wait3A_116 = arith.constant 0 : i32
      %dma_wait3A_117 = arith.constant 0 : i32
      %dma_wait3A_118 = tpu.memref_slice %arg11[%dma_wait3A_115, %dma_wait3A_116, %dma_wait3A_117] : memref<2x512x64xf32, #tpu.memory_space<vmem>> -> memref<1x512x64xf32, #tpu.memory_space<vmem>>
      %dma_wait3A_119 = tpu.memref_squeeze %dma_wait3A_118 : memref<1x512x64xf32, #tpu.memory_space<vmem>> -> memref<512x64xf32, #tpu.memory_space<vmem>>
      %dma_wait3A_120 = arith.constant 0 : i32
      %dma_wait3A_121 = tpu.memref_slice %arg10[%mul3A_68, %dma_wait3A_120] : memref<20x512xi32, #tpu.memory_space<vmem>> -> memref<1x512xi32, #tpu.memory_space<vmem>>
      %dma_wait3A_122 = tpu.memref_squeeze %dma_wait3A_121 : memref<1x512xi32, #tpu.memory_space<vmem>> -> memref<512xi32, #tpu.memory_space<vmem>>
      %dma_wait3A_123 = arith.constant 0 : i32
      %dma_wait3A_124 = arith.constant 0 : i32
      %dma_wait3A_125 = tpu.memref_slice %arg12[%dma_wait3A_123, %dma_wait3A_124] : memref<10240x64xf32, #tpu.memory_space<vmem_shared>> -> memref<10240x64xf32, #tpu.memory_space<vmem_shared>>
      tpu.wait_indirect_dma semaphore(%arg15 : memref<!tpu.dma_semaphore, #tpu.memory_space<semaphore_mem>>) src(%dma_wait3A_119 : memref<512x64xf32, #tpu.memory_space<vmem>>) dst(%dma_wait3A_125 : memref<10240x64xf32, #tpu.memory_space<vmem_shared>>)
      %add3A_126 = arith.constant 2 : i32
      %add3A_127 = arith.addi %mul3A_68, %add3A_126 : i32
      %lt3A = arith.cmpi slt, %add3A_127, %select_n3A : i32
      %convert_element_type3A_128 = arith.extui %lt3A : i1 to i32
      %cond3A_129 = arith.constant 0 : i32
      %cond3A_130 = arith.cmpi ne, %convert_element_type3A_128, %cond3A_129 : i32
      scf.if %cond3A_130 {
        %add3A_150 = arith.constant 2 : i32
        %add3A_151 = arith.addi %mul3A_68, %add3A_150 : i32
        %dma_start3A_152 = arith.constant 0 : i32
        %dma_start3A_153 = arith.constant 0 : i32
        %dma_start3A_154 = arith.constant 0 : i32
        %dma_start3A_155 = tpu.memref_slice %arg11[%dma_start3A_152, %dma_start3A_153, %dma_start3A_154] : memref<2x512x64xf32, #tpu.memory_space<vmem>> -> memref<1x512x64xf32, #tpu.memory_space<vmem>>
        %dma_start3A_156 = tpu.memref_squeeze %dma_start3A_155 : memref<1x512x64xf32, #tpu.memory_space<vmem>> -> memref<512x64xf32, #tpu.memory_space<vmem>>
        %dma_start3A_157 = arith.constant 0 : i32
        %dma_start3A_158 = tpu.memref_slice %arg9[%add3A_151, %dma_start3A_157] : memref<20x512xi32, #tpu.memory_space<vmem>> -> memref<1x512xi32, #tpu.memory_space<vmem>>
        %dma_start3A_159 = tpu.memref_squeeze %dma_start3A_158 : memref<1x512xi32, #tpu.memory_space<vmem>> -> memref<512xi32, #tpu.memory_space<vmem>>
        %dma_start3A_160 = arith.constant 0 : i32
        %dma_start3A_161 = arith.constant 0 : i32
        %dma_start3A_162 = tpu.memref_slice %arg2[%dma_start3A_160, %dma_start3A_161] : memref<10000x64xf32, #tpu.memory_space<hbm>> -> memref<10000x64xf32, #tpu.memory_space<hbm>>
        tpu.enqueue_indirect_dma source(%dma_start3A_162 : memref<10000x64xf32, #tpu.memory_space<hbm>>) target(%dma_start3A_156 : memref<512x64xf32, #tpu.memory_space<vmem>>) offsets(%dma_start3A_159 : memref<512xi32, #tpu.memory_space<vmem>>) semaphore(%arg13 : memref<!tpu.dma_semaphore, #tpu.memory_space<semaphore_mem>>)
      } else {
      }
      %add3A_131 = arith.constant 1 : i32
      %add3A_132 = arith.addi %mul3A_68, %add3A_131 : i32
      %dma_wait3A_133 = arith.constant 1 : i32
      %dma_wait3A_134 = arith.constant 0 : i32
      %dma_wait3A_135 = arith.constant 0 : i32
      %dma_wait3A_136 = tpu.memref_slice %arg11[%dma_wait3A_133, %dma_wait3A_134, %dma_wait3A_135] : memref<2x512x64xf32, #tpu.memory_space<vmem>> -> memref<1x512x64xf32, #tpu.memory_space<vmem>>
      %dma_wait3A_137 = tpu.memref_squeeze %dma_wait3A_136 : memref<1x512x64xf32, #tpu.memory_space<vmem>> -> memref<512x64xf32, #tpu.memory_space<vmem>>
      %dma_wait3A_138 = arith.constant 0 : i32
      %dma_wait3A_139 = tpu.memref_slice %arg10[%add3A_132, %dma_wait3A_138] : memref<20x512xi32, #tpu.memory_space<vmem>> -> memref<1x512xi32, #tpu.memory_space<vmem>>
      %dma_wait3A_140 = tpu.memref_squeeze %dma_wait3A_139 : memref<1x512xi32, #tpu.memory_space<vmem>> -> memref<512xi32, #tpu.memory_space<vmem>>
      %dma_wait3A_141 = arith.constant 0 : i32
      %dma_wait3A_142 = arith.constant 0 : i32
      %dma_wait3A_143 = tpu.memref_slice %arg12[%dma_wait3A_141, %dma_wait3A_142] : memref<10240x64xf32, #tpu.memory_space<vmem_shared>> -> memref<10240x64xf32, #tpu.memory_space<vmem_shared>>
      tpu.wait_indirect_dma semaphore(%arg16 : memref<!tpu.dma_semaphore, #tpu.memory_space<semaphore_mem>>) src(%dma_wait3A_137 : memref<512x64xf32, #tpu.memory_space<vmem>>) dst(%dma_wait3A_143 : memref<10240x64xf32, #tpu.memory_space<vmem_shared>>)
      %add3A_144 = arith.constant 3 : i32
      %add3A_145 = arith.addi %mul3A_68, %add3A_144 : i32
      %lt3A_146 = arith.cmpi slt, %add3A_145, %select_n3A : i32
      %convert_element_type3A_147 = arith.extui %lt3A_146 : i1 to i32
      %cond3A_148 = arith.constant 0 : i32
      %cond3A_149 = arith.cmpi ne, %convert_element_type3A_147, %cond3A_148 : i32
      scf.if %cond3A_149 {
        %add3A_150 = arith.constant 3 : i32
        %add3A_151 = arith.addi %mul3A_68, %add3A_150 : i32
        %dma_start3A_152 = arith.constant 1 : i32
        %dma_start3A_153 = arith.constant 0 : i32
        %dma_start3A_154 = arith.constant 0 : i32
        %dma_start3A_155 = tpu.memref_slice %arg11[%dma_start3A_152, %dma_start3A_153, %dma_start3A_154] : memref<2x512x64xf32, #tpu.memory_space<vmem>> -> memref<1x512x64xf32, #tpu.memory_space<vmem>>
        %dma_start3A_156 = tpu.memref_squeeze %dma_start3A_155 : memref<1x512x64xf32, #tpu.memory_space<vmem>> -> memref<512x64xf32, #tpu.memory_space<vmem>>
        %dma_start3A_157 = arith.constant 0 : i32
        %dma_start3A_158 = tpu.memref_slice %arg9[%add3A_151, %dma_start3A_157] : memref<20x512xi32, #tpu.memory_space<vmem>> -> memref<1x512xi32, #tpu.memory_space<vmem>>
        %dma_start3A_159 = tpu.memref_squeeze %dma_start3A_158 : memref<1x512xi32, #tpu.memory_space<vmem>> -> memref<512xi32, #tpu.memory_space<vmem>>
        %dma_start3A_160 = arith.constant 0 : i32
        %dma_start3A_161 = arith.constant 0 : i32
        %dma_start3A_162 = tpu.memref_slice %arg2[%dma_start3A_160, %dma_start3A_161] : memref<10000x64xf32, #tpu.memory_space<hbm>> -> memref<10000x64xf32, #tpu.memory_space<hbm>>
        tpu.enqueue_indirect_dma source(%dma_start3A_162 : memref<10000x64xf32, #tpu.memory_space<hbm>>) target(%dma_start3A_156 : memref<512x64xf32, #tpu.memory_space<vmem>>) offsets(%dma_start3A_159 : memref<512xi32, #tpu.memory_space<vmem>>) semaphore(%arg14 : memref<!tpu.dma_semaphore, #tpu.memory_space<semaphore_mem>>)
      } else {
      }
    }
    %while3A_60 = arith.constant 1 : i32
    scf.for %while3A_66 = %while3A_58 to %while3A_54 step %while3A_60  : i32 {
      %mul3A_67 = arith.constant 2 : i32
      %mul3A_68 = arith.muli %while3A_66, %mul3A_67 : i32
      %dma_wait3A = arith.constant 0 : i32
      %dma_wait3A_69 = arith.constant 0 : i32
      %dma_wait3A_70 = arith.constant 0 : i32
      %dma_wait3A_71 = tpu.memref_slice %arg11[%dma_wait3A, %dma_wait3A_69, %dma_wait3A_70] : memref<2x512x64xf32, #tpu.memory_space<vmem>> -> memref<1x512x64xf32, #tpu.memory_space<vmem>>
      %dma_wait3A_72 = tpu.memref_squeeze %dma_wait3A_71 : memref<1x512x64xf32, #tpu.memory_space<vmem>> -> memref<512x64xf32, #tpu.memory_space<vmem>>
      %dma_wait3A_73 = arith.constant 0 : i32
      %dma_wait3A_74 = tpu.memref_slice %arg9[%mul3A_68, %dma_wait3A_73] : memref<20x512xi32, #tpu.memory_space<vmem>> -> memref<1x512xi32, #tpu.memory_space<vmem>>
      %dma_wait3A_75 = tpu.memref_squeeze %dma_wait3A_74 : memref<1x512xi32, #tpu.memory_space<vmem>> -> memref<512xi32, #tpu.memory_space<vmem>>
      %dma_wait3A_76 = arith.constant 0 : i32
      %dma_wait3A_77 = arith.constant 0 : i32
      %dma_wait3A_78 = tpu.memref_slice %arg2[%dma_wait3A_76, %dma_wait3A_77] : memref<10000x64xf32, #tpu.memory_space<hbm>> -> memref<10000x64xf32, #tpu.memory_space<hbm>>
      tpu.wait_indirect_dma semaphore(%arg13 : memref<!tpu.dma_semaphore, #tpu.memory_space<semaphore_mem>>) src(%dma_wait3A_78 : memref<10000x64xf32, #tpu.memory_space<hbm>>) dst(%dma_wait3A_72 : memref<512x64xf32, #tpu.memory_space<vmem>>)
      %dma_start3A_79 = arith.constant 0 : i32
      %dma_start3A_80 = arith.constant 0 : i32
      %dma_start3A_81 = arith.constant 0 : i32
      %dma_start3A_82 = tpu.memref_slice %arg11[%dma_start3A_79, %dma_start3A_80, %dma_start3A_81] : memref<2x512x64xf32, #tpu.memory_space<vmem>> -> memref<1x512x64xf32, #tpu.memory_space<vmem>>
      %dma_start3A_83 = tpu.memref_squeeze %dma_start3A_82 : memref<1x512x64xf32, #tpu.memory_space<vmem>> -> memref<512x64xf32, #tpu.memory_space<vmem>>
      %dma_start3A_84 = arith.constant 0 : i32
      %dma_start3A_85 = tpu.memref_slice %arg10[%mul3A_68, %dma_start3A_84] : memref<20x512xi32, #tpu.memory_space<vmem>> -> memref<1x512xi32, #tpu.memory_space<vmem>>
      %dma_start3A_86 = tpu.memref_squeeze %dma_start3A_85 : memref<1x512xi32, #tpu.memory_space<vmem>> -> memref<512xi32, #tpu.memory_space<vmem>>
      %dma_start3A_87 = arith.constant 0 : i32
      %dma_start3A_88 = arith.constant 0 : i32
      %dma_start3A_89 = tpu.memref_slice %arg12[%dma_start3A_87, %dma_start3A_88] : memref<10240x64xf32, #tpu.memory_space<vmem_shared>> -> memref<10240x64xf32, #tpu.memory_space<vmem_shared>>
      tpu.enqueue_indirect_dma source(%dma_start3A_83 : memref<512x64xf32, #tpu.memory_space<vmem>>) target(%dma_start3A_89 : memref<10240x64xf32, #tpu.memory_space<vmem_shared>>) offsets(%dma_start3A_86 : memref<512xi32, #tpu.memory_space<vmem>>) semaphore(%arg15 : memref<!tpu.dma_semaphore, #tpu.memory_space<semaphore_mem>>) {add = true}
      %add3A = arith.constant 1 : i32
      %add3A_90 = arith.addi %mul3A_68, %add3A : i32
      %dma_wait3A_91 = arith.constant 1 : i32
      %dma_wait3A_92 = arith.constant 0 : i32
      %dma_wait3A_93 = arith.constant 0 : i32
      %dma_wait3A_94 = tpu.memref_slice %arg11[%dma_wait3A_91, %dma_wait3A_92, %dma_wait3A_93] : memref<2x512x64xf32, #tpu.memory_space<vmem>> -> memref<1x512x64xf32, #tpu.memory_space<vmem>>
      %dma_wait3A_95 = tpu.memref_squeeze %dma_wait3A_94 : memref<1x512x64xf32, #tpu.memory_space<vmem>> -> memref<512x64xf32, #tpu.memory_space<vmem>>
      %dma_wait3A_96 = arith.constant 0 : i32
      %dma_wait3A_97 = tpu.memref_slice %arg9[%add3A_90, %dma_wait3A_96] : memref<20x512xi32, #tpu.memory_space<vmem>> -> memref<1x512xi32, #tpu.memory_space<vmem>>
      %dma_wait3A_98 = tpu.memref_squeeze %dma_wait3A_97 : memref<1x512xi32, #tpu.memory_space<vmem>> -> memref<512xi32, #tpu.memory_space<vmem>>
      %dma_wait3A_99 = arith.constant 0 : i32
      %dma_wait3A_100 = arith.constant 0 : i32
      %dma_wait3A_101 = tpu.memref_slice %arg2[%dma_wait3A_99, %dma_wait3A_100] : memref<10000x64xf32, #tpu.memory_space<hbm>> -> memref<10000x64xf32, #tpu.memory_space<hbm>>
      tpu.wait_indirect_dma semaphore(%arg14 : memref<!tpu.dma_semaphore, #tpu.memory_space<semaphore_mem>>) src(%dma_wait3A_101 : memref<10000x64xf32, #tpu.memory_space<hbm>>) dst(%dma_wait3A_95 : memref<512x64xf32, #tpu.memory_space<vmem>>)
      %add3A_102 = arith.constant 1 : i32
      %add3A_103 = arith.addi %mul3A_68, %add3A_102 : i32
      %dma_start3A_104 = arith.constant 1 : i32
      %dma_start3A_105 = arith.constant 0 : i32
      %dma_start3A_106 = arith.constant 0 : i32
      %dma_start3A_107 = tpu.memref_slice %arg11[%dma_start3A_104, %dma_start3A_105, %dma_start3A_106] : memref<2x512x64xf32, #tpu.memory_space<vmem>> -> memref<1x512x64xf32, #tpu.memory_space<vmem>>
      %dma_start3A_108 = tpu.memref_squeeze %dma_start3A_107 : memref<1x512x64xf32, #tpu.memory_space<vmem>> -> memref<512x64xf32, #tpu.memory_space<vmem>>
      %dma_start3A_109 = arith.constant 0 : i32
      %dma_start3A_110 = tpu.memref_slice %arg10[%add3A_103, %dma_start3A_109] : memref<20x512xi32, #tpu.memory_space<vmem>> -> memref<1x512xi32, #tpu.memory_space<vmem>>
      %dma_start3A_111 = tpu.memref_squeeze %dma_start3A_110 : memref<1x512xi32, #tpu.memory_space<vmem>> -> memref<512xi32, #tpu.memory_space<vmem>>
      %dma_start3A_112 = arith.constant 0 : i32
      %dma_start3A_113 = arith.constant 0 : i32
      %dma_start3A_114 = tpu.memref_slice %arg12[%dma_start3A_112, %dma_start3A_113] : memref<10240x64xf32, #tpu.memory_space<vmem_shared>> -> memref<10240x64xf32, #tpu.memory_space<vmem_shared>>
      tpu.enqueue_indirect_dma source(%dma_start3A_108 : memref<512x64xf32, #tpu.memory_space<vmem>>) target(%dma_start3A_114 : memref<10240x64xf32, #tpu.memory_space<vmem_shared>>) offsets(%dma_start3A_111 : memref<512xi32, #tpu.memory_space<vmem>>) semaphore(%arg16 : memref<!tpu.dma_semaphore, #tpu.memory_space<semaphore_mem>>) {add = true}
      %dma_wait3A_115 = arith.constant 0 : i32
      %dma_wait3A_116 = arith.constant 0 : i32
      %dma_wait3A_117 = arith.constant 0 : i32
      %dma_wait3A_118 = tpu.memref_slice %arg11[%dma_wait3A_115, %dma_wait3A_116, %dma_wait3A_117] : memref<2x512x64xf32, #tpu.memory_space<vmem>> -> memref<1x512x64xf32, #tpu.memory_space<vmem>>
      %dma_wait3A_119 = tpu.memref_squeeze %dma_wait3A_118 : memref<1x512x64xf32, #tpu.memory_space<vmem>> -> memref<512x64xf32, #tpu.memory_space<vmem>>
      %dma_wait3A_120 = arith.constant 0 : i32
      %dma_wait3A_121 = tpu.memref_slice %arg10[%mul3A_68, %dma_wait3A_120] : memref<20x512xi32, #tpu.memory_space<vmem>> -> memref<1x512xi32, #tpu.memory_space<vmem>>
      %dma_wait3A_122 = tpu.memref_squeeze %dma_wait3A_121 : memref<1x512xi32, #tpu.memory_space<vmem>> -> memref<512xi32, #tpu.memory_space<vmem>>
      %dma_wait3A_123 = arith.constant 0 : i32
      %dma_wait3A_124 = arith.constant 0 : i32
      %dma_wait3A_125 = tpu.memref_slice %arg12[%dma_wait3A_123, %dma_wait3A_124] : memref<10240x64xf32, #tpu.memory_space<vmem_shared>> -> memref<10240x64xf32, #tpu.memory_space<vmem_shared>>
      tpu.wait_indirect_dma semaphore(%arg15 : memref<!tpu.dma_semaphore, #tpu.memory_space<semaphore_mem>>) src(%dma_wait3A_119 : memref<512x64xf32, #tpu.memory_space<vmem>>) dst(%dma_wait3A_125 : memref<10240x64xf32, #tpu.memory_space<vmem_shared>>)
      %add3A_126 = arith.constant 2 : i32
      %add3A_127 = arith.addi %mul3A_68, %add3A_126 : i32
      %lt3A = arith.cmpi slt, %add3A_127, %select_n3A : i32
      %convert_element_type3A_128 = arith.extui %lt3A : i1 to i32
      %cond3A_129 = arith.constant 0 : i32
      %cond3A_130 = arith.cmpi ne, %convert_element_type3A_128, %cond3A_129 : i32
      scf.if %cond3A_130 {
        %add3A_150 = arith.constant 2 : i32
        %add3A_151 = arith.addi %mul3A_68, %add3A_150 : i32
        %dma_start3A_152 = arith.constant 0 : i32
        %dma_start3A_153 = arith.constant 0 : i32
        %dma_start3A_154 = arith.constant 0 : i32
        %dma_start3A_155 = tpu.memref_slice %arg11[%dma_start3A_152, %dma_start3A_153, %dma_start3A_154] : memref<2x512x64xf32, #tpu.memory_space<vmem>> -> memref<1x512x64xf32, #tpu.memory_space<vmem>>
        %dma_start3A_156 = tpu.memref_squeeze %dma_start3A_155 : memref<1x512x64xf32, #tpu.memory_space<vmem>> -> memref<512x64xf32, #tpu.memory_space<vmem>>
        %dma_start3A_157 = arith.constant 0 : i32
        %dma_start3A_158 = tpu.memref_slice %arg9[%add3A_151, %dma_start3A_157] : memref<20x512xi32, #tpu.memory_space<vmem>> -> memref<1x512xi32, #tpu.memory_space<vmem>>
        %dma_start3A_159 = tpu.memref_squeeze %dma_start3A_158 : memref<1x512xi32, #tpu.memory_space<vmem>> -> memref<512xi32, #tpu.memory_space<vmem>>
        %dma_start3A_160 = arith.constant 0 : i32
        %dma_start3A_161 = arith.constant 0 : i32
        %dma_start3A_162 = tpu.memref_slice %arg2[%dma_start3A_160, %dma_start3A_161] : memref<10000x64xf32, #tpu.memory_space<hbm>> -> memref<10000x64xf32, #tpu.memory_space<hbm>>
        tpu.enqueue_indirect_dma source(%dma_start3A_162 : memref<10000x64xf32, #tpu.memory_space<hbm>>) target(%dma_start3A_156 : memref<512x64xf32, #tpu.memory_space<vmem>>) offsets(%dma_start3A_159 : memref<512xi32, #tpu.memory_space<vmem>>) semaphore(%arg13 : memref<!tpu.dma_semaphore, #tpu.memory_space<semaphore_mem>>)
      } else {
      }
      %add3A_131 = arith.constant 1 : i32
      %add3A_132 = arith.addi %mul3A_68, %add3A_131 : i32
      %dma_wait3A_133 = arith.constant 1 : i32
      %dma_wait3A_134 = arith.constant 0 : i32
      %dma_wait3A_135 = arith.constant 0 : i32
      %dma_wait3A_136 = tpu.memref_slice %arg11[%dma_wait3A_133, %dma_wait3A_134, %dma_wait3A_135] : memref<2x512x64xf32, #tpu.memory_space<vmem>> -> memref<1x512x64xf32, #tpu.memory_space<vmem>>
      %dma_wait3A_137 = tpu.memref_squeeze %dma_wait3A_136 : memref<1x512x64xf32, #tpu.memory_space<vmem>> -> memref<512x64xf32, #tpu.memory_space<vmem>>
      %dma_wait3A_138 = arith.constant 0 : i32
      %dma_wait3A_139 = tpu.memref_slice %arg10[%add3A_132, %dma_wait3A_138] : memref<20x512xi32, #tpu.memory_space<vmem>> -> memref<1x512xi32, #tpu.memory_space<vmem>>
      %dma_wait3A_140 = tpu.memref_squeeze %dma_wait3A_139 : memref<1x512xi32, #tpu.memory_space<vmem>> -> memref<512xi32, #tpu.memory_space<vmem>>
      %dma_wait3A_141 = arith.constant 0 : i32
      %dma_wait3A_142 = arith.constant 0 : i32
      %dma_wait3A_143 = tpu.memref_slice %arg12[%dma_wait3A_141, %dma_wait3A_142] : memref<10240x64xf32, #tpu.memory_space<vmem_shared>> -> memref<10240x64xf32, #tpu.memory_space<vmem_shared>>
      tpu.wait_indirect_dma semaphore(%arg16 : memref<!tpu.dma_semaphore, #tpu.memory_space<semaphore_mem>>) src(%dma_wait3A_137 : memref<512x64xf32, #tpu.memory_space<vmem>>) dst(%dma_wait3A_143 : memref<10240x64xf32, #tpu.memory_space<vmem_shared>>)
      %add3A_144 = arith.constant 3 : i32
      %add3A_145 = arith.addi %mul3A_68, %add3A_144 : i32
      %lt3A_146 = arith.cmpi slt, %add3A_145, %select_n3A : i32
      %convert_element_type3A_147 = arith.extui %lt3A_146 : i1 to i32
      %cond3A_148 = arith.constant 0 : i32
      %cond3A_149 = arith.cmpi ne, %convert_element_type3A_147, %cond3A_148 : i32
      scf.if %cond3A_149 {
        %add3A_150 = arith.constant 3 : i32
        %add3A_151 = arith.addi %mul3A_68, %add3A_150 : i32
        %dma_start3A_152 = arith.constant 1 : i32
        %dma_start3A_153 = arith.constant 0 : i32
        %dma_start3A_154 = arith.constant 0 : i32
        %dma_start3A_155 = tpu.memref_slice %arg11[%dma_start3A_152, %dma_start3A_153, %dma_start3A_154] : memref<2x512x64xf32, #tpu.memory_space<vmem>> -> memref<1x512x64xf32, #tpu.memory_space<vmem>>
        %dma_start3A_156 = tpu.memref_squeeze %dma_start3A_155 : memref<1x512x64xf32, #tpu.memory_space<vmem>> -> memref<512x64xf32, #tpu.memory_space<vmem>>
        %dma_start3A_157 = arith.constant 0 : i32
        %dma_start3A_158 = tpu.memref_slice %arg9[%add3A_151, %dma_start3A_157] : memref<20x512xi32, #tpu.memory_space<vmem>> -> memref<1x512xi32, #tpu.memory_space<vmem>>
        %dma_start3A_159 = tpu.memref_squeeze %dma_start3A_158 : memref<1x512xi32, #tpu.memory_space<vmem>> -> memref<512xi32, #tpu.memory_space<vmem>>
        %dma_start3A_160 = arith.constant 0 : i32
        %dma_start3A_161 = arith.constant 0 : i32
        %dma_start3A_162 = tpu.memref_slice %arg2[%dma_start3A_160, %dma_start3A_161] : memref<10000x64xf32, #tpu.memory_space<hbm>> -> memref<10000x64xf32, #tpu.memory_space<hbm>>
        tpu.enqueue_indirect_dma source(%dma_start3A_162 : memref<10000x64xf32, #tpu.memory_space<hbm>>) target(%dma_start3A_156 : memref<512x64xf32, #tpu.memory_space<vmem>>) offsets(%dma_start3A_159 : memref<512xi32, #tpu.memory_space<vmem>>) semaphore(%arg14 : memref<!tpu.dma_semaphore, #tpu.memory_space<semaphore_mem>>)
      } else {
      }
    }
    %barrier3A_61 = arith.constant 0 : index
    tpu.barrier barrier_id(%barrier3A_61)
    %mul3A_62 = arith.constant 640 : i32
    %mul3A_63 = arith.muli %arg1, %mul3A_62 : i32
    %mul3A_64 = arith.constant 640 : i32
    %mul3A_65 = arith.muli %arg1, %mul3A_64 : i32
    "tpu.region"() ({
      %run_scoped3A = tpu.sem_alloc : memref<!tpu.dma_semaphore, #tpu.memory_space<semaphore_mem>>
      %dma_start3A_66 = arith.constant 0 : i32
      %dma_start3A_67 = tpu.memref_slice %arg8[%arg0, %mul3A_65, %dma_start3A_66] : memref<2x10240x64xf32, #tpu.memory_space<hbm>> -> memref<1x640x64xf32, #tpu.memory_space<hbm>>
      %dma_start3A_68 = tpu.memref_squeeze %dma_start3A_67 : memref<1x640x64xf32, #tpu.memory_space<hbm>> -> memref<640x64xf32, #tpu.memory_space<hbm>>
      %dma_start3A_69 = arith.constant 0 : i32
      %dma_start3A_70 = tpu.memref_slice %arg12[%mul3A_63, %dma_start3A_69] : memref<10240x64xf32, #tpu.memory_space<vmem_shared>> -> memref<640x64xf32, #tpu.memory_space<vmem_shared>>
      tpu.enqueue_dma source(%dma_start3A_70 : memref<640x64xf32, #tpu.memory_space<vmem_shared>>) target(%dma_start3A_68 : memref<640x64xf32, #tpu.memory_space<hbm>>) target_semaphore(%run_scoped3A : memref<!tpu.dma_semaphore, #tpu.memory_space<semaphore_mem>>)
      %dma_wait3A = arith.constant 0 : i32
      %dma_wait3A_71 = tpu.memref_slice %arg8[%arg0, %mul3A_65, %dma_wait3A] : memref<2x10240x64xf32, #tpu.memory_space<hbm>> -> memref<1x640x64xf32, #tpu.memory_space<hbm>>
      %dma_wait3A_72 = tpu.memref_squeeze %dma_wait3A_71 : memref<1x640x64xf32, #tpu.memory_space<hbm>> -> memref<640x64xf32, #tpu.memory_space<hbm>>
      %dma_wait3A_73 = arith.constant 0 : i32
      %dma_wait3A_74 = tpu.memref_slice %arg12[%mul3A_63, %dma_wait3A_73] : memref<10240x64xf32, #tpu.memory_space<vmem_shared>> -> memref<640x64xf32, #tpu.memory_space<vmem_shared>>
      tpu.wait_dma2 semaphore(%run_scoped3A : memref<!tpu.dma_semaphore, #tpu.memory_space<semaphore_mem>>) src(%dma_wait3A_74 : memref<640x64xf32, #tpu.memory_space<vmem_shared>>) dst(%dma_wait3A_72 : memref<640x64xf32, #tpu.memory_space<hbm>>)
      tpu.yield
    }) : () -> ()
    return
  }
}

#map = affine_map<(d0, d1) -> (0, 0)>
#map1 = affine_map<(d0, d1) -> (0, 0, 0)>
module attributes {stable_mosaic.version = 14 : i64} {
  func.func @_segment_sum_body(%arg0: i32, %arg1: i32, %arg2: memref<10000x64xf32, #tpu.memory_space<hbm>>, %arg3: memref<16x20x512xi32, #tpu.memory_space<hbm>>, %arg4: memref<16x20x512xi32, #tpu.memory_space<hbm>>, %arg5: memref<16x20x512xi32, #tpu.memory_space<hbm>>, %arg6: memref<16x20x512xi32, #tpu.memory_space<hbm>>, %arg7: memref<640x64xf32, #tpu.memory_space<hbm>>, %arg8: memref<2x10240x64xf32, #tpu.memory_space<hbm>>, %arg9: memref<20x512xi32, #tpu.memory_space<vmem>>, %arg10: memref<20x512xi32, #tpu.memory_space<vmem>>, %arg11: memref<2x512x64xf32, #tpu.memory_space<vmem>>, %arg12: memref<10240x64xf32, #tpu.memory_space<vmem_shared>>, %arg13: memref<!tpu.dma_semaphore, #tpu.memory_space<semaphore_mem>>, %arg14: memref<!tpu.dma_semaphore, #tpu.memory_space<semaphore_mem>>, %arg15: memref<!tpu.dma_semaphore, #tpu.memory_space<semaphore_mem>>, %arg16: memref<!tpu.dma_semaphore, #tpu.memory_space<semaphore_mem>>) attributes {dimension_semantics = [#tpu.dimension_semantics<core_parallel>, #tpu.dimension_semantics<subcore_parallel>], iteration_bounds = array<i64: 2, 16>, scalar_prefetch = 0 : i64, scratch_operands = 8 : i64, tpu.core_type = #tpu.core_type<sc_vector_subcore>, window_params = [{transform_indices = #map}, {transform_indices = #map1}, {transform_indices = #map1}, {transform_indices = #map1}, {transform_indices = #map1}, {transform_indices = #map}, {transform_indices = #map1}]} {
    %eq3A = arith.constant 0 : i32
    %eq3A_0 = arith.cmpi eq, %arg0, %eq3A : i32
    %convert_element_type3A = arith.extui %eq3A_0 : i1 to i32
    %cond3A = arith.constant 0 : i32
    %cond3A_1 = arith.cmpi ne, %convert_element_type3A, %cond3A : i32
    scf.if %cond3A_1 {
      "tpu.region"() ({
        %run_scoped3A = tpu.sem_alloc : memref<!tpu.dma_semaphore, #tpu.memory_space<semaphore_mem>>
        %dma_start3A_66 = arith.constant 0 : i32
        %dma_start3A_67 = arith.constant 0 : i32
        %dma_start3A_68 = tpu.memref_slice %arg9[%dma_start3A_66, %dma_start3A_67] : memref<20x512xi32, #tpu.memory_space<vmem>> -> memref<20x512xi32, #tpu.memory_space<vmem>>
        %dma_start3A_69 = arith.constant 0 : i32
        %dma_start3A_70 = arith.constant 0 : i32
        %dma_start3A_71 = tpu.memref_slice %arg3[%arg1, %dma_start3A_69, %dma_start3A_70] : memref<16x20x512xi32, #tpu.memory_space<hbm>> -> memref<1x20x512xi32, #tpu.memory_space<hbm>>
        %dma_start3A_72 = tpu.memref_squeeze %dma_start3A_71 : memref<1x20x512xi32, #tpu.memory_space<hbm>> -> memref<20x512xi32, #tpu.memory_space<hbm>>
        %dma_start3A_73 = arith.constant 0 : i32
        %dma_start3A_74 = arith.constant 0 : i32
        %dma_start3A_75 = tpu.memref_slice %arg9[%dma_start3A_73, %dma_start3A_74] : memref<20x512xi32, #tpu.memory_space<vmem>> -> memref<20x512xi32, #tpu.memory_space<vmem>>
        %dma_start3A_76 = arith.constant 0 : i32
        %dma_start3A_77 = arith.constant 0 : i32
        %dma_start3A_78 = tpu.memref_slice %arg3[%arg1, %dma_start3A_76, %dma_start3A_77] : memref<16x20x512xi32, #tpu.memory_space<hbm>> -> memref<1x20x512xi32, #tpu.memory_space<hbm>>
        %dma_start3A_79 = tpu.memref_squeeze %dma_start3A_78 : memref<1x20x512xi32, #tpu.memory_space<hbm>> -> memref<20x512xi32, #tpu.memory_space<hbm>>
        tpu.enqueue_dma source(%dma_start3A_79 : memref<20x512xi32, #tpu.memory_space<hbm>>) target(%dma_start3A_75 : memref<20x512xi32, #tpu.memory_space<vmem>>) target_semaphore(%run_scoped3A : memref<!tpu.dma_semaphore, #tpu.memory_space<semaphore_mem>>)
        %dma_wait3A = arith.constant 0 : i32
        %dma_wait3A_80 = arith.constant 0 : i32
        %dma_wait3A_81 = tpu.memref_slice %arg9[%dma_wait3A, %dma_wait3A_80] : memref<20x512xi32, #tpu.memory_space<vmem>> -> memref<20x512xi32, #tpu.memory_space<vmem>>
        %dma_wait3A_82 = arith.constant 0 : i32
        %dma_wait3A_83 = arith.constant 0 : i32
        %dma_wait3A_84 = tpu.memref_slice %arg3[%arg1, %dma_wait3A_82, %dma_wait3A_83] : memref<16x20x512xi32, #tpu.memory_space<hbm>> -> memref<1x20x512xi32, #tpu.memory_space<hbm>>
        %dma_wait3A_85 = tpu.memref_squeeze %dma_wait3A_84 : memref<1x20x512xi32, #tpu.memory_space<hbm>> -> memref<20x512xi32, #tpu.memory_space<hbm>>
        %dma_wait3A_86 = arith.constant 0 : i32
        %dma_wait3A_87 = arith.constant 0 : i32
        %dma_wait3A_88 = tpu.memref_slice %arg9[%dma_wait3A_86, %dma_wait3A_87] : memref<20x512xi32, #tpu.memory_space<vmem>> -> memref<20x512xi32, #tpu.memory_space<vmem>>
        %dma_wait3A_89 = arith.constant 0 : i32
        %dma_wait3A_90 = arith.constant 0 : i32
        %dma_wait3A_91 = tpu.memref_slice %arg3[%arg1, %dma_wait3A_89, %dma_wait3A_90] : memref<16x20x512xi32, #tpu.memory_space<hbm>> -> memref<1x20x512xi32, #tpu.memory_space<hbm>>
        %dma_wait3A_92 = tpu.memref_squeeze %dma_wait3A_91 : memref<1x20x512xi32, #tpu.memory_space<hbm>> -> memref<20x512xi32, #tpu.memory_space<hbm>>
        tpu.wait_dma2 semaphore(%run_scoped3A : memref<!tpu.dma_semaphore, #tpu.memory_space<semaphore_mem>>) src(%dma_wait3A_92 : memref<20x512xi32, #tpu.memory_space<hbm>>) dst(%dma_wait3A_88 : memref<20x512xi32, #tpu.memory_space<vmem>>)
        tpu.yield
      }) : () -> ()
      "tpu.region"() ({
        %run_scoped3A = tpu.sem_alloc : memref<!tpu.dma_semaphore, #tpu.memory_space<semaphore_mem>>
        %dma_start3A_66 = arith.constant 0 : i32
        %dma_start3A_67 = arith.constant 0 : i32
        %dma_start3A_68 = tpu.memref_slice %arg10[%dma_start3A_66, %dma_start3A_67] : memref<20x512xi32, #tpu.memory_space<vmem>> -> memref<20x512xi32, #tpu.memory_space<vmem>>
        %dma_start3A_69 = arith.constant 0 : i32
        %dma_start3A_70 = arith.constant 0 : i32
        %dma_start3A_71 = tpu.memref_slice %arg4[%arg1, %dma_start3A_69, %dma_start3A_70] : memref<16x20x512xi32, #tpu.memory_space<hbm>> -> memref<1x20x512xi32, #tpu.memory_space<hbm>>
        %dma_start3A_72 = tpu.memref_squeeze %dma_start3A_71 : memref<1x20x512xi32, #tpu.memory_space<hbm>> -> memref<20x512xi32, #tpu.memory_space<hbm>>
        %dma_start3A_73 = arith.constant 0 : i32
        %dma_start3A_74 = arith.constant 0 : i32
        %dma_start3A_75 = tpu.memref_slice %arg10[%dma_start3A_73, %dma_start3A_74] : memref<20x512xi32, #tpu.memory_space<vmem>> -> memref<20x512xi32, #tpu.memory_space<vmem>>
        %dma_start3A_76 = arith.constant 0 : i32
        %dma_start3A_77 = arith.constant 0 : i32
        %dma_start3A_78 = tpu.memref_slice %arg4[%arg1, %dma_start3A_76, %dma_start3A_77] : memref<16x20x512xi32, #tpu.memory_space<hbm>> -> memref<1x20x512xi32, #tpu.memory_space<hbm>>
        %dma_start3A_79 = tpu.memref_squeeze %dma_start3A_78 : memref<1x20x512xi32, #tpu.memory_space<hbm>> -> memref<20x512xi32, #tpu.memory_space<hbm>>
        tpu.enqueue_dma source(%dma_start3A_79 : memref<20x512xi32, #tpu.memory_space<hbm>>) target(%dma_start3A_75 : memref<20x512xi32, #tpu.memory_space<vmem>>) target_semaphore(%run_scoped3A : memref<!tpu.dma_semaphore, #tpu.memory_space<semaphore_mem>>)
        %dma_wait3A = arith.constant 0 : i32
        %dma_wait3A_80 = arith.constant 0 : i32
        %dma_wait3A_81 = tpu.memref_slice %arg10[%dma_wait3A, %dma_wait3A_80] : memref<20x512xi32, #tpu.memory_space<vmem>> -> memref<20x512xi32, #tpu.memory_space<vmem>>
        %dma_wait3A_82 = arith.constant 0 : i32
        %dma_wait3A_83 = arith.constant 0 : i32
        %dma_wait3A_84 = tpu.memref_slice %arg4[%arg1, %dma_wait3A_82, %dma_wait3A_83] : memref<16x20x512xi32, #tpu.memory_space<hbm>> -> memref<1x20x512xi32, #tpu.memory_space<hbm>>
        %dma_wait3A_85 = tpu.memref_squeeze %dma_wait3A_84 : memref<1x20x512xi32, #tpu.memory_space<hbm>> -> memref<20x512xi32, #tpu.memory_space<hbm>>
        %dma_wait3A_86 = arith.constant 0 : i32
        %dma_wait3A_87 = arith.constant 0 : i32
        %dma_wait3A_88 = tpu.memref_slice %arg10[%dma_wait3A_86, %dma_wait3A_87] : memref<20x512xi32, #tpu.memory_space<vmem>> -> memref<20x512xi32, #tpu.memory_space<vmem>>
        %dma_wait3A_89 = arith.constant 0 : i32
        %dma_wait3A_90 = arith.constant 0 : i32
        %dma_wait3A_91 = tpu.memref_slice %arg4[%arg1, %dma_wait3A_89, %dma_wait3A_90] : memref<16x20x512xi32, #tpu.memory_space<hbm>> -> memref<1x20x512xi32, #tpu.memory_space<hbm>>
        %dma_wait3A_92 = tpu.memref_squeeze %dma_wait3A_91 : memref<1x20x512xi32, #tpu.memory_space<hbm>> -> memref<20x512xi32, #tpu.memory_space<hbm>>
        tpu.wait_dma2 semaphore(%run_scoped3A : memref<!tpu.dma_semaphore, #tpu.memory_space<semaphore_mem>>) src(%dma_wait3A_92 : memref<20x512xi32, #tpu.memory_space<hbm>>) dst(%dma_wait3A_88 : memref<20x512xi32, #tpu.memory_space<vmem>>)
        tpu.yield
      }) : () -> ()
    } else {
    }
    %eq3A_2 = arith.constant 1 : i32
    %eq3A_3 = arith.cmpi eq, %arg0, %eq3A_2 : i32
    %convert_element_type3A_4 = arith.extui %eq3A_3 : i1 to i32
    %cond3A_5 = arith.constant 0 : i32
    %cond3A_6 = arith.cmpi ne, %convert_element_type3A_4, %cond3A_5 : i32
    scf.if %cond3A_6 {
      "tpu.region"() ({
        %run_scoped3A = tpu.sem_alloc : memref<!tpu.dma_semaphore, #tpu.memory_space<semaphore_mem>>
        %dma_start3A_66 = arith.constant 0 : i32
        %dma_start3A_67 = arith.constant 0 : i32
        %dma_start3A_68 = tpu.memref_slice %arg9[%dma_start3A_66, %dma_start3A_67] : memref<20x512xi32, #tpu.memory_space<vmem>> -> memref<20x512xi32, #tpu.memory_space<vmem>>
        %dma_start3A_69 = arith.constant 0 : i32
        %dma_start3A_70 = arith.constant 0 : i32
        %dma_start3A_71 = tpu.memref_slice %arg5[%arg1, %dma_start3A_69, %dma_start3A_70] : memref<16x20x512xi32, #tpu.memory_space<hbm>> -> memref<1x20x512xi32, #tpu.memory_space<hbm>>
        %dma_start3A_72 = tpu.memref_squeeze %dma_start3A_71 : memref<1x20x512xi32, #tpu.memory_space<hbm>> -> memref<20x512xi32, #tpu.memory_space<hbm>>
        %dma_start3A_73 = arith.constant 0 : i32
        %dma_start3A_74 = arith.constant 0 : i32
        %dma_start3A_75 = tpu.memref_slice %arg9[%dma_start3A_73, %dma_start3A_74] : memref<20x512xi32, #tpu.memory_space<vmem>> -> memref<20x512xi32, #tpu.memory_space<vmem>>
        %dma_start3A_76 = arith.constant 0 : i32
        %dma_start3A_77 = arith.constant 0 : i32
        %dma_start3A_78 = tpu.memref_slice %arg5[%arg1, %dma_start3A_76, %dma_start3A_77] : memref<16x20x512xi32, #tpu.memory_space<hbm>> -> memref<1x20x512xi32, #tpu.memory_space<hbm>>
        %dma_start3A_79 = tpu.memref_squeeze %dma_start3A_78 : memref<1x20x512xi32, #tpu.memory_space<hbm>> -> memref<20x512xi32, #tpu.memory_space<hbm>>
        tpu.enqueue_dma source(%dma_start3A_79 : memref<20x512xi32, #tpu.memory_space<hbm>>) target(%dma_start3A_75 : memref<20x512xi32, #tpu.memory_space<vmem>>) target_semaphore(%run_scoped3A : memref<!tpu.dma_semaphore, #tpu.memory_space<semaphore_mem>>)
        %dma_wait3A = arith.constant 0 : i32
        %dma_wait3A_80 = arith.constant 0 : i32
        %dma_wait3A_81 = tpu.memref_slice %arg9[%dma_wait3A, %dma_wait3A_80] : memref<20x512xi32, #tpu.memory_space<vmem>> -> memref<20x512xi32, #tpu.memory_space<vmem>>
        %dma_wait3A_82 = arith.constant 0 : i32
        %dma_wait3A_83 = arith.constant 0 : i32
        %dma_wait3A_84 = tpu.memref_slice %arg5[%arg1, %dma_wait3A_82, %dma_wait3A_83] : memref<16x20x512xi32, #tpu.memory_space<hbm>> -> memref<1x20x512xi32, #tpu.memory_space<hbm>>
        %dma_wait3A_85 = tpu.memref_squeeze %dma_wait3A_84 : memref<1x20x512xi32, #tpu.memory_space<hbm>> -> memref<20x512xi32, #tpu.memory_space<hbm>>
        %dma_wait3A_86 = arith.constant 0 : i32
        %dma_wait3A_87 = arith.constant 0 : i32
        %dma_wait3A_88 = tpu.memref_slice %arg9[%dma_wait3A_86, %dma_wait3A_87] : memref<20x512xi32, #tpu.memory_space<vmem>> -> memref<20x512xi32, #tpu.memory_space<vmem>>
        %dma_wait3A_89 = arith.constant 0 : i32
        %dma_wait3A_90 = arith.constant 0 : i32
        %dma_wait3A_91 = tpu.memref_slice %arg5[%arg1, %dma_wait3A_89, %dma_wait3A_90] : memref<16x20x512xi32, #tpu.memory_space<hbm>> -> memref<1x20x512xi32, #tpu.memory_space<hbm>>
        %dma_wait3A_92 = tpu.memref_squeeze %dma_wait3A_91 : memref<1x20x512xi32, #tpu.memory_space<hbm>> -> memref<20x512xi32, #tpu.memory_space<hbm>>
        tpu.wait_dma2 semaphore(%run_scoped3A : memref<!tpu.dma_semaphore, #tpu.memory_space<semaphore_mem>>) src(%dma_wait3A_92 : memref<20x512xi32, #tpu.memory_space<hbm>>) dst(%dma_wait3A_88 : memref<20x512xi32, #tpu.memory_space<vmem>>)
        tpu.yield
      }) : () -> ()
      "tpu.region"() ({
        %run_scoped3A = tpu.sem_alloc : memref<!tpu.dma_semaphore, #tpu.memory_space<semaphore_mem>>
        %dma_start3A_66 = arith.constant 0 : i32
        %dma_start3A_67 = arith.constant 0 : i32
        %dma_start3A_68 = tpu.memref_slice %arg10[%dma_start3A_66, %dma_start3A_67] : memref<20x512xi32, #tpu.memory_space<vmem>> -> memref<20x512xi32, #tpu.memory_space<vmem>>
        %dma_start3A_69 = arith.constant 0 : i32
        %dma_start3A_70 = arith.constant 0 : i32
        %dma_start3A_71 = tpu.memref_slice %arg6[%arg1, %dma_start3A_69, %dma_start3A_70] : memref<16x20x512xi32, #tpu.memory_space<hbm>> -> memref<1x20x512xi32, #tpu.memory_space<hbm>>
        %dma_start3A_72 = tpu.memref_squeeze %dma_start3A_71 : memref<1x20x512xi32, #tpu.memory_space<hbm>> -> memref<20x512xi32, #tpu.memory_space<hbm>>
        %dma_start3A_73 = arith.constant 0 : i32
        %dma_start3A_74 = arith.constant 0 : i32
        %dma_start3A_75 = tpu.memref_slice %arg10[%dma_start3A_73, %dma_start3A_74] : memref<20x512xi32, #tpu.memory_space<vmem>> -> memref<20x512xi32, #tpu.memory_space<vmem>>
        %dma_start3A_76 = arith.constant 0 : i32
        %dma_start3A_77 = arith.constant 0 : i32
        %dma_start3A_78 = tpu.memref_slice %arg6[%arg1, %dma_start3A_76, %dma_start3A_77] : memref<16x20x512xi32, #tpu.memory_space<hbm>> -> memref<1x20x512xi32, #tpu.memory_space<hbm>>
        %dma_start3A_79 = tpu.memref_squeeze %dma_start3A_78 : memref<1x20x512xi32, #tpu.memory_space<hbm>> -> memref<20x512xi32, #tpu.memory_space<hbm>>
        tpu.enqueue_dma source(%dma_start3A_79 : memref<20x512xi32, #tpu.memory_space<hbm>>) target(%dma_start3A_75 : memref<20x512xi32, #tpu.memory_space<vmem>>) target_semaphore(%run_scoped3A : memref<!tpu.dma_semaphore, #tpu.memory_space<semaphore_mem>>)
        %dma_wait3A = arith.constant 0 : i32
        %dma_wait3A_80 = arith.constant 0 : i32
        %dma_wait3A_81 = tpu.memref_slice %arg10[%dma_wait3A, %dma_wait3A_80] : memref<20x512xi32, #tpu.memory_space<vmem>> -> memref<20x512xi32, #tpu.memory_space<vmem>>
        %dma_wait3A_82 = arith.constant 0 : i32
        %dma_wait3A_83 = arith.constant 0 : i32
        %dma_wait3A_84 = tpu.memref_slice %arg6[%arg1, %dma_wait3A_82, %dma_wait3A_83] : memref<16x20x512xi32, #tpu.memory_space<hbm>> -> memref<1x20x512xi32, #tpu.memory_space<hbm>>
        %dma_wait3A_85 = tpu.memref_squeeze %dma_wait3A_84 : memref<1x20x512xi32, #tpu.memory_space<hbm>> -> memref<20x512xi32, #tpu.memory_space<hbm>>
        %dma_wait3A_86 = arith.constant 0 : i32
        %dma_wait3A_87 = arith.constant 0 : i32
        %dma_wait3A_88 = tpu.memref_slice %arg10[%dma_wait3A_86, %dma_wait3A_87] : memref<20x512xi32, #tpu.memory_space<vmem>> -> memref<20x512xi32, #tpu.memory_space<vmem>>
        %dma_wait3A_89 = arith.constant 0 : i32
        %dma_wait3A_90 = arith.constant 0 : i32
        %dma_wait3A_91 = tpu.memref_slice %arg6[%arg1, %dma_wait3A_89, %dma_wait3A_90] : memref<16x20x512xi32, #tpu.memory_space<hbm>> -> memref<1x20x512xi32, #tpu.memory_space<hbm>>
        %dma_wait3A_92 = tpu.memref_squeeze %dma_wait3A_91 : memref<1x20x512xi32, #tpu.memory_space<hbm>> -> memref<20x512xi32, #tpu.memory_space<hbm>>
        tpu.wait_dma2 semaphore(%run_scoped3A : memref<!tpu.dma_semaphore, #tpu.memory_space<semaphore_mem>>) src(%dma_wait3A_92 : memref<20x512xi32, #tpu.memory_space<hbm>>) dst(%dma_wait3A_88 : memref<20x512xi32, #tpu.memory_space<vmem>>)
        tpu.yield
      }) : () -> ()
    } else {
    }
    %mul3A = arith.constant 640 : i32
    %mul3A_7 = arith.muli %arg1, %mul3A : i32
    "tpu.region"() ({
      %run_scoped3A = tpu.sem_alloc : memref<!tpu.dma_semaphore, #tpu.memory_space<semaphore_mem>>
      %dma_start3A_66 = arith.constant 0 : i32
      %dma_start3A_67 = tpu.memref_slice %arg12[%mul3A_7, %dma_start3A_66] : memref<10240x64xf32, #tpu.memory_space<vmem_shared>> -> memref<640x64xf32, #tpu.memory_space<vmem_shared>>
      tpu.enqueue_dma source(%arg7 : memref<640x64xf32, #tpu.memory_space<hbm>>) target(%dma_start3A_67 : memref<640x64xf32, #tpu.memory_space<vmem_shared>>) target_semaphore(%run_scoped3A : memref<!tpu.dma_semaphore, #tpu.memory_space<semaphore_mem>>)
      %dma_wait3A = arith.constant 0 : i32
      %dma_wait3A_68 = tpu.memref_slice %arg12[%mul3A_7, %dma_wait3A] : memref<10240x64xf32, #tpu.memory_space<vmem_shared>> -> memref<640x64xf32, #tpu.memory_space<vmem_shared>>
      tpu.wait_dma2 semaphore(%run_scoped3A : memref<!tpu.dma_semaphore, #tpu.memory_space<semaphore_mem>>) src(%arg7 : memref<640x64xf32, #tpu.memory_space<hbm>>) dst(%dma_wait3A_68 : memref<640x64xf32, #tpu.memory_space<vmem_shared>>)
      tpu.yield
    }) : () -> ()
    %barrier3A = arith.constant 0 : index
    tpu.barrier barrier_id(%barrier3A)
    %dma_start3A = arith.constant 0 : i32
    %dma_start3A_8 = arith.constant 0 : i32
    %dma_start3A_9 = arith.constant 0 : i32
    %dma_start3A_10 = arith.constant 0 : i32
    %dma_start3A_11 = tpu.memref_slice %arg11[%dma_start3A_8, %dma_start3A_9, %dma_start3A_10] : memref<2x512x64xf32, #tpu.memory_space<vmem>> -> memref<1x512x64xf32, #tpu.memory_space<vmem>>
    %dma_start3A_12 = tpu.memref_squeeze %dma_start3A_11 : memref<1x512x64xf32, #tpu.memory_space<vmem>> -> memref<512x64xf32, #tpu.memory_space<vmem>>
    %dma_start3A_13 = arith.constant 0 : i32
    %dma_start3A_14 = tpu.memref_slice %arg9[%dma_start3A, %dma_start3A_13] : memref<20x512xi32, #tpu.memory_space<vmem>> -> memref<1x512xi32, #tpu.memory_space<vmem>>
    %dma_start3A_15 = tpu.memref_squeeze %dma_start3A_14 : memref<1x512xi32, #tpu.memory_space<vmem>> -> memref<512xi32, #tpu.memory_space<vmem>>
    %dma_start3A_16 = arith.constant 0 : i32
    %dma_start3A_17 = arith.constant 0 : i32
    %dma_start3A_18 = tpu.memref_slice %arg2[%dma_start3A_16, %dma_start3A_17] : memref<10000x64xf32, #tpu.memory_space<hbm>> -> memref<10000x64xf32, #tpu.memory_space<hbm>>
    tpu.enqueue_indirect_dma source(%dma_start3A_18 : memref<10000x64xf32, #tpu.memory_space<hbm>>) target(%dma_start3A_12 : memref<512x64xf32, #tpu.memory_space<vmem>>) offsets(%dma_start3A_15 : memref<512xi32, #tpu.memory_space<vmem>>) semaphore(%arg13 : memref<!tpu.dma_semaphore, #tpu.memory_space<semaphore_mem>>)
    %dma_start3A_19 = arith.constant 1 : i32
    %dma_start3A_20 = arith.constant 1 : i32
    %dma_start3A_21 = arith.constant 0 : i32
    %dma_start3A_22 = arith.constant 0 : i32
    %dma_start3A_23 = tpu.memref_slice %arg11[%dma_start3A_20, %dma_start3A_21, %dma_start3A_22] : memref<2x512x64xf32, #tpu.memory_space<vmem>> -> memref<1x512x64xf32, #tpu.memory_space<vmem>>
    %dma_start3A_24 = tpu.memref_squeeze %dma_start3A_23 : memref<1x512x64xf32, #tpu.memory_space<vmem>> -> memref<512x64xf32, #tpu.memory_space<vmem>>
    %dma_start3A_25 = arith.constant 0 : i32
    %dma_start3A_26 = tpu.memref_slice %arg9[%dma_start3A_19, %dma_start3A_25] : memref<20x512xi32, #tpu.memory_space<vmem>> -> memref<1x512xi32, #tpu.memory_space<vmem>>
    %dma_start3A_27 = tpu.memref_squeeze %dma_start3A_26 : memref<1x512xi32, #tpu.memory_space<vmem>> -> memref<512xi32, #tpu.memory_space<vmem>>
    %dma_start3A_28 = arith.constant 0 : i32
    %dma_start3A_29 = arith.constant 0 : i32
    %dma_start3A_30 = tpu.memref_slice %arg2[%dma_start3A_28, %dma_start3A_29] : memref<10000x64xf32, #tpu.memory_space<hbm>> -> memref<10000x64xf32, #tpu.memory_space<hbm>>
    tpu.enqueue_indirect_dma source(%dma_start3A_30 : memref<10000x64xf32, #tpu.memory_space<hbm>>) target(%dma_start3A_24 : memref<512x64xf32, #tpu.memory_space<vmem>>) offsets(%dma_start3A_27 : memref<512xi32, #tpu.memory_space<vmem>>) semaphore(%arg14 : memref<!tpu.dma_semaphore, #tpu.memory_space<semaphore_mem>>)
    %eq3A_31 = arith.constant 0 : i32
    %eq3A_32 = arith.cmpi eq, %arg0, %eq3A_31 : i32
    %jit3A = arith.constant 20 : i32
    %jit3A_33 = arith.constant 20 : i32
    %select_n3A = arith.select %eq3A_32, %jit3A, %jit3A_33 : i32
    %jit3A_34 = arith.constant 2 : i32
    %div3A = arith.divsi %select_n3A, %jit3A_34 : i32
    %sign3A = arith.constant 0 : i32
    %sign3A_35 = arith.cmpi sgt, %select_n3A, %sign3A : i32
    %sign3A_36 = arith.extui %sign3A_35 : i1 to i32
    %sign3A_37 = arith.constant 0 : i32
    %sign3A_38 = arith.cmpi slt, %select_n3A, %sign3A_37 : i32
    %sign3A_39 = arith.extui %sign3A_38 : i1 to i32
    %sign3A_40 = arith.subi %sign3A_36, %sign3A_39 : i32
    %sign3A_41 = arith.constant 0 : i32
    %sign3A_42 = arith.cmpi sgt, %jit3A_34, %sign3A_41 : i32
    %sign3A_43 = arith.extui %sign3A_42 : i1 to i32
    %sign3A_44 = arith.constant 0 : i32
    %sign3A_45 = arith.cmpi slt, %jit3A_34, %sign3A_44 : i32
    %sign3A_46 = arith.extui %sign3A_45 : i1 to i32
    %sign3A_47 = arith.subi %sign3A_43, %sign3A_46 : i32
    %ne3A = arith.cmpi ne, %sign3A_40, %sign3A_47 : i32
    %rem3A = arith.remsi %select_n3A, %jit3A_34 : i32
    %ne3A_48 = arith.constant 0 : i32
    %ne3A_49 = arith.cmpi ne, %rem3A, %ne3A_48 : i32
    %and3A = arith.andi %ne3A, %ne3A_49 : i1
    %sub3A = arith.constant 1 : i32
    %sub3A_50 = arith.subi %div3A, %sub3A : i32
    %select_n3A_51 = arith.select %and3A, %sub3A_50, %div3A : i32
    %while3A = arith.constant 0 : i32
    %while3A_52 = arith.constant 0 : i32
    %while3A_53 = arith.subi %select_n3A_51, %while3A_52 : i32
    %while3A_54 = arith.addi %while3A_52, %while3A_53 : i32
    %while3A_55 = arith.constant 1 : i32
    %while3A_56 = arith.divsi %while3A_53, %while3A_55 : i32
    %while3A_57 = arith.muli %while3A_56, %while3A_55 : i32
    %while3A_58 = arith.addi %while3A_52, %while3A_57 : i32
    %while3A_59 = arith.constant 1 : i32
    scf.for %while3A_66 = %while3A_52 to %while3A_58 step %while3A_59  : i32 {
      %mul3A_67 = arith.constant 2 : i32
      %mul3A_68 = arith.muli %while3A_66, %mul3A_67 : i32
      %dma_wait3A = arith.constant 0 : i32
      %dma_wait3A_69 = arith.constant 0 : i32
      %dma_wait3A_70 = arith.constant 0 : i32
      %dma_wait3A_71 = tpu.memref_slice %arg11[%dma_wait3A, %dma_wait3A_69, %dma_wait3A_70] : memref<2x512x64xf32, #tpu.memory_space<vmem>> -> memref<1x512x64xf32, #tpu.memory_space<vmem>>
      %dma_wait3A_72 = tpu.memref_squeeze %dma_wait3A_71 : memref<1x512x64xf32, #tpu.memory_space<vmem>> -> memref<512x64xf32, #tpu.memory_space<vmem>>
      %dma_wait3A_73 = arith.constant 0 : i32
      %dma_wait3A_74 = tpu.memref_slice %arg9[%mul3A_68, %dma_wait3A_73] : memref<20x512xi32, #tpu.memory_space<vmem>> -> memref<1x512xi32, #tpu.memory_space<vmem>>
      %dma_wait3A_75 = tpu.memref_squeeze %dma_wait3A_74 : memref<1x512xi32, #tpu.memory_space<vmem>> -> memref<512xi32, #tpu.memory_space<vmem>>
      %dma_wait3A_76 = arith.constant 0 : i32
      %dma_wait3A_77 = arith.constant 0 : i32
      %dma_wait3A_78 = tpu.memref_slice %arg2[%dma_wait3A_76, %dma_wait3A_77] : memref<10000x64xf32, #tpu.memory_space<hbm>> -> memref<10000x64xf32, #tpu.memory_space<hbm>>
      tpu.wait_indirect_dma semaphore(%arg13 : memref<!tpu.dma_semaphore, #tpu.memory_space<semaphore_mem>>) src(%dma_wait3A_78 : memref<10000x64xf32, #tpu.memory_space<hbm>>) dst(%dma_wait3A_72 : memref<512x64xf32, #tpu.memory_space<vmem>>)
      %dma_start3A_79 = arith.constant 0 : i32
      %dma_start3A_80 = arith.constant 0 : i32
      %dma_start3A_81 = arith.constant 0 : i32
      %dma_start3A_82 = tpu.memref_slice %arg11[%dma_start3A_79, %dma_start3A_80, %dma_start3A_81] : memref<2x512x64xf32, #tpu.memory_space<vmem>> -> memref<1x512x64xf32, #tpu.memory_space<vmem>>
      %dma_start3A_83 = tpu.memref_squeeze %dma_start3A_82 : memref<1x512x64xf32, #tpu.memory_space<vmem>> -> memref<512x64xf32, #tpu.memory_space<vmem>>
      %dma_start3A_84 = arith.constant 0 : i32
      %dma_start3A_85 = tpu.memref_slice %arg10[%mul3A_68, %dma_start3A_84] : memref<20x512xi32, #tpu.memory_space<vmem>> -> memref<1x512xi32, #tpu.memory_space<vmem>>
      %dma_start3A_86 = tpu.memref_squeeze %dma_start3A_85 : memref<1x512xi32, #tpu.memory_space<vmem>> -> memref<512xi32, #tpu.memory_space<vmem>>
      %dma_start3A_87 = arith.constant 0 : i32
      %dma_start3A_88 = arith.constant 0 : i32
      %dma_start3A_89 = tpu.memref_slice %arg12[%dma_start3A_87, %dma_start3A_88] : memref<10240x64xf32, #tpu.memory_space<vmem_shared>> -> memref<10240x64xf32, #tpu.memory_space<vmem_shared>>
      tpu.enqueue_indirect_dma source(%dma_start3A_83 : memref<512x64xf32, #tpu.memory_space<vmem>>) target(%dma_start3A_89 : memref<10240x64xf32, #tpu.memory_space<vmem_shared>>) offsets(%dma_start3A_86 : memref<512xi32, #tpu.memory_space<vmem>>) semaphore(%arg15 : memref<!tpu.dma_semaphore, #tpu.memory_space<semaphore_mem>>) {add = true}
      %add3A = arith.constant 1 : i32
      %add3A_90 = arith.addi %mul3A_68, %add3A : i32
      %dma_wait3A_91 = arith.constant 1 : i32
      %dma_wait3A_92 = arith.constant 0 : i32
      %dma_wait3A_93 = arith.constant 0 : i32
      %dma_wait3A_94 = tpu.memref_slice %arg11[%dma_wait3A_91, %dma_wait3A_92, %dma_wait3A_93] : memref<2x512x64xf32, #tpu.memory_space<vmem>> -> memref<1x512x64xf32, #tpu.memory_space<vmem>>
      %dma_wait3A_95 = tpu.memref_squeeze %dma_wait3A_94 : memref<1x512x64xf32, #tpu.memory_space<vmem>> -> memref<512x64xf32, #tpu.memory_space<vmem>>
      %dma_wait3A_96 = arith.constant 0 : i32
      %dma_wait3A_97 = tpu.memref_slice %arg9[%add3A_90, %dma_wait3A_96] : memref<20x512xi32, #tpu.memory_space<vmem>> -> memref<1x512xi32, #tpu.memory_space<vmem>>
      %dma_wait3A_98 = tpu.memref_squeeze %dma_wait3A_97 : memref<1x512xi32, #tpu.memory_space<vmem>> -> memref<512xi32, #tpu.memory_space<vmem>>
      %dma_wait3A_99 = arith.constant 0 : i32
      %dma_wait3A_100 = arith.constant 0 : i32
      %dma_wait3A_101 = tpu.memref_slice %arg2[%dma_wait3A_99, %dma_wait3A_100] : memref<10000x64xf32, #tpu.memory_space<hbm>> -> memref<10000x64xf32, #tpu.memory_space<hbm>>
      tpu.wait_indirect_dma semaphore(%arg14 : memref<!tpu.dma_semaphore, #tpu.memory_space<semaphore_mem>>) src(%dma_wait3A_101 : memref<10000x64xf32, #tpu.memory_space<hbm>>) dst(%dma_wait3A_95 : memref<512x64xf32, #tpu.memory_space<vmem>>)
      %add3A_102 = arith.constant 1 : i32
      %add3A_103 = arith.addi %mul3A_68, %add3A_102 : i32
      %dma_start3A_104 = arith.constant 1 : i32
      %dma_start3A_105 = arith.constant 0 : i32
      %dma_start3A_106 = arith.constant 0 : i32
      %dma_start3A_107 = tpu.memref_slice %arg11[%dma_start3A_104, %dma_start3A_105, %dma_start3A_106] : memref<2x512x64xf32, #tpu.memory_space<vmem>> -> memref<1x512x64xf32, #tpu.memory_space<vmem>>
      %dma_start3A_108 = tpu.memref_squeeze %dma_start3A_107 : memref<1x512x64xf32, #tpu.memory_space<vmem>> -> memref<512x64xf32, #tpu.memory_space<vmem>>
      %dma_start3A_109 = arith.constant 0 : i32
      %dma_start3A_110 = tpu.memref_slice %arg10[%add3A_103, %dma_start3A_109] : memref<20x512xi32, #tpu.memory_space<vmem>> -> memref<1x512xi32, #tpu.memory_space<vmem>>
      %dma_start3A_111 = tpu.memref_squeeze %dma_start3A_110 : memref<1x512xi32, #tpu.memory_space<vmem>> -> memref<512xi32, #tpu.memory_space<vmem>>
      %dma_start3A_112 = arith.constant 0 : i32
      %dma_start3A_113 = arith.constant 0 : i32
      %dma_start3A_114 = tpu.memref_slice %arg12[%dma_start3A_112, %dma_start3A_113] : memref<10240x64xf32, #tpu.memory_space<vmem_shared>> -> memref<10240x64xf32, #tpu.memory_space<vmem_shared>>
      tpu.enqueue_indirect_dma source(%dma_start3A_108 : memref<512x64xf32, #tpu.memory_space<vmem>>) target(%dma_start3A_114 : memref<10240x64xf32, #tpu.memory_space<vmem_shared>>) offsets(%dma_start3A_111 : memref<512xi32, #tpu.memory_space<vmem>>) semaphore(%arg16 : memref<!tpu.dma_semaphore, #tpu.memory_space<semaphore_mem>>) {add = true}
      %dma_wait3A_115 = arith.constant 0 : i32
      %dma_wait3A_116 = arith.constant 0 : i32
      %dma_wait3A_117 = arith.constant 0 : i32
      %dma_wait3A_118 = tpu.memref_slice %arg11[%dma_wait3A_115, %dma_wait3A_116, %dma_wait3A_117] : memref<2x512x64xf32, #tpu.memory_space<vmem>> -> memref<1x512x64xf32, #tpu.memory_space<vmem>>
      %dma_wait3A_119 = tpu.memref_squeeze %dma_wait3A_118 : memref<1x512x64xf32, #tpu.memory_space<vmem>> -> memref<512x64xf32, #tpu.memory_space<vmem>>
      %dma_wait3A_120 = arith.constant 0 : i32
      %dma_wait3A_121 = tpu.memref_slice %arg10[%mul3A_68, %dma_wait3A_120] : memref<20x512xi32, #tpu.memory_space<vmem>> -> memref<1x512xi32, #tpu.memory_space<vmem>>
      %dma_wait3A_122 = tpu.memref_squeeze %dma_wait3A_121 : memref<1x512xi32, #tpu.memory_space<vmem>> -> memref<512xi32, #tpu.memory_space<vmem>>
      %dma_wait3A_123 = arith.constant 0 : i32
      %dma_wait3A_124 = arith.constant 0 : i32
      %dma_wait3A_125 = tpu.memref_slice %arg12[%dma_wait3A_123, %dma_wait3A_124] : memref<10240x64xf32, #tpu.memory_space<vmem_shared>> -> memref<10240x64xf32, #tpu.memory_space<vmem_shared>>
      tpu.wait_indirect_dma semaphore(%arg15 : memref<!tpu.dma_semaphore, #tpu.memory_space<semaphore_mem>>) src(%dma_wait3A_119 : memref<512x64xf32, #tpu.memory_space<vmem>>) dst(%dma_wait3A_125 : memref<10240x64xf32, #tpu.memory_space<vmem_shared>>)
      %add3A_126 = arith.constant 2 : i32
      %add3A_127 = arith.addi %mul3A_68, %add3A_126 : i32
      %lt3A = arith.cmpi slt, %add3A_127, %select_n3A : i32
      %convert_element_type3A_128 = arith.extui %lt3A : i1 to i32
      %cond3A_129 = arith.constant 0 : i32
      %cond3A_130 = arith.cmpi ne, %convert_element_type3A_128, %cond3A_129 : i32
      scf.if %cond3A_130 {
        %add3A_150 = arith.constant 2 : i32
        %add3A_151 = arith.addi %mul3A_68, %add3A_150 : i32
        %dma_start3A_152 = arith.constant 0 : i32
        %dma_start3A_153 = arith.constant 0 : i32
        %dma_start3A_154 = arith.constant 0 : i32
        %dma_start3A_155 = tpu.memref_slice %arg11[%dma_start3A_152, %dma_start3A_153, %dma_start3A_154] : memref<2x512x64xf32, #tpu.memory_space<vmem>> -> memref<1x512x64xf32, #tpu.memory_space<vmem>>
        %dma_start3A_156 = tpu.memref_squeeze %dma_start3A_155 : memref<1x512x64xf32, #tpu.memory_space<vmem>> -> memref<512x64xf32, #tpu.memory_space<vmem>>
        %dma_start3A_157 = arith.constant 0 : i32
        %dma_start3A_158 = tpu.memref_slice %arg9[%add3A_151, %dma_start3A_157] : memref<20x512xi32, #tpu.memory_space<vmem>> -> memref<1x512xi32, #tpu.memory_space<vmem>>
        %dma_start3A_159 = tpu.memref_squeeze %dma_start3A_158 : memref<1x512xi32, #tpu.memory_space<vmem>> -> memref<512xi32, #tpu.memory_space<vmem>>
        %dma_start3A_160 = arith.constant 0 : i32
        %dma_start3A_161 = arith.constant 0 : i32
        %dma_start3A_162 = tpu.memref_slice %arg2[%dma_start3A_160, %dma_start3A_161] : memref<10000x64xf32, #tpu.memory_space<hbm>> -> memref<10000x64xf32, #tpu.memory_space<hbm>>
        tpu.enqueue_indirect_dma source(%dma_start3A_162 : memref<10000x64xf32, #tpu.memory_space<hbm>>) target(%dma_start3A_156 : memref<512x64xf32, #tpu.memory_space<vmem>>) offsets(%dma_start3A_159 : memref<512xi32, #tpu.memory_space<vmem>>) semaphore(%arg13 : memref<!tpu.dma_semaphore, #tpu.memory_space<semaphore_mem>>)
      } else {
      }
      %add3A_131 = arith.constant 1 : i32
      %add3A_132 = arith.addi %mul3A_68, %add3A_131 : i32
      %dma_wait3A_133 = arith.constant 1 : i32
      %dma_wait3A_134 = arith.constant 0 : i32
      %dma_wait3A_135 = arith.constant 0 : i32
      %dma_wait3A_136 = tpu.memref_slice %arg11[%dma_wait3A_133, %dma_wait3A_134, %dma_wait3A_135] : memref<2x512x64xf32, #tpu.memory_space<vmem>> -> memref<1x512x64xf32, #tpu.memory_space<vmem>>
      %dma_wait3A_137 = tpu.memref_squeeze %dma_wait3A_136 : memref<1x512x64xf32, #tpu.memory_space<vmem>> -> memref<512x64xf32, #tpu.memory_space<vmem>>
      %dma_wait3A_138 = arith.constant 0 : i32
      %dma_wait3A_139 = tpu.memref_slice %arg10[%add3A_132, %dma_wait3A_138] : memref<20x512xi32, #tpu.memory_space<vmem>> -> memref<1x512xi32, #tpu.memory_space<vmem>>
      %dma_wait3A_140 = tpu.memref_squeeze %dma_wait3A_139 : memref<1x512xi32, #tpu.memory_space<vmem>> -> memref<512xi32, #tpu.memory_space<vmem>>
      %dma_wait3A_141 = arith.constant 0 : i32
      %dma_wait3A_142 = arith.constant 0 : i32
      %dma_wait3A_143 = tpu.memref_slice %arg12[%dma_wait3A_141, %dma_wait3A_142] : memref<10240x64xf32, #tpu.memory_space<vmem_shared>> -> memref<10240x64xf32, #tpu.memory_space<vmem_shared>>
      tpu.wait_indirect_dma semaphore(%arg16 : memref<!tpu.dma_semaphore, #tpu.memory_space<semaphore_mem>>) src(%dma_wait3A_137 : memref<512x64xf32, #tpu.memory_space<vmem>>) dst(%dma_wait3A_143 : memref<10240x64xf32, #tpu.memory_space<vmem_shared>>)
      %add3A_144 = arith.constant 3 : i32
      %add3A_145 = arith.addi %mul3A_68, %add3A_144 : i32
      %lt3A_146 = arith.cmpi slt, %add3A_145, %select_n3A : i32
      %convert_element_type3A_147 = arith.extui %lt3A_146 : i1 to i32
      %cond3A_148 = arith.constant 0 : i32
      %cond3A_149 = arith.cmpi ne, %convert_element_type3A_147, %cond3A_148 : i32
      scf.if %cond3A_149 {
        %add3A_150 = arith.constant 3 : i32
        %add3A_151 = arith.addi %mul3A_68, %add3A_150 : i32
        %dma_start3A_152 = arith.constant 1 : i32
        %dma_start3A_153 = arith.constant 0 : i32
        %dma_start3A_154 = arith.constant 0 : i32
        %dma_start3A_155 = tpu.memref_slice %arg11[%dma_start3A_152, %dma_start3A_153, %dma_start3A_154] : memref<2x512x64xf32, #tpu.memory_space<vmem>> -> memref<1x512x64xf32, #tpu.memory_space<vmem>>
        %dma_start3A_156 = tpu.memref_squeeze %dma_start3A_155 : memref<1x512x64xf32, #tpu.memory_space<vmem>> -> memref<512x64xf32, #tpu.memory_space<vmem>>
        %dma_start3A_157 = arith.constant 0 : i32
        %dma_start3A_158 = tpu.memref_slice %arg9[%add3A_151, %dma_start3A_157] : memref<20x512xi32, #tpu.memory_space<vmem>> -> memref<1x512xi32, #tpu.memory_space<vmem>>
        %dma_start3A_159 = tpu.memref_squeeze %dma_start3A_158 : memref<1x512xi32, #tpu.memory_space<vmem>> -> memref<512xi32, #tpu.memory_space<vmem>>
        %dma_start3A_160 = arith.constant 0 : i32
        %dma_start3A_161 = arith.constant 0 : i32
        %dma_start3A_162 = tpu.memref_slice %arg2[%dma_start3A_160, %dma_start3A_161] : memref<10000x64xf32, #tpu.memory_space<hbm>> -> memref<10000x64xf32, #tpu.memory_space<hbm>>
        tpu.enqueue_indirect_dma source(%dma_start3A_162 : memref<10000x64xf32, #tpu.memory_space<hbm>>) target(%dma_start3A_156 : memref<512x64xf32, #tpu.memory_space<vmem>>) offsets(%dma_start3A_159 : memref<512xi32, #tpu.memory_space<vmem>>) semaphore(%arg14 : memref<!tpu.dma_semaphore, #tpu.memory_space<semaphore_mem>>)
      } else {
      }
    }
    %while3A_60 = arith.constant 1 : i32
    scf.for %while3A_66 = %while3A_58 to %while3A_54 step %while3A_60  : i32 {
      %mul3A_67 = arith.constant 2 : i32
      %mul3A_68 = arith.muli %while3A_66, %mul3A_67 : i32
      %dma_wait3A = arith.constant 0 : i32
      %dma_wait3A_69 = arith.constant 0 : i32
      %dma_wait3A_70 = arith.constant 0 : i32
      %dma_wait3A_71 = tpu.memref_slice %arg11[%dma_wait3A, %dma_wait3A_69, %dma_wait3A_70] : memref<2x512x64xf32, #tpu.memory_space<vmem>> -> memref<1x512x64xf32, #tpu.memory_space<vmem>>
      %dma_wait3A_72 = tpu.memref_squeeze %dma_wait3A_71 : memref<1x512x64xf32, #tpu.memory_space<vmem>> -> memref<512x64xf32, #tpu.memory_space<vmem>>
      %dma_wait3A_73 = arith.constant 0 : i32
      %dma_wait3A_74 = tpu.memref_slice %arg9[%mul3A_68, %dma_wait3A_73] : memref<20x512xi32, #tpu.memory_space<vmem>> -> memref<1x512xi32, #tpu.memory_space<vmem>>
      %dma_wait3A_75 = tpu.memref_squeeze %dma_wait3A_74 : memref<1x512xi32, #tpu.memory_space<vmem>> -> memref<512xi32, #tpu.memory_space<vmem>>
      %dma_wait3A_76 = arith.constant 0 : i32
      %dma_wait3A_77 = arith.constant 0 : i32
      %dma_wait3A_78 = tpu.memref_slice %arg2[%dma_wait3A_76, %dma_wait3A_77] : memref<10000x64xf32, #tpu.memory_space<hbm>> -> memref<10000x64xf32, #tpu.memory_space<hbm>>
      tpu.wait_indirect_dma semaphore(%arg13 : memref<!tpu.dma_semaphore, #tpu.memory_space<semaphore_mem>>) src(%dma_wait3A_78 : memref<10000x64xf32, #tpu.memory_space<hbm>>) dst(%dma_wait3A_72 : memref<512x64xf32, #tpu.memory_space<vmem>>)
      %dma_start3A_79 = arith.constant 0 : i32
      %dma_start3A_80 = arith.constant 0 : i32
      %dma_start3A_81 = arith.constant 0 : i32
      %dma_start3A_82 = tpu.memref_slice %arg11[%dma_start3A_79, %dma_start3A_80, %dma_start3A_81] : memref<2x512x64xf32, #tpu.memory_space<vmem>> -> memref<1x512x64xf32, #tpu.memory_space<vmem>>
      %dma_start3A_83 = tpu.memref_squeeze %dma_start3A_82 : memref<1x512x64xf32, #tpu.memory_space<vmem>> -> memref<512x64xf32, #tpu.memory_space<vmem>>
      %dma_start3A_84 = arith.constant 0 : i32
      %dma_start3A_85 = tpu.memref_slice %arg10[%mul3A_68, %dma_start3A_84] : memref<20x512xi32, #tpu.memory_space<vmem>> -> memref<1x512xi32, #tpu.memory_space<vmem>>
      %dma_start3A_86 = tpu.memref_squeeze %dma_start3A_85 : memref<1x512xi32, #tpu.memory_space<vmem>> -> memref<512xi32, #tpu.memory_space<vmem>>
      %dma_start3A_87 = arith.constant 0 : i32
      %dma_start3A_88 = arith.constant 0 : i32
      %dma_start3A_89 = tpu.memref_slice %arg12[%dma_start3A_87, %dma_start3A_88] : memref<10240x64xf32, #tpu.memory_space<vmem_shared>> -> memref<10240x64xf32, #tpu.memory_space<vmem_shared>>
      tpu.enqueue_indirect_dma source(%dma_start3A_83 : memref<512x64xf32, #tpu.memory_space<vmem>>) target(%dma_start3A_89 : memref<10240x64xf32, #tpu.memory_space<vmem_shared>>) offsets(%dma_start3A_86 : memref<512xi32, #tpu.memory_space<vmem>>) semaphore(%arg15 : memref<!tpu.dma_semaphore, #tpu.memory_space<semaphore_mem>>) {add = true}
      %add3A = arith.constant 1 : i32
      %add3A_90 = arith.addi %mul3A_68, %add3A : i32
      %dma_wait3A_91 = arith.constant 1 : i32
      %dma_wait3A_92 = arith.constant 0 : i32
      %dma_wait3A_93 = arith.constant 0 : i32
      %dma_wait3A_94 = tpu.memref_slice %arg11[%dma_wait3A_91, %dma_wait3A_92, %dma_wait3A_93] : memref<2x512x64xf32, #tpu.memory_space<vmem>> -> memref<1x512x64xf32, #tpu.memory_space<vmem>>
      %dma_wait3A_95 = tpu.memref_squeeze %dma_wait3A_94 : memref<1x512x64xf32, #tpu.memory_space<vmem>> -> memref<512x64xf32, #tpu.memory_space<vmem>>
      %dma_wait3A_96 = arith.constant 0 : i32
      %dma_wait3A_97 = tpu.memref_slice %arg9[%add3A_90, %dma_wait3A_96] : memref<20x512xi32, #tpu.memory_space<vmem>> -> memref<1x512xi32, #tpu.memory_space<vmem>>
      %dma_wait3A_98 = tpu.memref_squeeze %dma_wait3A_97 : memref<1x512xi32, #tpu.memory_space<vmem>> -> memref<512xi32, #tpu.memory_space<vmem>>
      %dma_wait3A_99 = arith.constant 0 : i32
      %dma_wait3A_100 = arith.constant 0 : i32
      %dma_wait3A_101 = tpu.memref_slice %arg2[%dma_wait3A_99, %dma_wait3A_100] : memref<10000x64xf32, #tpu.memory_space<hbm>> -> memref<10000x64xf32, #tpu.memory_space<hbm>>
      tpu.wait_indirect_dma semaphore(%arg14 : memref<!tpu.dma_semaphore, #tpu.memory_space<semaphore_mem>>) src(%dma_wait3A_101 : memref<10000x64xf32, #tpu.memory_space<hbm>>) dst(%dma_wait3A_95 : memref<512x64xf32, #tpu.memory_space<vmem>>)
      %add3A_102 = arith.constant 1 : i32
      %add3A_103 = arith.addi %mul3A_68, %add3A_102 : i32
      %dma_start3A_104 = arith.constant 1 : i32
      %dma_start3A_105 = arith.constant 0 : i32
      %dma_start3A_106 = arith.constant 0 : i32
      %dma_start3A_107 = tpu.memref_slice %arg11[%dma_start3A_104, %dma_start3A_105, %dma_start3A_106] : memref<2x512x64xf32, #tpu.memory_space<vmem>> -> memref<1x512x64xf32, #tpu.memory_space<vmem>>
      %dma_start3A_108 = tpu.memref_squeeze %dma_start3A_107 : memref<1x512x64xf32, #tpu.memory_space<vmem>> -> memref<512x64xf32, #tpu.memory_space<vmem>>
      %dma_start3A_109 = arith.constant 0 : i32
      %dma_start3A_110 = tpu.memref_slice %arg10[%add3A_103, %dma_start3A_109] : memref<20x512xi32, #tpu.memory_space<vmem>> -> memref<1x512xi32, #tpu.memory_space<vmem>>
      %dma_start3A_111 = tpu.memref_squeeze %dma_start3A_110 : memref<1x512xi32, #tpu.memory_space<vmem>> -> memref<512xi32, #tpu.memory_space<vmem>>
      %dma_start3A_112 = arith.constant 0 : i32
      %dma_start3A_113 = arith.constant 0 : i32
      %dma_start3A_114 = tpu.memref_slice %arg12[%dma_start3A_112, %dma_start3A_113] : memref<10240x64xf32, #tpu.memory_space<vmem_shared>> -> memref<10240x64xf32, #tpu.memory_space<vmem_shared>>
      tpu.enqueue_indirect_dma source(%dma_start3A_108 : memref<512x64xf32, #tpu.memory_space<vmem>>) target(%dma_start3A_114 : memref<10240x64xf32, #tpu.memory_space<vmem_shared>>) offsets(%dma_start3A_111 : memref<512xi32, #tpu.memory_space<vmem>>) semaphore(%arg16 : memref<!tpu.dma_semaphore, #tpu.memory_space<semaphore_mem>>) {add = true}
      %dma_wait3A_115 = arith.constant 0 : i32
      %dma_wait3A_116 = arith.constant 0 : i32
      %dma_wait3A_117 = arith.constant 0 : i32
      %dma_wait3A_118 = tpu.memref_slice %arg11[%dma_wait3A_115, %dma_wait3A_116, %dma_wait3A_117] : memref<2x512x64xf32, #tpu.memory_space<vmem>> -> memref<1x512x64xf32, #tpu.memory_space<vmem>>
      %dma_wait3A_119 = tpu.memref_squeeze %dma_wait3A_118 : memref<1x512x64xf32, #tpu.memory_space<vmem>> -> memref<512x64xf32, #tpu.memory_space<vmem>>
      %dma_wait3A_120 = arith.constant 0 : i32
      %dma_wait3A_121 = tpu.memref_slice %arg10[%mul3A_68, %dma_wait3A_120] : memref<20x512xi32, #tpu.memory_space<vmem>> -> memref<1x512xi32, #tpu.memory_space<vmem>>
      %dma_wait3A_122 = tpu.memref_squeeze %dma_wait3A_121 : memref<1x512xi32, #tpu.memory_space<vmem>> -> memref<512xi32, #tpu.memory_space<vmem>>
      %dma_wait3A_123 = arith.constant 0 : i32
      %dma_wait3A_124 = arith.constant 0 : i32
      %dma_wait3A_125 = tpu.memref_slice %arg12[%dma_wait3A_123, %dma_wait3A_124] : memref<10240x64xf32, #tpu.memory_space<vmem_shared>> -> memref<10240x64xf32, #tpu.memory_space<vmem_shared>>
      tpu.wait_indirect_dma semaphore(%arg15 : memref<!tpu.dma_semaphore, #tpu.memory_space<semaphore_mem>>) src(%dma_wait3A_119 : memref<512x64xf32, #tpu.memory_space<vmem>>) dst(%dma_wait3A_125 : memref<10240x64xf32, #tpu.memory_space<vmem_shared>>)
      %add3A_126 = arith.constant 2 : i32
      %add3A_127 = arith.addi %mul3A_68, %add3A_126 : i32
      %lt3A = arith.cmpi slt, %add3A_127, %select_n3A : i32
      %convert_element_type3A_128 = arith.extui %lt3A : i1 to i32
      %cond3A_129 = arith.constant 0 : i32
      %cond3A_130 = arith.cmpi ne, %convert_element_type3A_128, %cond3A_129 : i32
      scf.if %cond3A_130 {
        %add3A_150 = arith.constant 2 : i32
        %add3A_151 = arith.addi %mul3A_68, %add3A_150 : i32
        %dma_start3A_152 = arith.constant 0 : i32
        %dma_start3A_153 = arith.constant 0 : i32
        %dma_start3A_154 = arith.constant 0 : i32
        %dma_start3A_155 = tpu.memref_slice %arg11[%dma_start3A_152, %dma_start3A_153, %dma_start3A_154] : memref<2x512x64xf32, #tpu.memory_space<vmem>> -> memref<1x512x64xf32, #tpu.memory_space<vmem>>
        %dma_start3A_156 = tpu.memref_squeeze %dma_start3A_155 : memref<1x512x64xf32, #tpu.memory_space<vmem>> -> memref<512x64xf32, #tpu.memory_space<vmem>>
        %dma_start3A_157 = arith.constant 0 : i32
        %dma_start3A_158 = tpu.memref_slice %arg9[%add3A_151, %dma_start3A_157] : memref<20x512xi32, #tpu.memory_space<vmem>> -> memref<1x512xi32, #tpu.memory_space<vmem>>
        %dma_start3A_159 = tpu.memref_squeeze %dma_start3A_158 : memref<1x512xi32, #tpu.memory_space<vmem>> -> memref<512xi32, #tpu.memory_space<vmem>>
        %dma_start3A_160 = arith.constant 0 : i32
        %dma_start3A_161 = arith.constant 0 : i32
        %dma_start3A_162 = tpu.memref_slice %arg2[%dma_start3A_160, %dma_start3A_161] : memref<10000x64xf32, #tpu.memory_space<hbm>> -> memref<10000x64xf32, #tpu.memory_space<hbm>>
        tpu.enqueue_indirect_dma source(%dma_start3A_162 : memref<10000x64xf32, #tpu.memory_space<hbm>>) target(%dma_start3A_156 : memref<512x64xf32, #tpu.memory_space<vmem>>) offsets(%dma_start3A_159 : memref<512xi32, #tpu.memory_space<vmem>>) semaphore(%arg13 : memref<!tpu.dma_semaphore, #tpu.memory_space<semaphore_mem>>)
      } else {
      }
      %add3A_131 = arith.constant 1 : i32
      %add3A_132 = arith.addi %mul3A_68, %add3A_131 : i32
      %dma_wait3A_133 = arith.constant 1 : i32
      %dma_wait3A_134 = arith.constant 0 : i32
      %dma_wait3A_135 = arith.constant 0 : i32
      %dma_wait3A_136 = tpu.memref_slice %arg11[%dma_wait3A_133, %dma_wait3A_134, %dma_wait3A_135] : memref<2x512x64xf32, #tpu.memory_space<vmem>> -> memref<1x512x64xf32, #tpu.memory_space<vmem>>
      %dma_wait3A_137 = tpu.memref_squeeze %dma_wait3A_136 : memref<1x512x64xf32, #tpu.memory_space<vmem>> -> memref<512x64xf32, #tpu.memory_space<vmem>>
      %dma_wait3A_138 = arith.constant 0 : i32
      %dma_wait3A_139 = tpu.memref_slice %arg10[%add3A_132, %dma_wait3A_138] : memref<20x512xi32, #tpu.memory_space<vmem>> -> memref<1x512xi32, #tpu.memory_space<vmem>>
      %dma_wait3A_140 = tpu.memref_squeeze %dma_wait3A_139 : memref<1x512xi32, #tpu.memory_space<vmem>> -> memref<512xi32, #tpu.memory_space<vmem>>
      %dma_wait3A_141 = arith.constant 0 : i32
      %dma_wait3A_142 = arith.constant 0 : i32
      %dma_wait3A_143 = tpu.memref_slice %arg12[%dma_wait3A_141, %dma_wait3A_142] : memref<10240x64xf32, #tpu.memory_space<vmem_shared>> -> memref<10240x64xf32, #tpu.memory_space<vmem_shared>>
      tpu.wait_indirect_dma semaphore(%arg16 : memref<!tpu.dma_semaphore, #tpu.memory_space<semaphore_mem>>) src(%dma_wait3A_137 : memref<512x64xf32, #tpu.memory_space<vmem>>) dst(%dma_wait3A_143 : memref<10240x64xf32, #tpu.memory_space<vmem_shared>>)
      %add3A_144 = arith.constant 3 : i32
      %add3A_145 = arith.addi %mul3A_68, %add3A_144 : i32
      %lt3A_146 = arith.cmpi slt, %add3A_145, %select_n3A : i32
      %convert_element_type3A_147 = arith.extui %lt3A_146 : i1 to i32
      %cond3A_148 = arith.constant 0 : i32
      %cond3A_149 = arith.cmpi ne, %convert_element_type3A_147, %cond3A_148 : i32
      scf.if %cond3A_149 {
        %add3A_150 = arith.constant 3 : i32
        %add3A_151 = arith.addi %mul3A_68, %add3A_150 : i32
        %dma_start3A_152 = arith.constant 1 : i32
        %dma_start3A_153 = arith.constant 0 : i32
        %dma_start3A_154 = arith.constant 0 : i32
        %dma_start3A_155 = tpu.memref_slice %arg11[%dma_start3A_152, %dma_start3A_153, %dma_start3A_154] : memref<2x512x64xf32, #tpu.memory_space<vmem>> -> memref<1x512x64xf32, #tpu.memory_space<vmem>>
        %dma_start3A_156 = tpu.memref_squeeze %dma_start3A_155 : memref<1x512x64xf32, #tpu.memory_space<vmem>> -> memref<512x64xf32, #tpu.memory_space<vmem>>
        %dma_start3A_157 = arith.constant 0 : i32
        %dma_start3A_158 = tpu.memref_slice %arg9[%add3A_151, %dma_start3A_157] : memref<20x512xi32, #tpu.memory_space<vmem>> -> memref<1x512xi32, #tpu.memory_space<vmem>>
        %dma_start3A_159 = tpu.memref_squeeze %dma_start3A_158 : memref<1x512xi32, #tpu.memory_space<vmem>> -> memref<512xi32, #tpu.memory_space<vmem>>
        %dma_start3A_160 = arith.constant 0 : i32
        %dma_start3A_161 = arith.constant 0 : i32
        %dma_start3A_162 = tpu.memref_slice %arg2[%dma_start3A_160, %dma_start3A_161] : memref<10000x64xf32, #tpu.memory_space<hbm>> -> memref<10000x64xf32, #tpu.memory_space<hbm>>
        tpu.enqueue_indirect_dma source(%dma_start3A_162 : memref<10000x64xf32, #tpu.memory_space<hbm>>) target(%dma_start3A_156 : memref<512x64xf32, #tpu.memory_space<vmem>>) offsets(%dma_start3A_159 : memref<512xi32, #tpu.memory_space<vmem>>) semaphore(%arg14 : memref<!tpu.dma_semaphore, #tpu.memory_space<semaphore_mem>>)
      } else {
      }
    }
    %barrier3A_61 = arith.constant 0 : index
    tpu.barrier barrier_id(%barrier3A_61)
    %mul3A_62 = arith.constant 640 : i32
    %mul3A_63 = arith.muli %arg1, %mul3A_62 : i32
    %mul3A_64 = arith.constant 640 : i32
    %mul3A_65 = arith.muli %arg1, %mul3A_64 : i32
    "tpu.region"() ({
      %run_scoped3A = tpu.sem_alloc : memref<!tpu.dma_semaphore, #tpu.memory_space<semaphore_mem>>
      %dma_start3A_66 = arith.constant 0 : i32
      %dma_start3A_67 = tpu.memref_slice %arg8[%arg0, %mul3A_65, %dma_start3A_66] : memref<2x10240x64xf32, #tpu.memory_space<hbm>> -> memref<1x640x64xf32, #tpu.memory_space<hbm>>
      %dma_start3A_68 = tpu.memref_squeeze %dma_start3A_67 : memref<1x640x64xf32, #tpu.memory_space<hbm>> -> memref<640x64xf32, #tpu.memory_space<hbm>>
      %dma_start3A_69 = arith.constant 0 : i32
      %dma_start3A_70 = tpu.memref_slice %arg12[%mul3A_63, %dma_start3A_69] : memref<10240x64xf32, #tpu.memory_space<vmem_shared>> -> memref<640x64xf32, #tpu.memory_space<vmem_shared>>
      tpu.enqueue_dma source(%dma_start3A_70 : memref<640x64xf32, #tpu.memory_space<vmem_shared>>) target(%dma_start3A_68 : memref<640x64xf32, #tpu.memory_space<hbm>>) target_semaphore(%run_scoped3A : memref<!tpu.dma_semaphore, #tpu.memory_space<semaphore_mem>>)
      %dma_wait3A = arith.constant 0 : i32
      %dma_wait3A_71 = tpu.memref_slice %arg8[%arg0, %mul3A_65, %dma_wait3A] : memref<2x10240x64xf32, #tpu.memory_space<hbm>> -> memref<1x640x64xf32, #tpu.memory_space<hbm>>
      %dma_wait3A_72 = tpu.memref_squeeze %dma_wait3A_71 : memref<1x640x64xf32, #tpu.memory_space<hbm>> -> memref<640x64xf32, #tpu.memory_space<hbm>>
      %dma_wait3A_73 = arith.constant 0 : i32
      %dma_wait3A_74 = tpu.memref_slice %arg12[%mul3A_63, %dma_wait3A_73] : memref<10240x64xf32, #tpu.memory_space<vmem_shared>> -> memref<640x64xf32, #tpu.memory_space<vmem_shared>>
      tpu.wait_dma2 semaphore(%run_scoped3A : memref<!tpu.dma_semaphore, #tpu.memory_space<semaphore_mem>>) src(%dma_wait3A_74 : memref<640x64xf32, #tpu.memory_space<vmem_shared>>) dst(%dma_wait3A_72 : memref<640x64xf32, #tpu.memory_space<hbm>>)
      tpu.yield
    }) : () -> ()
    return
  }
}

module attributes {stable_mosaic.version = 14 : i64} {
  func.func @_proj2_body(%arg0: i32, %arg1: memref<1000x128xf32, #tpu.memory_space<vmem>>, %arg2: memref<64x128xf32, #tpu.memory_space<vmem>>, %arg3: memref<64x128xf32, #tpu.memory_space<vmem>>, %arg4: memref<1000x64xf32, #tpu.memory_space<vmem>>, %arg5: memref<1000x64xf32, #tpu.memory_space<vmem>>) attributes {dimension_semantics = [#tpu.dimension_semantics<arbitrary>], iteration_bounds = array<i64: 10>, scalar_prefetch = 0 : i64, scratch_operands = 0 : i64, tpu.core_type = #tpu.core_type<tc>, window_params = [{transform_indices = @transform_0, window_bounds = array<i64: 1000, 128>}, {pipeline_mode = #tpu.pipeline_mode<synchronous>, transform_indices = @transform_1, window_bounds = array<i64: 64, 128>}, {pipeline_mode = #tpu.pipeline_mode<synchronous>, transform_indices = @transform_2, window_bounds = array<i64: 64, 128>}, {transform_indices = @transform_3, window_bounds = array<i64: 1000, 64>}, {transform_indices = @transform_4, window_bounds = array<i64: 1000, 64>}]} {
    %get3A = arith.constant 0 : index
    %get3A_0 = arith.constant 0 : index
    %get3A_1 = vector.load %arg1[%get3A, %get3A_0] : memref<1000x128xf32, #tpu.memory_space<vmem>>, vector<1000x128xf32>
    %get3A_2 = arith.constant 0 : index
    %get3A_3 = arith.constant 0 : index
    %get3A_4 = vector.load %arg2[%get3A_2, %get3A_3] : memref<64x128xf32, #tpu.memory_space<vmem>>, vector<64x128xf32>
    %dot_general3A = arith.constant dense<0.000000e+00> : vector<1000x64xf32>
    %dot_general3A_5 = tpu.matmul %get3A_1, %get3A_4, %dot_general3A {dimension_numbers = #tpu.dot_dimension_numbers<[1], [1], [0], [0], [0, 0, 1, 0], [], []>, transpose_lhs_hint = false} : vector<1000x128xf32>, vector<64x128xf32>, vector<1000x64xf32> -> vector<1000x64xf32>
    %swap3A = arith.constant 0 : index
    %swap3A_6 = arith.constant 0 : index
    %swap3A_7 = vector.load %arg4[%swap3A, %swap3A_6] : memref<1000x64xf32, #tpu.memory_space<vmem>>, vector<1000x64xf32>
    tpu.vector_store %arg4[%swap3A, %swap3A_6], %dot_general3A_5 {strides = array<i32>} : memref<1000x64xf32, #tpu.memory_space<vmem>>, vector<1000x64xf32>,
    %get3A_8 = arith.constant 0 : index
    %get3A_9 = arith.constant 0 : index
    %get3A_10 = vector.load %arg3[%get3A_8, %get3A_9] : memref<64x128xf32, #tpu.memory_space<vmem>>, vector<64x128xf32>
    %dot_general3A_11 = arith.constant dense<0.000000e+00> : vector<1000x64xf32>
    %dot_general3A_12 = tpu.matmul %get3A_1, %get3A_10, %dot_general3A_11 {dimension_numbers = #tpu.dot_dimension_numbers<[1], [1], [0], [0], [0, 0, 1, 0], [], []>, transpose_lhs_hint = false} : vector<1000x128xf32>, vector<64x128xf32>, vector<1000x64xf32> -> vector<1000x64xf32>
    %swap3A_13 = arith.constant 0 : index
    %swap3A_14 = arith.constant 0 : index
    %swap3A_15 = vector.load %arg5[%swap3A_13, %swap3A_14] : memref<1000x64xf32, #tpu.memory_space<vmem>>, vector<1000x64xf32>
    tpu.vector_store %arg5[%swap3A_13, %swap3A_14], %dot_general3A_12 {strides = array<i32>} : memref<1000x64xf32, #tpu.memory_space<vmem>>, vector<1000x64xf32>,
    return
  }
  func.func @transform_0(%arg0: i32) -> (i32, i32) {
    %c0_i32 = arith.constant 0 : i32
    %c0_i32_0 = arith.constant 0 : i32
    return %arg0, %c0_i32 : i32, i32
  }
  func.func @transform_1(%arg0: i32) -> (i32, i32) {
    %c0_i32 = arith.constant 0 : i32
    %c0_i32_0 = arith.constant 0 : i32
    %c0_i32_1 = arith.constant 0 : i32
    return %c0_i32, %c0_i32_0 : i32, i32
  }
  func.func @transform_2(%arg0: i32) -> (i32, i32) {
    %c0_i32 = arith.constant 0 : i32
    %c0_i32_0 = arith.constant 0 : i32
    %c0_i32_1 = arith.constant 0 : i32
    return %c0_i32, %c0_i32_0 : i32, i32
  }
  func.func @transform_3(%arg0: i32) -> (i32, i32) {
    %c0_i32 = arith.constant 0 : i32
    %c0_i32_0 = arith.constant 0 : i32
    return %arg0, %c0_i32 : i32, i32
  }
  func.func @transform_4(%arg0: i32) -> (i32, i32) {
    %c0_i32 = arith.constant 0 : i32
    %c0_i32_0 = arith.constant 0 : i32
    return %arg0, %c0_i32 : i32, i32
  }
}

module attributes {stable_mosaic.version = 14 : i64} {
  func.func @_layer_body(%arg0: i32, %arg1: memref<2x1000x64xf32, #tpu.memory_space<vmem>>, %arg2: memref<1000x64xf32, #tpu.memory_space<vmem>>, %arg3: memref<1x64xf32, #tpu.memory_space<vmem>>, %arg4: memref<64x64xf32, #tpu.memory_space<vmem>>, %arg5: memref<64x64xf32, #tpu.memory_space<vmem>>, %arg6: memref<1000x64xf32, #tpu.memory_space<vmem>>, %arg7: memref<1000x64xf32, #tpu.memory_space<vmem>>) attributes {dimension_semantics = [#tpu.dimension_semantics<arbitrary>], iteration_bounds = array<i64: 10>, scalar_prefetch = 0 : i64, scratch_operands = 0 : i64, tpu.core_type = #tpu.core_type<tc>, window_params = [{transform_indices = @transform_0, window_bounds = array<i64: 2, 1000, 64>}, {transform_indices = @transform_1, window_bounds = array<i64: 1000, 64>}, {pipeline_mode = #tpu.pipeline_mode<synchronous>, transform_indices = @transform_2, window_bounds = array<i64: 1, 64>}, {pipeline_mode = #tpu.pipeline_mode<synchronous>, transform_indices = @transform_3, window_bounds = array<i64: 64, 64>}, {pipeline_mode = #tpu.pipeline_mode<synchronous>, transform_indices = @transform_4, window_bounds = array<i64: 64, 64>}, {transform_indices = @transform_5, window_bounds = array<i64: 1000, 64>}, {transform_indices = @transform_6, window_bounds = array<i64: 1000, 64>}]} {
    %get3A = arith.constant 0 : index
    %get3A_0 = arith.constant 0 : index
    %get3A_1 = arith.constant 0 : index
    %get3A_2 = vector.load %arg1[%get3A, %get3A_0, %get3A_1] : memref<2x1000x64xf32, #tpu.memory_space<vmem>>, vector<1x1000x64xf32>
    %get3A_3 = vector.shape_cast %get3A_2 : vector<1x1000x64xf32> to vector<1000x64xf32>
    %get3A_4 = arith.constant 1 : index
    %get3A_5 = arith.constant 0 : index
    %get3A_6 = arith.constant 0 : index
    %get3A_7 = vector.load %arg1[%get3A_4, %get3A_5, %get3A_6] : memref<2x1000x64xf32, #tpu.memory_space<vmem>>, vector<1x1000x64xf32>
    %get3A_8 = vector.shape_cast %get3A_7 : vector<1x1000x64xf32> to vector<1000x64xf32>
    %add3A = arith.addf %get3A_3, %get3A_8 : vector<1000x64xf32>
    %get3A_9 = arith.constant 0 : index
    %get3A_10 = arith.constant 0 : index
    %get3A_11 = vector.load %arg2[%get3A_9, %get3A_10] : memref<1000x64xf32, #tpu.memory_space<vmem>>, vector<1000x64xf32>
    %add3A_12 = arith.addf %add3A, %get3A_11 : vector<1000x64xf32>
    %get3A_13 = arith.constant 0 : index
    %get3A_14 = arith.constant 0 : index
    %get3A_15 = vector.load %arg3[%get3A_13, %get3A_14] : memref<1x64xf32, #tpu.memory_space<vmem>>, vector<1x64xf32>
    %add3A_16 = vector.broadcast %get3A_15 : vector<1x64xf32> to vector<1000x64xf32>
    %add3A_17 = arith.addf %add3A_12, %add3A_16 : vector<1000x64xf32>
    %max3A = arith.constant 0.000000e+00 : f32
    %max3A_18 = vector.broadcast %max3A : f32 to vector<1000x64xf32>
    %max3A_19 = arith.maximumf %add3A_17, %max3A_18 : vector<1000x64xf32>
    %get3A_20 = arith.constant 0 : index
    %get3A_21 = arith.constant 0 : index
    %get3A_22 = vector.load %arg4[%get3A_20, %get3A_21] : memref<64x64xf32, #tpu.memory_space<vmem>>, vector<64x64xf32>
    %dot_general3A = arith.constant dense<0.000000e+00> : vector<1000x64xf32>
    %dot_general3A_23 = tpu.matmul %max3A_19, %get3A_22, %dot_general3A {dimension_numbers = #tpu.dot_dimension_numbers<[1], [1], [0], [0], [0, 0, 1, 0], [], []>, transpose_lhs_hint = false} : vector<1000x64xf32>, vector<64x64xf32>, vector<1000x64xf32> -> vector<1000x64xf32>
    %swap3A = arith.constant 0 : index
    %swap3A_24 = arith.constant 0 : index
    %swap3A_25 = vector.load %arg6[%swap3A, %swap3A_24] : memref<1000x64xf32, #tpu.memory_space<vmem>>, vector<1000x64xf32>
    tpu.vector_store %arg6[%swap3A, %swap3A_24], %dot_general3A_23 {strides = array<i32>} : memref<1000x64xf32, #tpu.memory_space<vmem>>, vector<1000x64xf32>,
    %get3A_26 = arith.constant 0 : index
    %get3A_27 = arith.constant 0 : index
    %get3A_28 = vector.load %arg5[%get3A_26, %get3A_27] : memref<64x64xf32, #tpu.memory_space<vmem>>, vector<64x64xf32>
    %dot_general3A_29 = arith.constant dense<0.000000e+00> : vector<1000x64xf32>
    %dot_general3A_30 = tpu.matmul %max3A_19, %get3A_28, %dot_general3A_29 {dimension_numbers = #tpu.dot_dimension_numbers<[1], [1], [0], [0], [0, 0, 1, 0], [], []>, transpose_lhs_hint = false} : vector<1000x64xf32>, vector<64x64xf32>, vector<1000x64xf32> -> vector<1000x64xf32>
    %swap3A_31 = arith.constant 0 : index
    %swap3A_32 = arith.constant 0 : index
    %swap3A_33 = vector.load %arg7[%swap3A_31, %swap3A_32] : memref<1000x64xf32, #tpu.memory_space<vmem>>, vector<1000x64xf32>
    tpu.vector_store %arg7[%swap3A_31, %swap3A_32], %dot_general3A_30 {strides = array<i32>} : memref<1000x64xf32, #tpu.memory_space<vmem>>, vector<1000x64xf32>,
    return
  }
  func.func @transform_0(%arg0: i32) -> (i32, i32, i32) {
    %c0_i32 = arith.constant 0 : i32
    %c0_i32_0 = arith.constant 0 : i32
    %c0_i32_1 = arith.constant 0 : i32
    return %c0_i32, %arg0, %c0_i32_0 : i32, i32, i32
  }
  func.func @transform_1(%arg0: i32) -> (i32, i32) {
    %c0_i32 = arith.constant 0 : i32
    %c0_i32_0 = arith.constant 0 : i32
    return %arg0, %c0_i32 : i32, i32
  }
  func.func @transform_2(%arg0: i32) -> (i32, i32) {
    %c0_i32 = arith.constant 0 : i32
    %c0_i32_0 = arith.constant 0 : i32
    %c0_i32_1 = arith.constant 0 : i32
    return %c0_i32, %c0_i32_0 : i32, i32
  }
  func.func @transform_3(%arg0: i32) -> (i32, i32) {
    %c0_i32 = arith.constant 0 : i32
    %c0_i32_0 = arith.constant 0 : i32
    %c0_i32_1 = arith.constant 0 : i32
    return %c0_i32, %c0_i32_0 : i32, i32
  }
  func.func @transform_4(%arg0: i32) -> (i32, i32) {
    %c0_i32 = arith.constant 0 : i32
    %c0_i32_0 = arith.constant 0 : i32
    %c0_i32_1 = arith.constant 0 : i32
    return %c0_i32, %c0_i32_0 : i32, i32
  }
  func.func @transform_5(%arg0: i32) -> (i32, i32) {
    %c0_i32 = arith.constant 0 : i32
    %c0_i32_0 = arith.constant 0 : i32
    return %arg0, %c0_i32 : i32, i32
  }
  func.func @transform_6(%arg0: i32) -> (i32, i32) {
    %c0_i32 = arith.constant 0 : i32
    %c0_i32_0 = arith.constant 0 : i32
    return %arg0, %c0_i32 : i32, i32
  }
}

module attributes {stable_mosaic.version = 14 : i64} {
  func.func @_pool_body(%arg0: i32, %arg1: memref<2x1000x64xf32, #tpu.memory_space<vmem>>, %arg2: memref<1000x64xf32, #tpu.memory_space<vmem>>, %arg3: memref<1x64xf32, #tpu.memory_space<vmem>>, %arg4: memref<1000x1xi32, #tpu.memory_space<vmem>>, %arg5: memref<10x64xf32, #tpu.memory_space<vmem>>, %arg6: memref<1x10xf32, #tpu.memory_space<vmem>>, %arg7: memref<128x10xf32, #tpu.memory_space<vmem>>, %arg8: memref<128x65xf32, #tpu.memory_space<vmem>>) attributes {dimension_semantics = [#tpu.dimension_semantics<arbitrary>], iteration_bounds = array<i64: 10>, scalar_prefetch = 0 : i64, scratch_operands = 1 : i64, tpu.core_type = #tpu.core_type<tc>, window_params = [{transform_indices = @transform_0, window_bounds = array<i64: 2, 1000, 64>}, {transform_indices = @transform_1, window_bounds = array<i64: 1000, 64>}, {pipeline_mode = #tpu.pipeline_mode<synchronous>, transform_indices = @transform_2, window_bounds = array<i64: 1, 64>}, {transform_indices = @transform_3, window_bounds = array<i64: 1000, 1>}, {pipeline_mode = #tpu.pipeline_mode<synchronous>, transform_indices = @transform_4, window_bounds = array<i64: 10, 64>}, {pipeline_mode = #tpu.pipeline_mode<synchronous>, transform_indices = @transform_5, window_bounds = array<i64: 1, 10>}, {pipeline_mode = #tpu.pipeline_mode<synchronous>, transform_indices = @transform_6, window_bounds = array<i64: 128, 10>}]} {
    %eq3A = arith.constant 0 : i32
    %eq3A_0 = arith.cmpi eq, %arg0, %eq3A : i32
    %convert_element_type3A = arith.extui %eq3A_0 : i1 to i32
    %cond3A = arith.constant 0 : i32
    %cond3A_1 = arith.cmpi ne, %convert_element_type3A, %cond3A : i32
    scf.if %cond3A_1 {
      %broadcast_in_dim3A_42 = arith.constant 0.000000e+00 : f32
      %broadcast_in_dim3A_43 = vector.broadcast %broadcast_in_dim3A_42 : f32 to vector<128x65xf32>
      %swap3A_44 = arith.constant 0 : index
      %swap3A_45 = arith.constant 0 : index
      %swap3A_46 = vector.load %arg8[%swap3A_44, %swap3A_45] : memref<128x65xf32, #tpu.memory_space<vmem>>, vector<128x65xf32>
      tpu.vector_store %arg8[%swap3A_44, %swap3A_45], %broadcast_in_dim3A_43 {strides = array<i32>} : memref<128x65xf32, #tpu.memory_space<vmem>>, vector<128x65xf32>,
    } else {
    }
    %get3A = arith.constant 0 : index
    %get3A_2 = arith.constant 0 : index
    %get3A_3 = arith.constant 0 : index
    %get3A_4 = vector.load %arg1[%get3A, %get3A_2, %get3A_3] : memref<2x1000x64xf32, #tpu.memory_space<vmem>>, vector<1x1000x64xf32>
    %get3A_5 = vector.shape_cast %get3A_4 : vector<1x1000x64xf32> to vector<1000x64xf32>
    %get3A_6 = arith.constant 1 : index
    %get3A_7 = arith.constant 0 : index
    %get3A_8 = arith.constant 0 : index
    %get3A_9 = vector.load %arg1[%get3A_6, %get3A_7, %get3A_8] : memref<2x1000x64xf32, #tpu.memory_space<vmem>>, vector<1x1000x64xf32>
    %get3A_10 = vector.shape_cast %get3A_9 : vector<1x1000x64xf32> to vector<1000x64xf32>
    %add3A = arith.addf %get3A_5, %get3A_10 : vector<1000x64xf32>
    %get3A_11 = arith.constant 0 : index
    %get3A_12 = arith.constant 0 : index
    %get3A_13 = vector.load %arg2[%get3A_11, %get3A_12] : memref<1000x64xf32, #tpu.memory_space<vmem>>, vector<1000x64xf32>
    %add3A_14 = arith.addf %add3A, %get3A_13 : vector<1000x64xf32>
    %get3A_15 = arith.constant 0 : index
    %get3A_16 = arith.constant 0 : index
    %get3A_17 = vector.load %arg3[%get3A_15, %get3A_16] : memref<1x64xf32, #tpu.memory_space<vmem>>, vector<1x64xf32>
    %add3A_18 = vector.broadcast %get3A_17 : vector<1x64xf32> to vector<1000x64xf32>
    %add3A_19 = arith.addf %add3A_14, %add3A_18 : vector<1000x64xf32>
    %max3A = arith.constant 0.000000e+00 : f32
    %max3A_20 = vector.broadcast %max3A : f32 to vector<1000x64xf32>
    %max3A_21 = arith.maximumf %add3A_19, %max3A_20 : vector<1000x64xf32>
    %broadcast_in_dim3A = arith.constant 1.000000e+00 : f32
    %broadcast_in_dim3A_22 = vector.broadcast %broadcast_in_dim3A : f32 to vector<1000x1xf32>
    %concatenate3A = tpu.concatenate %max3A_21, %broadcast_in_dim3A_22 in 1 : vector<1000x64xf32>, vector<1000x1xf32> -> vector<1000x65xf32>
    %get3A_23 = arith.constant 0 : index
    %get3A_24 = arith.constant 0 : index
    %get3A_25 = vector.load %arg4[%get3A_23, %get3A_24] : memref<1000x1xi32, #tpu.memory_space<vmem>>, vector<1000x1xi32>
    %iota3A = tpu.iota {dimensions = array<i32: 1>} : vector<1000x128xi32>
    %eq3A_26 = vector.broadcast %get3A_25 : vector<1000x1xi32> to vector<1000x128xi32>
    %eq3A_27 = arith.cmpi eq, %eq3A_26, %iota3A : vector<1000x128xi32>
    %convert_element_type3A_28 = arith.extui %eq3A_27 : vector<1000x128xi1> to vector<1000x128xi32>
    %convert_element_type3A_29 = arith.sitofp %convert_element_type3A_28 : vector<1000x128xi32> to vector<1000x128xf32>
    %get3A_30 = arith.constant 0 : index
    %get3A_31 = arith.constant 0 : index
    %get3A_32 = vector.load %arg8[%get3A_30, %get3A_31] : memref<128x65xf32, #tpu.memory_space<vmem>>, vector<128x65xf32>
    %dot_general3A = arith.constant dense<0.000000e+00> : vector<128x65xf32>
    %dot_general3A_33 = tpu.matmul %convert_element_type3A_29, %concatenate3A, %dot_general3A {dimension_numbers = #tpu.dot_dimension_numbers<[0], [0], [1], [1], [0, 1, 1, 1], [], []>, transpose_lhs_hint = false} : vector<1000x128xf32>, vector<1000x65xf32>, vector<128x65xf32> -> vector<128x65xf32>
    %add3A_34 = arith.addf %get3A_32, %dot_general3A_33 : vector<128x65xf32>
    %swap3A = arith.constant 0 : index
    %swap3A_35 = arith.constant 0 : index
    %swap3A_36 = vector.load %arg8[%swap3A, %swap3A_35] : memref<128x65xf32, #tpu.memory_space<vmem>>, vector<128x65xf32>
    tpu.vector_store %arg8[%swap3A, %swap3A_35], %add3A_34 {strides = array<i32>} : memref<128x65xf32, #tpu.memory_space<vmem>>, vector<128x65xf32>,
    %eq3A_37 = arith.constant 9 : i32
    %eq3A_38 = arith.cmpi eq, %arg0, %eq3A_37 : i32
    %convert_element_type3A_39 = arith.extui %eq3A_38 : i1 to i32
    %cond3A_40 = arith.constant 0 : i32
    %cond3A_41 = arith.cmpi ne, %convert_element_type3A_39, %cond3A_40 : i32
    scf.if %cond3A_41 {
      %get3A_42 = arith.constant 0 : index
      %get3A_43 = arith.constant 0 : index
      %get3A_44 = vector.load %arg8[%get3A_42, %get3A_43] : memref<128x65xf32, #tpu.memory_space<vmem>>, vector<128x64xf32>
      %get3A_45 = arith.constant 0 : index
      %get3A_46 = arith.constant 64 : index
      %get3A_47 = vector.load %arg8[%get3A_45, %get3A_46] : memref<128x65xf32, #tpu.memory_space<vmem>>, vector<128x1xf32>
      %max3A_48 = arith.constant 1.000000e+00 : f32
      %max3A_49 = vector.broadcast %max3A_48 : f32 to vector<128x1xf32>
      %max3A_50 = arith.maximumf %get3A_47, %max3A_49 : vector<128x1xf32>
      %div3A = vector.broadcast %max3A_50 : vector<128x1xf32> to vector<128x64xf32>
      %div3A_51 = arith.divf %get3A_44, %div3A : vector<128x64xf32>
      %get3A_52 = arith.constant 0 : index
      %get3A_53 = arith.constant 0 : index
      %get3A_54 = vector.load %arg5[%get3A_52, %get3A_53] : memref<10x64xf32, #tpu.memory_space<vmem>>, vector<10x64xf32>
      %dot_general3A_55 = arith.constant dense<0.000000e+00> : vector<128x10xf32>
      %dot_general3A_56 = tpu.matmul %div3A_51, %get3A_54, %dot_general3A_55 {dimension_numbers = #tpu.dot_dimension_numbers<[1], [1], [0], [0], [0, 0, 1, 0], [], []>, transpose_lhs_hint = false} : vector<128x64xf32>, vector<10x64xf32>, vector<128x10xf32> -> vector<128x10xf32>
      %get3A_57 = arith.constant 0 : index
      %get3A_58 = arith.constant 0 : index
      %get3A_59 = vector.load %arg6[%get3A_57, %get3A_58] : memref<1x10xf32, #tpu.memory_space<vmem>>, vector<1x10xf32>
      %add3A_60 = vector.broadcast %get3A_59 : vector<1x10xf32> to vector<128x10xf32>
      %add3A_61 = arith.addf %dot_general3A_56, %add3A_60 : vector<128x10xf32>
      %swap3A_62 = arith.constant 0 : index
      %swap3A_63 = arith.constant 0 : index
      %swap3A_64 = vector.load %arg7[%swap3A_62, %swap3A_63] : memref<128x10xf32, #tpu.memory_space<vmem>>, vector<128x10xf32>
      tpu.vector_store %arg7[%swap3A_62, %swap3A_63], %add3A_61 {strides = array<i32>} : memref<128x10xf32, #tpu.memory_space<vmem>>, vector<128x10xf32>,
    } else {
    }
    return
  }
  func.func @transform_0(%arg0: i32) -> (i32, i32, i32) {
    %c0_i32 = arith.constant 0 : i32
    %c0_i32_0 = arith.constant 0 : i32
    %c0_i32_1 = arith.constant 0 : i32
    return %c0_i32, %arg0, %c0_i32_0 : i32, i32, i32
  }
  func.func @transform_1(%arg0: i32) -> (i32, i32) {
    %c0_i32 = arith.constant 0 : i32
    %c0_i32_0 = arith.constant 0 : i32
    return %arg0, %c0_i32 : i32, i32
  }
  func.func @transform_2(%arg0: i32) -> (i32, i32) {
    %c0_i32 = arith.constant 0 : i32
    %c0_i32_0 = arith.constant 0 : i32
    %c0_i32_1 = arith.constant 0 : i32
    return %c0_i32, %c0_i32_0 : i32, i32
  }
  func.func @transform_3(%arg0: i32) -> (i32, i32) {
    %c0_i32 = arith.constant 0 : i32
    %c0_i32_0 = arith.constant 0 : i32
    return %arg0, %c0_i32 : i32, i32
  }
  func.func @transform_4(%arg0: i32) -> (i32, i32) {
    %c0_i32 = arith.constant 0 : i32
    %c0_i32_0 = arith.constant 0 : i32
    %c0_i32_1 = arith.constant 0 : i32
    return %c0_i32, %c0_i32_0 : i32, i32
  }
  func.func @transform_5(%arg0: i32) -> (i32, i32) {
    %c0_i32 = arith.constant 0 : i32
    %c0_i32_0 = arith.constant 0 : i32
    %c0_i32_1 = arith.constant 0 : i32
    return %c0_i32, %c0_i32_0 : i32, i32
  }
  func.func @transform_6(%arg0: i32) -> (i32, i32) {
    %c0_i32 = arith.constant 0 : i32
    %c0_i32_0 = arith.constant 0 : i32
    %c0_i32_1 = arith.constant 0 : i32
    return %c0_i32, %c0_i32_0 : i32, i32
  }
}

</mosaic_0001>

<sc_bundles>
// kernel: kernel.10.cloned.1.call-start
scs
__scs_entry_jumppad:
0x0: {  	(pc) =	sbr.rel $0x88, $3  }
0x1: {  	(tag) =	ssettag $0x0;
	lr =	simm.s32 $0x1  }
0x2: {  	[smem:$0x3F96] =	sst lr;
	_ =	strace $0xD0000000  }
0x3: {  	_ = 	snop  }
0x4: {  	_ = 	snop  }
0x5: {  	_ = 	snop  }
0x6: {  	_ = 	snop  }
0x7: {  	_ = 	snop  }
__scs_overlays_trampoline_lowered:
0x8: {  	[smem:$0x3FA5] =	sst s0  }
0x9: {  	[smem:$0x3FA6] =	sst s1  }
0xa: {  	[smem:$0x3FA7] =	sst s2  }
0xb: {  	[smem:$0x3FA8] =	sst s3  }
0xc: {  	[smem:$0x3FA9] =	sst s4  }
0xd: {  	[smem:$0x3FAA] =	sst s5  }
0xe: {  	[smem:$0x3FAB] =	sst s6  }
0xf: {  	[smem:$0x3FAC] =	sst s7  }
0x10: {  	[smem:$0x3FAD] =	sst s8  }
0x11: {  	[smem:$0x3FAE] =	sst s9;
	s0 =	simm.s32 @!p0 $0x0  }
0x12: {  	s1 =	sld [smem:$0x3F94];
	s0 =	simm.s32 @p0 $0x1  }
0x13: {  	[smem:$0x3FAF] =	sst s0;
	s0 =	simm.s32 @!p1 $0x0  }
0x14: {  	s2 =	sld [smem:$0x3F93];
	s0 =	simm.s32 @p1 $0x1  }
0x15: {  	[smem:$0x3FB0] =	sst s0;
	s0 =	simm.s32 @!p2 $0x0  }
0x16: {  	s3 =	sld [smem:$0x3FDB];
	s0 =	simm.s32 @p2 $0x1  }
0x17: {  	s4 =	simm.s32 $0x1BF5;
	[smem:$0x3FB2] =	sst s0  }
0x18: {  	s0 =	sld [smem:$0x3F95];
	_ =	swait.ge [sflag:s4], $0x0  }
0x19: {  	s7 =	sld [smem:$0x3F96]  }
0x1a: {  	s8 =	sadd.s32 $0xFFFFE003, lr  }
0x1b: {  	s9 =	sadd.s32 $0xFFFFFEF7, lr;
	s5 =	simm.s32 $0xFFFFFFFF;
	p2 =	slt.u32 s8, $0xFFFFF086  }
0x1c: {  	p1 =	slt.u32 s9, $0xF7A;
	s5 =	simm.s32 @!p2 $0x0  }
0x1d: {  	s5 =	simm.s32 @p1 $0x1;
	p0 =	seq.s32 s7, s2  }
0x1e: {  	s7 =	smul.u32 @!p0 $0xF7A, s2;
	p2 =	seq.s32 @!p0 s5, $0x0  }
0x1f: {  	s9 =	smul.u32 $0xF7A, s1;
	s8 =	simm.s32 @!p0 $0x1BF5;
	p2 =	por !p2, p0  }
0x20: {  	[sflag:s8] =	ssyncset.s32 @!p0 $0xFFFFF086;
	s6 =	sadd.s32 @!p0 s3, s7;
	s7 =	simm.s32 @!p0 $0x108  }
0x21: {  	s3 =	sadd.s32 s3, s9;
	s6 =	sadd.s32 @!p0 $0x88, s6;
	s7 =	simm.s32 @p2 $0x1082  }
0x22: {  	[simem:s7], [sflag:s8] =	dma.local @!p0 [hbm:s6], $0xF7A  }
0x23: {  	s9 =	sor.u32 $0xD0000000, s2;
	s6 =	simm.s32 $0x108;
	_ =	swait.ge @!p0 [sflag:s8], $0x0  }
0x24: {  	s3 =	sadd.s32 $0x88, s3;
	s6 =	simm.s32 @!p1 $0x1082;
	[sflag:s4] =	ssyncset.s32 $0xFFFFF086  }
0x25: {  	[simem:s6], [sflag:s4] =	dma.local [hbm:s3], $0xF7A  }
0x26: {  	[smem:$0x3F96] =	sst s1;
	(tag) =	ssettag s2;
	_ =	strace s9  }
0x27: {  	s1 =	sld [smem:$0x3FA6]  }
0x28: {  	s2 =	sld [smem:$0x3FA7]  }
0x29: {  	s4 =	sld [smem:$0x3FA9]  }
0x2a: {  	p0 =	seq.s32 s5, $0x0;
	s5 =	sld [smem:$0x3FAA]  }
0x2b: {  	s6 =	sld [smem:$0x3FAB]  }
0x2c: {  	s7 =	sld [smem:$0x3FAC]  }
0x2d: {  	s3 =	simm.s32 $0x108;
	s8 =	sld [smem:$0x3FAD]  }
0x2e: {  	s3 =	simm.s32 @!p0 $0x1082;
	s9 =	sld [smem:$0x3FAE]  }
0x2f: {  	lr =	sadd.s32 s0, s3;
	s0 =	sld [smem:$0x3FA5]  }
0x30: {  	s3 =	sld [smem:$0x3FA8]  }
0x31: {  	[smem:$0x3FB1] =	sst s10  }
0x32: {  	s10 =	sld [smem:$0x3FAF];
	_ =	sdelay $0x3  }
0x33: {  	p0 =	seq.s32 s10, $0x1;
	s10 =	sld [smem:$0x3FB1];
	_ =	sdelay $0x3  }
0x34: {  	[smem:$0x3FB1] =	sst s10  }
0x35: {  	s10 =	sld [smem:$0x3FB0];
	_ =	sdelay $0x3  }
0x36: {  	p1 =	seq.s32 s10, $0x1;
	s10 =	sld [smem:$0x3FB1];
	_ =	sdelay $0x3  }
0x37: {  	[smem:$0x3FB1] =	sst s10  }
0x38: {  	s10 =	sld [smem:$0x3FB2]  }
0x39: {  	_ = 	snop;
	(pc) =	sbr.ind lr, $3  }
0x3a: {  	_ = 	snop  }
0x3b: {  	_ = 	snop  }
0x3c: {  	p2 =	seq.s32 s10, $0x1;
	s10 =	sld [smem:$0x3FB1]  }
0x3d: {  	_ =	shalt  }
0x3e: {  	_ =	shalt  }
0x3f: {  	_ =	shalt  }
0x40: {  	_ =	shalt  }
0x41: {  	_ =	shalt  }
0x42: {  	_ =	shalt  }
0x43: {  	_ =	shalt  }
0x44: {  	_ =	shalt  }
0x45: {  	_ =	shalt  }
0x46: {  	_ =	shalt  }
0x47: {  	_ =	shalt  }
0x48: {  	_ =	shalt  }
0x49: {  	_ =	shalt  }
0x4a: {  	_ =	shalt  }
0x4b: {  	_ =	shalt  }
0x4c: {  	_ =	shalt  }
0x4d: {  	_ =	shalt  }
0x4e: {  	_ =	shalt  }
0x4f: {  	_ =	shalt  }
0x50: {  	_ =	shalt  }
0x51: {  	_ =	shalt  }
0x52: {  	_ =	shalt  }
0x53: {  	_ =	shalt  }
0x54: {  	_ =	shalt  }
0x55: {  	_ =	shalt  }
0x56: {  	_ =	shalt  }
0x57: {  	_ =	shalt  }
0x58: {  	_ =	shalt  }
0x59: {  	_ =	shalt  }
0x5a: {  	_ =	shalt  }
0x5b: {  	_ =	shalt  }
0x5c: {  	_ =	shalt  }
0x5d: {  	_ =	shalt  }
0x5e: {  	_ =	shalt  }
0x5f: {  	_ =	shalt  }
0x60: {  	_ =	shalt  }
0x61: {  	_ =	shalt  }
0x62: {  	_ =	shalt  }
0x63: {  	_ =	shalt  }
0x64: {  	_ =	shalt  }
0x65: {  	_ =	shalt  }
0x66: {  	_ =	shalt  }
0x67: {  	_ =	shalt  }
0x68: {  	_ =	shalt  }
0x69: {  	_ =	shalt  }
0x6a: {  	_ =	shalt  }
0x6b: {  	_ =	shalt  }
0x6c: {  	_ =	shalt  }
0x6d: {  	_ =	shalt  }
0x6e: {  	_ =	shalt  }
0x6f: {  	_ =	shalt  }
0x70: {  	_ =	shalt  }
0x71: {  	_ =	shalt  }
0x72: {  	_ =	shalt  }
0x73: {  	_ =	shalt  }
0x74: {  	_ =	shalt  }
0x75: {  	_ =	shalt  }
0x76: {  	_ =	shalt  }
0x77: {  	_ =	shalt  }
0x78: {  	_ =	shalt  }
0x79: {  	_ =	shalt  }
0x7a: {  	_ =	shalt  }
0x7b: {  	_ =	shalt  }
0x7c: {  	_ =	shalt  }
0x7d: {  	_ =	shalt  }
0x7e: {  	_ =	shalt  }
0x7f: {  	_ =	shalt  }
0x80: {  	_ =	shalt  }
0x81: {  	_ =	shalt  }
0x82: {  	_ =	shalt  }
0x83: {  	_ =	shalt  }
0x84: {  	_ =	shalt  }
0x85: {  	_ =	shalt  }
0x86: {  	_ =	shalt  }
0x87: {  	_ =	shalt  }
.Lfunc_end0:
.L_simem_size_0:
called_computation.1_lowered:
.L_overlay_start_0:
0x88: {  	s2 =	sld [smem:$0x3FD9]  }
0x89: {  	s3 =	sld [smem:$0x3FFE];
	_ =	sdelay $0x1  }
0x8a: {  	s1 =	srdreg.scid  }
0x8b: {  	s0 =	sand.u32 $0x1, s1  }
0x8c: {  	s16 =	sshll.u32 s0, $0xA;
	s2 =	sadd.s32 s3, s2  }
0x8d: {  	s2 =	sadd.s32 s2, s16  }
0x8e: {  	[smem:$0x3FBD] =	sst s2  }
0x8f: {  	_ = 	snop  }
0x90: {  	(tm) =	ssettm $0x1  }
0x91: {  	s17 =	sld [smem:$0x3FFB];
	_ =	sdelay $0x3  }
0x92: {  	_ =	strace s17  }
0x93: {  	s2 =	sld [smem:$0x3FFC];
	_ =	sdelay $0x3  }
0x94: {  	_ =	strace s2  }
0x95: {  	s2 =	sld [smem:$0x3FFD];
	_ =	sdelay $0x3  }
0x96: {  	_ =	strace s2  }
0x97: {  	_ =	strace $0x8FFFFFFF  }
0x98: {  	s18 =	sld [smem:$0x3FDB];
	_ =	sdelay $0x1  }
0x99: {  	s19 =	simm.s32 $_scs_section_size  }
0x9a: {  	s4 =	simm.s32 $_size__tile_overlayer_lowered;
	s5 =	simm.s32 $_tile_overlayer_lowered  }
0x9b: {  	s22 =	simm.s32 $0x1BFF;
	s21 =	sshll.u32 s5, $0x1;
	s2 =	sadd.s32 s19, s18  }
0x9c: {  	s6 =	simm.s32 $0x0;
	s20 =	sshll.u32 s4, $0x1;
	s4 =	sadd.s32 s21, s2  }
0x9d: {  	[timem:s6], [sflag:s22] =	dma.local [hbm:s4], s20  }
0x9e: {  	_ =	swait.ge [sflag:s22], s20  }
0x9f: {  	s3 =	ssub.s32 $0x0, s20;
	[sflag:s22] =	ssyncset.done $0x0  }
0xa0: {  	[sflag:s22] =	ssyncadd.s32 s3;
	_ =	sdelay $0x1  }
0xa1: {  	s23 =	simm.s32 $0x1B8B  }
0xa2: {  	_ =	swait.ge [sflag:s23], $0x1  }
0xa3: {  	[sflag:s23] =	ssyncset.done $0x0  }
0xa4: {  	s25 =	simm.s32 $0x1B8E;
	s24 =	sld [smem:$0x3FFE];
	[sflag:s23] =	ssyncadd.s32 $0xFFFFFFFF  }
0xa5: {  	s26 =	simm.s32 $execute0_lowered;
	[smem:$0x3FD2] =	sst s25  }
0xa6: {  	s4 =	sshll.u32 s26, $0x1;
	_ =	strace $0x80000049;
	[dreg:$0x1] =	wrdreg $0xFFFFFFFF  }
0xa7: {  	s28 =	simm.s32 $_size_execute0_lowered;
	s2 =	sadd.s32 s2, s4;
	[dreg:$0x0] =	wrdreg $0x0  }
0xa8: {  	s4 =	sshll.u32 s28, $0x1;
	[dreg:$0x2] =	wrdreg s2  }
0xa9: {  	[dreg:$0x3] =	wrdreg s4  }
0xaa: {  	[dreg:$0x4] =	wrdreg $0xC0  }
0xab: {  	_ =	task [dreg:s6], $0x5FFFF  }
0xac: {  	[dreg:$0x1] =	wrdreg $0xFFFFFFFF  }
0xad: {  	[dreg:$0x0] =	wrdreg $0x60  }
0xae: {  	[dreg:$0x2] =	wrdreg s24  }
0xaf: {  	[dreg:$0x3] =	wrdreg $0x150000  }
0xb0: {  	[dreg:$0x4] =	wrdreg $0x9  }
0xb1: {  	_ =	task.clear_ibuf [dreg:s6], $0x5FFFF;
	_ =	strace $0x90000049  }
0xb2: {  	s29 =	simm.s32 $0x9;
	_ =	strace $0x8000004B  }
0xb3: {  	_ =	swait.ge [sflag:s29], $0x1  }
0xb4: {  	[sflag:s29] =	ssyncadd.s32 $0xFFFFFFFF  }
0xb5: {  	_ =	strace $0x9000004B  }
0xb6: {  	_ =	sfence  }
0xb7: {  	s30 =	sld [smem:$0x0];
	_ =	sdelay $0x2  }
0xb8: {  	s31 =	sshll.u32 s1, $0xD;
	s1 =	sshrl.u32 s1, $0x2  }
0xb9: {  	s3 =	sand.u32 $0x4000, s31;
	s1 =	sadd.s32 s1, s30  }
0xba: {  	s0 =	sor.u32 s3, s0;
	s1 =	sshll.u32 s1, $0x11  }
0xbb: {  	s0 =	sor.u32 s1, s0  }
0xbc: {  	s0 =	sadd.s32 $0x8F2B, s0  }
0xbd: {  	[sflag:s0] =	ssyncadd.remote.s32 $0x1  }
0xbe: {  	_ =	sfence.sel $0xFFFF  }
0xbf: {  	[dreg:$0x0] =	wrdreg $0xFFFFFFFF;
	(pc) =	sbr.abs _section_cstart, $3  }
0xc0: {  	[dreg:$0x1] =	wrdreg $0xFFFFFFFF  }
0xc1: {  	_ =	task.clear_ibuf [dreg:s6], $0x2FFFF;
	_ =	strace $0x9FFFFFFF  }
0xc2: {  	(tm) =	ssettm $0x7FFFFFFF  }
0xc3: {  	_ =	shalt  }
tec
execute0_lowered:
.L_overlay_start_1:
0x0: {  	(tag) =	ssettag $0x1  }
0x1: {  	s0 =	rddreg [dreg:$0x0]  }
0x2: {  	s2 =	rddreg [dreg:$0x1];
	s1 =	srdreg.scid  }
0x3: {  	s11 =	stileid.u32;
	s30 =	simm.s32 $0x0;
	s22 =	simm.s32 $0x2A00  }
0x4: {  	s23 =	simm.s32 $0x400;
	s24 =	simm.s32 $0x600;
	s25 =	simm.s32 $0x2C00  }
0x5: {  	s26 =	simm.s32 $0x2E00;
	[smem:$0x7FF] =	sst s30;
	s9 =	sadd.s32 $0x29C00, s0  }
0x6: {  	s13 =	simm.s32 $0xC00;
	_ =	strace $0x8000004A;
	[dreg:$0x3] =	wrdreg s9  }
0x7: {  	s14 =	simm.s32 $0xE00;
	s15 =	simm.s32 $0x3400;
	[dreg:$0x7] =	wrdreg s22  }
0x8: {  	s31 =	simm.s32 $0x2800;
	s16 =	simm.s32 $0x3600;
	[dreg:$0x8] =	wrdreg s23  }
0x9: {  	s18 =	simm.s32 $0x1000;
	s19 =	simm.s32 $0x1200;
	[dreg:$0x9] =	wrdreg s24  }
0xa: {  	s29 =	simm.s32 $0x1A00;
	s28 =	simm.s32 $0x4000;
	[dreg:$0xa] =	wrdreg s25  }
0xb: {  	s1 =	sand.u32 $0x1, s1;
	s3 =	smul.u32 $0xA000, s11;
	[dreg:$0xb] =	wrdreg s26  }
0xc: {  	s5 =	sadd.s32 $0x7200, s0;
	s6 =	sadd.s32 $0x2200, s0;
	[dreg:$0x10] =	wrdreg s13  }
0xd: {  	s7 =	sadd.s32 $0xC200, s0;
	s8 =	sadd.s32 $0x11200, s0;
	[dreg:$0x11] =	wrdreg s14  }
0xe: {  	s10 =	smul.u32 $0x500, s11;
	s17 =	sshll.u32 s11, $0x6;
	[dreg:$0x12] =	wrdreg s15  }
0xf: {  	s11 =	simm.s32 $0x4;
	s4 =	smul.u32 $0xA0000, s1;
	[dreg:$0x13] =	wrdreg s16  }
0x10: {  	p0 =	seq.s32 s1, $0x1;
	s1 =	ssub.s32 $0x2, s1;
	[dreg:$0x14] =	wrdreg s18  }
0x11: {  	s9 =	simm.s32 $0x3000;
	[dreg:$0x15] =	wrdreg s19;
	s22 =	simm.s32 $0x1400  }
0x12: {  	s23 =	simm.s32 $0x1600;
	s13 =	simm.s32 $0x1;
	s24 =	simm.s32 $0x3C00  }
0x13: {  	s25 =	simm.s32 $0x3E00;
	s26 =	simm.s32 $0x1800;
	s19 =	simm.s32 $0x2200  }
0x14: {  	s18 =	simm.s32 $0x4A00;
	s16 =	simm.s32 $0x2600;
	[dreg:$0xe] =	wrdreg s9  }
0x15: {  	s15 =	simm.s32 $0x4C00;
	s14 =	simm.s32 $0x4E00;
	[dreg:$0x18] =	wrdreg s22  }
0x16: {  	s5 =	smov.u32 @p0 s7;
	s6 =	smov.u32 @p0 s8;
	[dreg:$0x19] =	wrdreg s23  }
0x17: {  	s7 =	simm.s32 $0xA00;
	s8 =	sshrl.u32 s1, $0x1;
	[dreg:$0x1a] =	wrdreg s24  }
0x18: {  	s12 =	sadd.s32 s3, s2;
	s9 =	simm.s32 $0x5000;
	[dreg:$0x1b] =	wrdreg s25  }
0x19: {  	[dreg:$0x1c] =	wrdreg s26;
	s26 =	simm.s32 $0x4200;
	s25 =	simm.s32 $0x1C00  }
0x1a: {  	s24 =	simm.s32 $0x1E00;
	s23 =	simm.s32 $0x4400;
	s22 =	simm.s32 $0x4600  }
0x1b: {  	p0 =	por $0x0, $0x0;
	s4 =	sadd.s32 s3, s4;
	s20 =	sadd.s32 s5, s10  }
0x1c: {  	s21 =	sadd.s32 s6, s10;
	s6 =	simm.s32 $0x800;
	[dreg:$0xd] =	wrdreg s7  }
0x1d: {  	s1 =	ssub.s32 s1, s8;
	s10 =	simm.s32 $0x3200;
	s3 =	simm.s32 $0x5  }
0x1e: {  	s5 =	sor.u32 $0x1C05, s17;
	s7 =	simm.s32 $0x200;
	[dreg:$0x6] =	wrdreg s20  }
0x1f: {  	s8 =	simm.s32 $0xD000;
	s17 =	simm.s32 $0x2400;
	[dreg:$0x5] =	wrdreg s21  }
0x20: {  	s4 =	sshrl.u32 s4, $0x3;
	[dreg:$0xc] =	wrdreg s6;
	s1 =	smax.u32 s1, $0x1  }
0x21: {  	[dreg:$0xf] =	wrdreg s10;
	s6 =	sshrl.u32 s12, $0x3;
	p1 =	sne.s32 s1, $0x1  }
.Ltmp0:
0x22: {  	s20 =	simm.s32 $0x3800;
	s21 =	simm.s32 $0x3A00;
	(pc) =	sbr.rel @!p1 .LBB2_3-.Ltmp0, $4  }
0x23: {  	s12 =	simm.s32 $0x2;
	s4 =	sadd.s32 s4, s0;
	[dreg:$0x16] =	wrdreg s20  }
0x24: {  	s10 =	simm.s32 $0x3;
	[dreg:$0x17] =	wrdreg s21;
	s4 =	sadd.s32 $0x2B000, s4  }
0x25: {  	s21 =	simm.s32 $0x2000;
	s20 =	simm.s32 $0x4800;
	[dreg:$0x4] =	wrdreg s4  }
0x26: {  	s4 =	sadd.s32 $0x16200, s0;
	s0 =	sadd.s32 $0xFFFFFFFF, s1;
	s1 =	rddreg [dreg:$0x6]  }
0x27: {  	[tilespmem:s30], [sflag:$0x5] =	stream.linear.gather [hbm4b:s1+s30], $0x2800, $0x38;
	[tilespmem:$0x1F000] =	vst v63  }
0x28: {  	_ =	swait.ge [sflag:s3], $0x2800  }
0x29: {  	[sflag:s3] =	ssyncset.done $0x0  }
0x2a: {  	s1 =	rddreg [dreg:$0x5];
	[sflag:s3] =	ssyncadd.s32 $0xFFFFD800  }
0x2b: {  	[tilespmem:s31], [sflag:$0x5] =	stream.linear.gather [hbm4b:s1+s30], $0x2800, $0x38;
	[tilespmem:$0x1F000] =	vst v63  }
0x2c: {  	_ =	swait.ge [sflag:s3], $0x2800  }
0x2d: {  	[sflag:s3] =	ssyncset.done $0x0  }
0x2e: {  	s1 =	rddreg [dreg:$0x3];
	[sflag:s3] =	ssyncadd.s32 $0xFFFFD800  }
0x2f: {  	[spmem:s6], [sflag:s5] =	dma.local [hbm:s1], $0x1400  }
0x30: {  	_ =	swait.ge [sflag:s3], $0x1400  }
0x31: {  	[sflag:s3] =	ssyncset.done $0x0  }
0x32: {  	[sflag:s3] =	ssyncadd.s32 $0xFFFFEC00  }
0x33: {  	[bflag:$0x0] =	sbarrier.arrive $0xFFFF  }
0x34: {  	[tilespmem:s9], [sflag:$0x1] =	stream.indirect.gather [hbm4b:s4+s7], $0x40, s30, s7, $0xb8;
	[tilespmem:$0x1F000] =	vst v63  }
0x35: {  	_ = 	snop  }
0x36: {  	[tilespmem:s8], [sflag:$0x2] =	stream.indirect.gather [hbm4b:s4+s7], $0x40, s7, s7, $0xb8;
	[tilespmem:$0x1F000] =	vst v63  }
0x37: {  	_ =	swait.ge [sflag:s13], $0x8000  }
0x38: {  	[sflag:s13] =	ssyncset.done $0x0  }
0x39: {  	[sflag:s13] =	ssyncadd.s32 $0xFFFF8000  }
0x3a: {  	[spmem:s2] =	stream.indirect.scatter.add.f32 [tilespmem:s9], [sflag:$0x3], $0x40, s31, s7, $0xb8;
	[tilespmem:$0x1F000] =	vst v63  }
0x3b: {  	_ =	swait.ge [sflag:s12], $0x8000  }
0x3c: {  	[sflag:s12] =	ssyncset.done $0x0  }
0x3d: {  	s1 =	rddreg [dreg:$0x7];
	[sflag:s12] =	ssyncadd.s32 $0xFFFF8000  }
0x3e: {  	[spmem:s2] =	stream.indirect.scatter.add.f32 [tilespmem:s8], [sflag:$0x4], $0x40, s1, s7, $0xb8;
	[tilespmem:$0x1F000] =	vst v63  }
0x3f: {  	_ =	swait.ge [sflag:s10], $0x8000  }
0x40: {  	[sflag:s10] =	ssyncset.done $0x0  }
0x41: {  	s1 =	rddreg [dreg:$0x8];
	[sflag:s10] =	ssyncadd.s32 $0xFFFF8000  }
0x42: {  	[tilespmem:s9], [sflag:$0x1] =	stream.indirect.gather [hbm4b:s4+s7], $0x40, s1, s7, $0xb8;
	[tilespmem:$0x1F000] =	vst v63  }
0x43: {  	_ =	swait.ge [sflag:s11], $0x8000  }
0x44: {  	[sflag:s11] =	ssyncset.done $0x0  }
0x45: {  	s1 =	rddreg [dreg:$0x9];
	[sflag:s11] =	ssyncadd.s32 $0xFFFF8000  }
0x46: {  	[tilespmem:s8], [sflag:$0x2] =	stream.indirect.gather [hbm4b:s4+s7], $0x40, s1, s7, $0xb8;
	[tilespmem:$0x1F000] =	vst v63  }
0x47: {  	_ =	swait.ge [sflag:s13], $0x8000  }
0x48: {  	[sflag:s13] =	ssyncset.done $0x0  }
0x49: {  	s1 =	rddreg [dreg:$0xa];
	[sflag:s13] =	ssyncadd.s32 $0xFFFF8000  }
0x4a: {  	[spmem:s2] =	stream.indirect.scatter.add.f32 [tilespmem:s9], [sflag:$0x3], $0x40, s1, s7, $0xb8;
	[tilespmem:$0x1F000] =	vst v63  }
0x4b: {  	_ =	swait.ge [sflag:s12], $0x8000  }
0x4c: {  	[sflag:s12] =	ssyncset.done $0x0  }
0x4d: {  	s1 =	rddreg [dreg:$0xb];
	[sflag:s12] =	ssyncadd.s32 $0xFFFF8000  }
0x4e: {  	[spmem:s2] =	stream.indirect.scatter.add.f32 [tilespmem:s8], [sflag:$0x4], $0x40, s1, s7, $0xb8;
	[tilespmem:$0x1F000] =	vst v63  }
0x4f: {  	_ =	swait.ge [sflag:s10], $0x8000  }
0x50: {  	[sflag:s10] =	ssyncset.done $0x0  }
0x51: {  	s1 =	rddreg [dreg:$0xc];
	[sflag:s10] =	ssyncadd.s32 $0xFFFF8000  }
0x52: {  	[tilespmem:s9], [sflag:$0x1] =	stream.indirect.gather [hbm4b:s4+s7], $0x40, s1, s7, $0xb8;
	[tilespmem:$0x1F000] =	vst v63  }
0x53: {  	_ =	swait.ge [sflag:s11], $0x8000  }
0x54: {  	[sflag:s11] =	ssyncset.done $0x0  }
0x55: {  	s1 =	rddreg [dreg:$0xd];
	[sflag:s11] =	ssyncadd.s32 $0xFFFF8000  }
0x56: {  	[tilespmem:s8], [sflag:$0x2] =	stream.indirect.gather [hbm4b:s4+s7], $0x40, s1, s7, $0xb8;
	[tilespmem:$0x1F000] =	vst v63  }
0x57: {  	_ =	swait.ge [sflag:s13], $0x8000  }
0x58: {  	[sflag:s13] =	ssyncset.done $0x0  }
0x59: {  	s1 =	rddreg [dreg:$0xe];
	[sflag:s13] =	ssyncadd.s32 $0xFFFF8000  }
0x5a: {  	[spmem:s2] =	stream.indirect.scatter.add.f32 [tilespmem:s9], [sflag:$0x3], $0x40, s1, s7, $0xb8;
	[tilespmem:$0x1F000] =	vst v63  }
0x5b: {  	_ =	swait.ge [sflag:s12], $0x8000  }
0x5c: {  	[sflag:s12] =	ssyncset.done $0x0  }
0x5d: {  	s1 =	rddreg [dreg:$0xf];
	[sflag:s12] =	ssyncadd.s32 $0xFFFF8000  }
0x5e: {  	[spmem:s2] =	stream.indirect.scatter.add.f32 [tilespmem:s8], [sflag:$0x4], $0x40, s1, s7, $0xb8;
	[tilespmem:$0x1F000] =	vst v63  }
0x5f: {  	_ =	swait.ge [sflag:s10], $0x8000  }
0x60: {  	[sflag:s10] =	ssyncset.done $0x0  }
0x61: {  	s1 =	rddreg [dreg:$0x10];
	[sflag:s10] =	ssyncadd.s32 $0xFFFF8000  }
0x62: {  	[tilespmem:s9], [sflag:$0x1] =	stream.indirect.gather [hbm4b:s4+s7], $0x40, s1, s7, $0xb8;
	[tilespmem:$0x1F000] =	vst v63  }
0x63: {  	_ =	swait.ge [sflag:s11], $0x8000  }
0x64: {  	[sflag:s11] =	ssyncset.done $0x0  }
0x65: {  	s1 =	rddreg [dreg:$0x11];
	[sflag:s11] =	ssyncadd.s32 $0xFFFF8000  }
0x66: {  	[tilespmem:s8], [sflag:$0x2] =	stream.indirect.gather [hbm4b:s4+s7], $0x40, s1, s7, $0xb8;
	[tilespmem:$0x1F000] =	vst v63  }
0x67: {  	_ =	swait.ge [sflag:s13], $0x8000  }
0x68: {  	[sflag:s13] =	ssyncset.done $0x0  }
0x69: {  	s1 =	rddreg [dreg:$0x12];
	[sflag:s13] =	ssyncadd.s32 $0xFFFF8000  }
0x6a: {  	[spmem:s2] =	stream.indirect.scatter.add.f32 [tilespmem:s9], [sflag:$0x3], $0x40, s1, s7, $0xb8;
	[tilespmem:$0x1F000] =	vst v63  }
0x6b: {  	_ =	swait.ge [sflag:s12], $0x8000  }
0x6c: {  	[sflag:s12] =	ssyncset.done $0x0  }
0x6d: {  	s1 =	rddreg [dreg:$0x13];
	[sflag:s12] =	ssyncadd.s32 $0xFFFF8000  }
0x6e: {  	[spmem:s2] =	stream.indirect.scatter.add.f32 [tilespmem:s8], [sflag:$0x4], $0x40, s1, s7, $0xb8;
	[tilespmem:$0x1F000] =	vst v63  }
0x6f: {  	_ =	swait.ge [sflag:s10], $0x8000  }
0x70: {  	[sflag:s10] =	ssyncset.done $0x0  }
0x71: {  	s1 =	rddreg [dreg:$0x14];
	[sflag:s10] =	ssyncadd.s32 $0xFFFF8000  }
0x72: {  	[tilespmem:s9], [sflag:$0x1] =	stream.indirect.gather [hbm4b:s4+s7], $0x40, s1, s7, $0xb8;
	[tilespmem:$0x1F000] =	vst v63  }
0x73: {  	_ =	swait.ge [sflag:s11], $0x8000  }
0x74: {  	[sflag:s11] =	ssyncset.done $0x0  }
0x75: {  	s1 =	rddreg [dreg:$0x15];
	[sflag:s11] =	ssyncadd.s32 $0xFFFF8000  }
0x76: {  	[tilespmem:s8], [sflag:$0x2] =	stream.indirect.gather [hbm4b:s4+s7], $0x40, s1, s7, $0xb8;
	[tilespmem:$0x1F000] =	vst v63  }
0x77: {  	_ =	swait.ge [sflag:s13], $0x8000  }
0x78: {  	[sflag:s13] =	ssyncset.done $0x0  }
0x79: {  	s1 =	rddreg [dreg:$0x16];
	[sflag:s13] =	ssyncadd.s32 $0xFFFF8000  }
0x7a: {  	[spmem:s2] =	stream.indirect.scatter.add.f32 [tilespmem:s9], [sflag:$0x3], $0x40, s1, s7, $0xb8;
	[tilespmem:$0x1F000] =	vst v63  }
0x7b: {  	_ =	swait.ge [sflag:s12], $0x8000  }
0x7c: {  	[sflag:s12] =	ssyncset.done $0x0  }
0x7d: {  	s1 =	rddreg [dreg:$0x17];
	[sflag:s12] =	ssyncadd.s32 $0xFFFF8000  }
0x7e: {  	[spmem:s2] =	stream.indirect.scatter.add.f32 [tilespmem:s8], [sflag:$0x4], $0x40, s1, s7, $0xb8;
	[tilespmem:$0x1F000] =	vst v63  }
0x7f: {  	_ =	swait.ge [sflag:s10], $0x8000  }
0x80: {  	[sflag:s10] =	ssyncset.done $0x0  }
0x81: {  	s1 =	rddreg [dreg:$0x18];
	[sflag:s10] =	ssyncadd.s32 $0xFFFF8000  }
0x82: {  	[tilespmem:s9], [sflag:$0x1] =	stream.indirect.gather [hbm4b:s4+s7], $0x40, s1, s7, $0xb8;
	[tilespmem:$0x1F000] =	vst v63  }
0x83: {  	_ =	swait.ge [sflag:s11], $0x8000  }
0x84: {  	[sflag:s11] =	ssyncset.done $0x0  }
0x85: {  	s1 =	rddreg [dreg:$0x19];
	[sflag:s11] =	ssyncadd.s32 $0xFFFF8000  }
0x86: {  	[tilespmem:s8], [sflag:$0x2] =	stream.indirect.gather [hbm4b:s4+s7], $0x40, s1, s7, $0xb8;
	[tilespmem:$0x1F000] =	vst v63  }
0x87: {  	_ =	swait.ge [sflag:s13], $0x8000  }
0x88: {  	[sflag:s13] =	ssyncset.done $0x0  }
0x89: {  	s1 =	rddreg [dreg:$0x1a];
	[sflag:s13] =	ssyncadd.s32 $0xFFFF8000  }
0x8a: {  	[spmem:s2] =	stream.indirect.scatter.add.f32 [tilespmem:s9], [sflag:$0x3], $0x40, s1, s7, $0xb8;
	[tilespmem:$0x1F000] =	vst v63  }
0x8b: {  	_ =	swait.ge [sflag:s12], $0x8000  }
0x8c: {  	[sflag:s12] =	ssyncset.done $0x0  }
0x8d: {  	s1 =	rddreg [dreg:$0x1b];
	[sflag:s12] =	ssyncadd.s32 $0xFFFF8000  }
0x8e: {  	[spmem:s2] =	stream.indirect.scatter.add.f32 [tilespmem:s8], [sflag:$0x4], $0x40, s1, s7, $0xb8;
	[tilespmem:$0x1F000] =	vst v63  }
0x8f: {  	_ =	swait.ge [sflag:s10], $0x8000  }
0x90: {  	[sflag:s10] =	ssyncset.done $0x0  }
0x91: {  	s1 =	rddreg [dreg:$0x1c];
	[sflag:s10] =	ssyncadd.s32 $0xFFFF8000  }
0x92: {  	[tilespmem:s9], [sflag:$0x1] =	stream.indirect.gather [hbm4b:s4+s7], $0x40, s1, s7, $0xb8;
	[tilespmem:$0x1F000] =	vst v63  }
0x93: {  	_ =	swait.ge [sflag:s11], $0x8000  }
0x94: {  	[sflag:s11] =	ssyncset.done $0x0  }
0x95: {  	[sflag:s11] =	ssyncadd.s32 $0xFFFF8000  }
0x96: {  	[tilespmem:s8], [sflag:$0x2] =	stream.indirect.gather [hbm4b:s4+s7], $0x40, s29, s7, $0xb8;
	[tilespmem:$0x1F000] =	vst v63  }
0x97: {  	_ =	swait.ge [sflag:s13], $0x8000  }
0x98: {  	[sflag:s13] =	ssyncset.done $0x0  }
0x99: {  	[sflag:s13] =	ssyncadd.s32 $0xFFFF8000  }
0x9a: {  	[spmem:s2] =	stream.indirect.scatter.add.f32 [tilespmem:s9], [sflag:$0x3], $0x40, s28, s7, $0xb8;
	[tilespmem:$0x1F000] =	vst v63  }
0x9b: {  	_ =	swait.ge [sflag:s12], $0x8000  }
0x9c: {  	[sflag:s12] =	ssyncset.done $0x0  }
0x9d: {  	[sflag:s12] =	ssyncadd.s32 $0xFFFF8000  }
0x9e: {  	[spmem:s2] =	stream.indirect.scatter.add.f32 [tilespmem:s8], [sflag:$0x4], $0x40, s26, s7, $0xb8;
	[tilespmem:$0x1F000] =	vst v63  }
0x9f: {  	_ =	swait.ge [sflag:s10], $0x8000  }
0xa0: {  	[sflag:s10] =	ssyncset.done $0x0  }
0xa1: {  	[sflag:s10] =	ssyncadd.s32 $0xFFFF8000  }
0xa2: {  	[tilespmem:s9], [sflag:$0x1] =	stream.indirect.gather [hbm4b:s4+s7], $0x40, s25, s7, $0xb8;
	[tilespmem:$0x1F000] =	vst v63  }
0xa3: {  	_ =	swait.ge [sflag:s11], $0x8000  }
0xa4: {  	[sflag:s11] =	ssyncset.done $0x0  }
0xa5: {  	[sflag:s11] =	ssyncadd.s32 $0xFFFF8000  }
0xa6: {  	[tilespmem:s8], [sflag:$0x2] =	stream.indirect.gather [hbm4b:s4+s7], $0x40, s24, s7, $0xb8;
	[tilespmem:$0x1F000] =	vst v63  }
0xa7: {  	_ =	swait.ge [sflag:s13], $0x8000  }
0xa8: {  	[sflag:s13] =	ssyncset.done $0x0  }
0xa9: {  	[sflag:s13] =	ssyncadd.s32 $0xFFFF8000  }
0xaa: {  	[spmem:s2] =	stream.indirect.scatter.add.f32 [tilespmem:s9], [sflag:$0x3], $0x40, s23, s7, $0xb8;
	[tilespmem:$0x1F000] =	vst v63  }
0xab: {  	_ =	swait.ge [sflag:s12], $0x8000  }
0xac: {  	[sflag:s12] =	ssyncset.done $0x0  }
0xad: {  	[sflag:s12] =	ssyncadd.s32 $0xFFFF8000  }
0xae: {  	[spmem:s2] =	stream.indirect.scatter.add.f32 [tilespmem:s8], [sflag:$0x4], $0x40, s22, s7, $0xb8;
	[tilespmem:$0x1F000] =	vst v63  }
0xaf: {  	_ =	swait.ge [sflag:s10], $0x8000  }
0xb0: {  	[sflag:s10] =	ssyncset.done $0x0  }
0xb1: {  	[sflag:s10] =	ssyncadd.s32 $0xFFFF8000  }
0xb2: {  	[tilespmem:s9], [sflag:$0x1] =	stream.indirect.gather [hbm4b:s4+s7], $0x40, s21, s7, $0xb8;
	[tilespmem:$0x1F000] =	vst v63  }
0xb3: {  	_ =	swait.ge [sflag:s11], $0x8000  }
0xb4: {  	[sflag:s11] =	ssyncset.done $0x0  }
0xb5: {  	[sflag:s11] =	ssyncadd.s32 $0xFFFF8000  }
0xb6: {  	[tilespmem:s8], [sflag:$0x2] =	stream.indirect.gather [hbm4b:s4+s7], $0x40, s19, s7, $0xb8;
	[tilespmem:$0x1F000] =	vst v63  }
0xb7: {  	_ =	swait.ge [sflag:s13], $0x8000  }
0xb8: {  	[sflag:s13] =	ssyncset.done $0x0  }
0xb9: {  	[sflag:s13] =	ssyncadd.s32 $0xFFFF8000  }
0xba: {  	[spmem:s2] =	stream.indirect.scatter.add.f32 [tilespmem:s9], [sflag:$0x3], $0x40, s20, s7, $0xb8;
	[tilespmem:$0x1F000] =	vst v63  }
0xbb: {  	_ =	swait.ge [sflag:s12], $0x8000  }
0xbc: {  	[sflag:s12] =	ssyncset.done $0x0  }
0xbd: {  	[sflag:s12] =	ssyncadd.s32 $0xFFFF8000  }
0xbe: {  	[spmem:s2] =	stream.indirect.scatter.add.f32 [tilespmem:s8], [sflag:$0x4], $0x40, s18, s7, $0xb8;
	[tilespmem:$0x1F000] =	vst v63  }
0xbf: {  	_ =	swait.ge [sflag:s10], $0x8000  }
0xc0: {  	[sflag:s10] =	ssyncset.done $0x0  }
0xc1: {  	[sflag:s10] =	ssyncadd.s32 $0xFFFF8000  }
0xc2: {  	[tilespmem:s9], [sflag:$0x1] =	stream.indirect.gather [hbm4b:s4+s7], $0x40, s17, s7, $0xb8;
	[tilespmem:$0x1F000] =	vst v63  }
0xc3: {  	_ =	swait.ge [sflag:s11], $0x8000  }
0xc4: {  	[sflag:s11] =	ssyncset.done $0x0  }
0xc5: {  	[sflag:s11] =	ssyncadd.s32 $0xFFFF8000  }
0xc6: {  	[tilespmem:s8], [sflag:$0x2] =	stream.indirect.gather [hbm4b:s4+s7], $0x40, s16, s7, $0xb8;
	[tilespmem:$0x1F000] =	vst v63  }
0xc7: {  	_ =	swait.ge [sflag:s13], $0x8000  }
0xc8: {  	[sflag:s13] =	ssyncset.done $0x0  }
0xc9: {  	[sflag:s13] =	ssyncadd.s32 $0xFFFF8000  }
0xca: {  	[spmem:s2] =	stream.indirect.scatter.add.f32 [tilespmem:s9], [sflag:$0x3], $0x40, s15, s7, $0xb8;
	[tilespmem:$0x1F000] =	vst v63  }
0xcb: {  	_ =	swait.ge [sflag:s12], $0x8000  }
0xcc: {  	[sflag:s12] =	ssyncset.done $0x0  }
0xcd: {  	[sflag:s12] =	ssyncadd.s32 $0xFFFF8000  }
0xce: {  	[spmem:s2] =	stream.indirect.scatter.add.f32 [tilespmem:s8], [sflag:$0x4], $0x40, s14, s7, $0xb8;
	[tilespmem:$0x1F000] =	vst v63  }
0xcf: {  	_ =	swait.ge [sflag:s10], $0x8000  }
0xd0: {  	[sflag:s10] =	ssyncset.done $0x0  }
0xd1: {  	[sflag:s10] =	ssyncadd.s32 $0xFFFF8000  }
0xd2: {  	_ =	swait.ge [sflag:s11], $0x8000  }
0xd3: {  	[sflag:s11] =	ssyncset.done $0x0  }
0xd4: {  	p1 =	sne.s32 s0, $0x1;
	[sflag:s11] =	ssyncadd.s32 $0xFFFF8000  }
.Ltmp1:
0xd5: {  	[bflag:$0x0] =	sbarrier.arrive $0xFFFF;
	(pc) =	sbr.rel @!p1 .LBB2_3-.Ltmp1, $4  }
0xd6: {  	s1 =	rddreg [dreg:$0x4]  }
0xd7: {  	[hbm:s1], [sflag:s5] =	dma.local [spmem:s6], $0x1400  }
0xd8: {  	s0 =	sadd.s32 $0xFFFFFFFF, s0;
	_ =	swait.ge [sflag:s3], $0x1400  }
0xd9: {  	p0 =	por $0x1, $0x1;
	s1 =	rddreg [dreg:$0x6];
	[sflag:s3] =	ssyncset.done $0x0  }
.LBB2_2:
0xda: {  	[sflag:s3] =	ssyncadd.s32 $0xFFFFEC00  }
0xdb: {  	[tilespmem:s30], [sflag:$0x5] =	stream.linear.gather [hbm4b:s1+s30], $0x2800, $0x38;
	[tilespmem:$0x1F000] =	vst v63  }
0xdc: {  	_ =	swait.ge [sflag:s3], $0x2800  }
0xdd: {  	[sflag:s3] =	ssyncset.done $0x0  }
0xde: {  	s1 =	rddreg [dreg:$0x5];
	[sflag:s3] =	ssyncadd.s32 $0xFFFFD800  }
0xdf: {  	[tilespmem:s31], [sflag:$0x5] =	stream.linear.gather [hbm4b:s1+s30], $0x2800, $0x38;
	[tilespmem:$0x1F000] =	vst v63  }
0xe0: {  	_ =	swait.ge [sflag:s3], $0x2800  }
0xe1: {  	[sflag:s3] =	ssyncset.done $0x0  }
0xe2: {  	s1 =	rddreg [dreg:$0x3];
	[sflag:s3] =	ssyncadd.s32 $0xFFFFD800  }
0xe3: {  	[spmem:s6], [sflag:s5] =	dma.local [hbm:s1], $0x1400  }
0xe4: {  	_ =	swait.ge [sflag:s3], $0x1400  }
0xe5: {  	[sflag:s3] =	ssyncset.done $0x0  }
0xe6: {  	[sflag:s3] =	ssyncadd.s32 $0xFFFFEC00  }
0xe7: {  	[bflag:$0x0] =	sbarrier.arrive $0xFFFF  }
0xe8: {  	[tilespmem:s9], [sflag:$0x1] =	stream.indirect.gather [hbm4b:s4+s7], $0x40, s30, s7, $0xb8;
	[tilespmem:$0x1F000] =	vst v63  }
0xe9: {  	_ = 	snop  }
0xea: {  	[tilespmem:s8], [sflag:$0x2] =	stream.indirect.gather [hbm4b:s4+s7], $0x40, s7, s7, $0xb8;
	[tilespmem:$0x1F000] =	vst v63  }
0xeb: {  	_ =	swait.ge [sflag:s13], $0x8000  }
0xec: {  	[sflag:s13] =	ssyncset.done $0x0  }
0xed: {  	[sflag:s13] =	ssyncadd.s32 $0xFFFF8000  }
0xee: {  	[spmem:s2] =	stream.indirect.scatter.add.f32 [tilespmem:s9], [sflag:$0x3], $0x40, s31, s7, $0xb8;
	[tilespmem:$0x1F000] =	vst v63  }
0xef: {  	_ =	swait.ge [sflag:s12], $0x8000  }
0xf0: {  	[sflag:s12] =	ssyncset.done $0x0  }
0xf1: {  	s1 =	rddreg [dreg:$0x7];
	[sflag:s12] =	ssyncadd.s32 $0xFFFF8000  }
0xf2: {  	[spmem:s2] =	stream.indirect.scatter.add.f32 [tilespmem:s8], [sflag:$0x4], $0x40, s1, s7, $0xb8;
	[tilespmem:$0x1F000] =	vst v63  }
0xf3: {  	_ =	swait.ge [sflag:s10], $0x8000  }
0xf4: {  	[sflag:s10] =	ssyncset.done $0x0  }
0xf5: {  	s1 =	rddreg [dreg:$0x8];
	[sflag:s10] =	ssyncadd.s32 $0xFFFF8000  }
0xf6: {  	[tilespmem:s9], [sflag:$0x1] =	stream.indirect.gather [hbm4b:s4+s7], $0x40, s1, s7, $0xb8;
	[tilespmem:$0x1F000] =	vst v63  }
0xf7: {  	_ =	swait.ge [sflag:s11], $0x8000  }
0xf8: {  	[sflag:s11] =	ssyncset.done $0x0  }
0xf9: {  	s1 =	rddreg [dreg:$0x9];
	[sflag:s11] =	ssyncadd.s32 $0xFFFF8000  }
0xfa: {  	[tilespmem:s8], [sflag:$0x2] =	stream.indirect.gather [hbm4b:s4+s7], $0x40, s1, s7, $0xb8;
	[tilespmem:$0x1F000] =	vst v63  }
0xfb: {  	_ =	swait.ge [sflag:s13], $0x8000  }
0xfc: {  	[sflag:s13] =	ssyncset.done $0x0  }
0xfd: {  	s1 =	rddreg [dreg:$0xa];
	[sflag:s13] =	ssyncadd.s32 $0xFFFF8000  }
0xfe: {  	[spmem:s2] =	stream.indirect.scatter.add.f32 [tilespmem:s9], [sflag:$0x3], $0x40, s1, s7, $0xb8;
	[tilespmem:$0x1F000] =	vst v63  }
0xff: {  	_ =	swait.ge [sflag:s12], $0x8000  }
0x100: {  	[sflag:s12] =	ssyncset.done $0x0  }
0x101: {  	s1 =	rddreg [dreg:$0xb];
	[sflag:s12] =	ssyncadd.s32 $0xFFFF8000  }
0x102: {  	[spmem:s2] =	stream.indirect.scatter.add.f32 [tilespmem:s8], [sflag:$0x4], $0x40, s1, s7, $0xb8;
	[tilespmem:$0x1F000] =	vst v63  }
0x103: {  	_ =	swait.ge [sflag:s10], $0x8000  }
0x104: {  	[sflag:s10] =	ssyncset.done $0x0  }
0x105: {  	s1 =	rddreg [dreg:$0xc];
	[sflag:s10] =	ssyncadd.s32 $0xFFFF8000  }
0x106: {  	[tilespmem:s9], [sflag:$0x1] =	stream.indirect.gather [hbm4b:s4+s7], $0x40, s1, s7, $0xb8;
	[tilespmem:$0x1F000] =	vst v63  }
0x107: {  	_ =	swait.ge [sflag:s11], $0x8000  }
0x108: {  	[sflag:s11] =	ssyncset.done $0x0  }
0x109: {  	s1 =	rddreg [dreg:$0xd];
	[sflag:s11] =	ssyncadd.s32 $0xFFFF8000  }
0x10a: {  	[tilespmem:s8], [sflag:$0x2] =	stream.indirect.gather [hbm4b:s4+s7], $0x40, s1, s7, $0xb8;
	[tilespmem:$0x1F000] =	vst v63  }
0x10b: {  	_ =	swait.ge [sflag:s13], $0x8000  }
0x10c: {  	[sflag:s13] =	ssyncset.done $0x0  }
0x10d: {  	s1 =	rddreg [dreg:$0xe];
	[sflag:s13] =	ssyncadd.s32 $0xFFFF8000  }
0x10e: {  	[spmem:s2] =	stream.indirect.scatter.add.f32 [tilespmem:s9], [sflag:$0x3], $0x40, s1, s7, $0xb8;
	[tilespmem:$0x1F000] =	vst v63  }
0x10f: {  	_ =	swait.ge [sflag:s12], $0x8000  }
0x110: {  	[sflag:s12] =	ssyncset.done $0x0  }
0x111: {  	s1 =	rddreg [dreg:$0xf];
	[sflag:s12] =	ssyncadd.s32 $0xFFFF8000  }
0x112: {  	[spmem:s2] =	stream.indirect.scatter.add.f32 [tilespmem:s8], [sflag:$0x4], $0x40, s1, s7, $0xb8;
	[tilespmem:$0x1F000] =	vst v63  }
0x113: {  	_ =	swait.ge [sflag:s10], $0x8000  }
0x114: {  	[sflag:s10] =	ssyncset.done $0x0  }
0x115: {  	s1 =	rddreg [dreg:$0x10];
	[sflag:s10] =	ssyncadd.s32 $0xFFFF8000  }
0x116: {  	[tilespmem:s9], [sflag:$0x1] =	stream.indirect.gather [hbm4b:s4+s7], $0x40, s1, s7, $0xb8;
	[tilespmem:$0x1F000] =	vst v63  }
0x117: {  	_ =	swait.ge [sflag:s11], $0x8000  }
0x118: {  	[sflag:s11] =	ssyncset.done $0x0  }
0x119: {  	s1 =	rddreg [dreg:$0x11];
	[sflag:s11] =	ssyncadd.s32 $0xFFFF8000  }
0x11a: {  	[tilespmem:s8], [sflag:$0x2] =	stream.indirect.gather [hbm4b:s4+s7], $0x40, s1, s7, $0xb8;
	[tilespmem:$0x1F000] =	vst v63  }
0x11b: {  	_ =	swait.ge [sflag:s13], $0x8000  }
0x11c: {  	[sflag:s13] =	ssyncset.done $0x0  }
0x11d: {  	s1 =	rddreg [dreg:$0x12];
	[sflag:s13] =	ssyncadd.s32 $0xFFFF8000  }
0x11e: {  	[spmem:s2] =	stream.indirect.scatter.add.f32 [tilespmem:s9], [sflag:$0x3], $0x40, s1, s7, $0xb8;
	[tilespmem:$0x1F000] =	vst v63  }
0x11f: {  	_ =	swait.ge [sflag:s12], $0x8000  }
0x120: {  	[sflag:s12] =	ssyncset.done $0x0  }
0x121: {  	s1 =	rddreg [dreg:$0x13];
	[sflag:s12] =	ssyncadd.s32 $0xFFFF8000  }
0x122: {  	[spmem:s2] =	stream.indirect.scatter.add.f32 [tilespmem:s8], [sflag:$0x4], $0x40, s1, s7, $0xb8;
	[tilespmem:$0x1F000] =	vst v63  }
0x123: {  	_ =	swait.ge [sflag:s10], $0x8000  }
0x124: {  	[sflag:s10] =	ssyncset.done $0x0  }
0x125: {  	s1 =	rddreg [dreg:$0x14];
	[sflag:s10] =	ssyncadd.s32 $0xFFFF8000  }
0x126: {  	[tilespmem:s9], [sflag:$0x1] =	stream.indirect.gather [hbm4b:s4+s7], $0x40, s1, s7, $0xb8;
	[tilespmem:$0x1F000] =	vst v63  }
0x127: {  	_ =	swait.ge [sflag:s11], $0x8000  }
0x128: {  	[sflag:s11] =	ssyncset.done $0x0  }
0x129: {  	s1 =	rddreg [dreg:$0x15];
	[sflag:s11] =	ssyncadd.s32 $0xFFFF8000  }
0x12a: {  	[tilespmem:s8], [sflag:$0x2] =	stream.indirect.gather [hbm4b:s4+s7], $0x40, s1, s7, $0xb8;
	[tilespmem:$0x1F000] =	vst v63  }
0x12b: {  	_ =	swait.ge [sflag:s13], $0x8000  }
0x12c: {  	[sflag:s13] =	ssyncset.done $0x0  }
0x12d: {  	s1 =	rddreg [dreg:$0x16];
	[sflag:s13] =	ssyncadd.s32 $0xFFFF8000  }
0x12e: {  	[spmem:s2] =	stream.indirect.scatter.add.f32 [tilespmem:s9], [sflag:$0x3], $0x40, s1, s7, $0xb8;
	[tilespmem:$0x1F000] =	vst v63  }
0x12f: {  	_ =	swait.ge [sflag:s12], $0x8000  }
0x130: {  	[sflag:s12] =	ssyncset.done $0x0  }
0x131: {  	s1 =	rddreg [dreg:$0x17];
	[sflag:s12] =	ssyncadd.s32 $0xFFFF8000  }
0x132: {  	[spmem:s2] =	stream.indirect.scatter.add.f32 [tilespmem:s8], [sflag:$0x4], $0x40, s1, s7, $0xb8;
	[tilespmem:$0x1F000] =	vst v63  }
0x133: {  	_ =	swait.ge [sflag:s10], $0x8000  }
0x134: {  	[sflag:s10] =	ssyncset.done $0x0  }
0x135: {  	s1 =	rddreg [dreg:$0x18];
	[sflag:s10] =	ssyncadd.s32 $0xFFFF8000  }
0x136: {  	[tilespmem:s9], [sflag:$0x1] =	stream.indirect.gather [hbm4b:s4+s7], $0x40, s1, s7, $0xb8;
	[tilespmem:$0x1F000] =	vst v63  }
0x137: {  	_ =	swait.ge [sflag:s11], $0x8000  }
0x138: {  	[sflag:s11] =	ssyncset.done $0x0  }
0x139: {  	s1 =	rddreg [dreg:$0x19];
	[sflag:s11] =	ssyncadd.s32 $0xFFFF8000  }
0x13a: {  	[tilespmem:s8], [sflag:$0x2] =	stream.indirect.gather [hbm4b:s4+s7], $0x40, s1, s7, $0xb8;
	[tilespmem:$0x1F000] =	vst v63  }
0x13b: {  	_ =	swait.ge [sflag:s13], $0x8000  }
0x13c: {  	[sflag:s13] =	ssyncset.done $0x0  }
0x13d: {  	s1 =	rddreg [dreg:$0x1a];
	[sflag:s13] =	ssyncadd.s32 $0xFFFF8000  }
0x13e: {  	[spmem:s2] =	stream.indirect.scatter.add.f32 [tilespmem:s9], [sflag:$0x3], $0x40, s1, s7, $0xb8;
	[tilespmem:$0x1F000] =	vst v63  }
0x13f: {  	_ =	swait.ge [sflag:s12], $0x8000  }
0x140: {  	[sflag:s12] =	ssyncset.done $0x0  }
0x141: {  	s1 =	rddreg [dreg:$0x1b];
	[sflag:s12] =	ssyncadd.s32 $0xFFFF8000  }
0x142: {  	[spmem:s2] =	stream.indirect.scatter.add.f32 [tilespmem:s8], [sflag:$0x4], $0x40, s1, s7, $0xb8;
	[tilespmem:$0x1F000] =	vst v63  }
0x143: {  	_ =	swait.ge [sflag:s10], $0x8000  }
0x144: {  	[sflag:s10] =	ssyncset.done $0x0  }
0x145: {  	s1 =	rddreg [dreg:$0x1c];
	[sflag:s10] =	ssyncadd.s32 $0xFFFF8000  }
0x146: {  	[tilespmem:s9], [sflag:$0x1] =	stream.indirect.gather [hbm4b:s4+s7], $0x40, s1, s7, $0xb8;
	[tilespmem:$0x1F000] =	vst v63  }
0x147: {  	_ =	swait.ge [sflag:s11], $0x8000  }
0x148: {  	[sflag:s11] =	ssyncset.done $0x0  }
0x149: {  	[sflag:s11] =	ssyncadd.s32 $0xFFFF8000  }
0x14a: {  	[tilespmem:s8], [sflag:$0x2] =	stream.indirect.gather [hbm4b:s4+s7], $0x40, s29, s7, $0xb8;
	[tilespmem:$0x1F000] =	vst v63  }
0x14b: {  	_ =	swait.ge [sflag:s13], $0x8000  }
0x14c: {  	[sflag:s13] =	ssyncset.done $0x0  }
0x14d: {  	[sflag:s13] =	ssyncadd.s32 $0xFFFF8000  }
0x14e: {  	[spmem:s2] =	stream.indirect.scatter.add.f32 [tilespmem:s9], [sflag:$0x3], $0x40, s28, s7, $0xb8;
	[tilespmem:$0x1F000] =	vst v63  }
0x14f: {  	_ =	swait.ge [sflag:s12], $0x8000  }
0x150: {  	[sflag:s12] =	ssyncset.done $0x0  }
0x151: {  	[sflag:s12] =	ssyncadd.s32 $0xFFFF8000  }
0x152: {  	[spmem:s2] =	stream.indirect.scatter.add.f32 [tilespmem:s8], [sflag:$0x4], $0x40, s26, s7, $0xb8;
	[tilespmem:$0x1F000] =	vst v63  }
0x153: {  	_ =	swait.ge [sflag:s10], $0x8000  }
0x154: {  	[sflag:s10] =	ssyncset.done $0x0  }
0x155: {  	[sflag:s10] =	ssyncadd.s32 $0xFFFF8000  }
0x156: {  	[tilespmem:s9], [sflag:$0x1] =	stream.indirect.gather [hbm4b:s4+s7], $0x40, s25, s7, $0xb8;
	[tilespmem:$0x1F000] =	vst v63  }
0x157: {  	_ =	swait.ge [sflag:s11], $0x8000  }
0x158: {  	[sflag:s11] =	ssyncset.done $0x0  }
0x159: {  	[sflag:s11] =	ssyncadd.s32 $0xFFFF8000  }
0x15a: {  	[tilespmem:s8], [sflag:$0x2] =	stream.indirect.gather [hbm4b:s4+s7], $0x40, s24, s7, $0xb8;
	[tilespmem:$0x1F000] =	vst v63  }
0x15b: {  	_ =	swait.ge [sflag:s13], $0x8000  }
0x15c: {  	[sflag:s13] =	ssyncset.done $0x0  }
0x15d: {  	[sflag:s13] =	ssyncadd.s32 $0xFFFF8000  }
0x15e: {  	[spmem:s2] =	stream.indirect.scatter.add.f32 [tilespmem:s9], [sflag:$0x3], $0x40, s23, s7, $0xb8;
	[tilespmem:$0x1F000] =	vst v63  }
0x15f: {  	_ =	swait.ge [sflag:s12], $0x8000  }
0x160: {  	[sflag:s12] =	ssyncset.done $0x0  }
0x161: {  	[sflag:s12] =	ssyncadd.s32 $0xFFFF8000  }
0x162: {  	[spmem:s2] =	stream.indirect.scatter.add.f32 [tilespmem:s8], [sflag:$0x4], $0x40, s22, s7, $0xb8;
	[tilespmem:$0x1F000] =	vst v63  }
0x163: {  	_ =	swait.ge [sflag:s10], $0x8000  }
0x164: {  	[sflag:s10] =	ssyncset.done $0x0  }
0x165: {  	[sflag:s10] =	ssyncadd.s32 $0xFFFF8000  }
0x166: {  	[tilespmem:s9], [sflag:$0x1] =	stream.indirect.gather [hbm4b:s4+s7], $0x40, s21, s7, $0xb8;
	[tilespmem:$0x1F000] =	vst v63  }
0x167: {  	_ =	swait.ge [sflag:s11], $0x8000  }
0x168: {  	[sflag:s11] =	ssyncset.done $0x0  }
0x169: {  	[sflag:s11] =	ssyncadd.s32 $0xFFFF8000  }
0x16a: {  	[tilespmem:s8], [sflag:$0x2] =	stream.indirect.gather [hbm4b:s4+s7], $0x40, s19, s7, $0xb8;
	[tilespmem:$0x1F000] =	vst v63  }
0x16b: {  	_ =	swait.ge [sflag:s13], $0x8000  }
0x16c: {  	[sflag:s13] =	ssyncset.done $0x0  }
0x16d: {  	[sflag:s13] =	ssyncadd.s32 $0xFFFF8000  }
0x16e: {  	[spmem:s2] =	stream.indirect.scatter.add.f32 [tilespmem:s9], [sflag:$0x3], $0x40, s20, s7, $0xb8;
	[tilespmem:$0x1F000] =	vst v63  }
0x16f: {  	_ =	swait.ge [sflag:s12], $0x8000  }
0x170: {  	[sflag:s12] =	ssyncset.done $0x0  }
0x171: {  	[sflag:s12] =	ssyncadd.s32 $0xFFFF8000  }
0x172: {  	[spmem:s2] =	stream.indirect.scatter.add.f32 [tilespmem:s8], [sflag:$0x4], $0x40, s18, s7, $0xb8;
	[tilespmem:$0x1F000] =	vst v63  }
0x173: {  	_ =	swait.ge [sflag:s10], $0x8000  }
0x174: {  	[sflag:s10] =	ssyncset.done $0x0  }
0x175: {  	[sflag:s10] =	ssyncadd.s32 $0xFFFF8000  }
0x176: {  	[tilespmem:s9], [sflag:$0x1] =	stream.indirect.gather [hbm4b:s4+s7], $0x40, s17, s7, $0xb8;
	[tilespmem:$0x1F000] =	vst v63  }
0x177: {  	_ =	swait.ge [sflag:s11], $0x8000  }
0x178: {  	[sflag:s11] =	ssyncset.done $0x0  }
0x179: {  	[sflag:s11] =	ssyncadd.s32 $0xFFFF8000  }
0x17a: {  	[tilespmem:s8], [sflag:$0x2] =	stream.indirect.gather [hbm4b:s4+s7], $0x40, s16, s7, $0xb8;
	[tilespmem:$0x1F000] =	vst v63  }
0x17b: {  	_ =	swait.ge [sflag:s13], $0x8000  }
0x17c: {  	[sflag:s13] =	ssyncset.done $0x0  }
0x17d: {  	[sflag:s13] =	ssyncadd.s32 $0xFFFF8000  }
0x17e: {  	[spmem:s2] =	stream.indirect.scatter.add.f32 [tilespmem:s9], [sflag:$0x3], $0x40, s15, s7, $0xb8;
	[tilespmem:$0x1F000] =	vst v63  }
0x17f: {  	_ =	swait.ge [sflag:s12], $0x8000  }
0x180: {  	[sflag:s12] =	ssyncset.done $0x0  }
0x181: {  	[sflag:s12] =	ssyncadd.s32 $0xFFFF8000  }
0x182: {  	[spmem:s2] =	stream.indirect.scatter.add.f32 [tilespmem:s8], [sflag:$0x4], $0x40, s14, s7, $0xb8;
	[tilespmem:$0x1F000] =	vst v63  }
0x183: {  	_ =	swait.ge [sflag:s10], $0x8000  }
0x184: {  	[sflag:s10] =	ssyncset.done $0x0  }
0x185: {  	[sflag:s10] =	ssyncadd.s32 $0xFFFF8000  }
0x186: {  	_ =	swait.ge [sflag:s11], $0x8000  }
0x187: {  	[sflag:s11] =	ssyncset.done $0x0  }
0x188: {  	p1 =	sne.s32 s0, $0x1;
	[sflag:s11] =	ssyncadd.s32 $0xFFFF8000  }
.Ltmp2:
0x189: {  	[bflag:$0x0] =	sbarrier.arrive $0xFFFF;
	(pc) =	sbr.rel @p1 .LBB2_2-.Ltmp2, $4  }
0x18a: {  	s1 =	rddreg [dreg:$0x4]  }
0x18b: {  	[hbm:s1], [sflag:s5] =	dma.local [spmem:s6], $0x1400  }
0x18c: {  	_ =	swait.ge [sflag:s3], $0x1400  }
0x18d: {  	s0 =	sadd.s32 $0xFFFFFFFF, s0;
	s1 =	rddreg [dreg:$0x6];
	[sflag:s3] =	ssyncset.done $0x0  }
.LBB2_3:
0x18e: {  	[sflag:s3] =	ssyncadd.s32 @p0 $0xFFFFEC00  }
0x18f: {  	[tilespmem:s30], [sflag:$0x5] =	stream.linear.gather [hbm4b:s1+s30], $0x2800, $0x38;
	[tilespmem:$0x1F000] =	vst v63  }
0x190: {  	_ =	swait.ge [sflag:s3], $0x2800  }
0x191: {  	[sflag:s3] =	ssyncset.done $0x0  }
0x192: {  	s0 =	rddreg [dreg:$0x5];
	[sflag:s3] =	ssyncadd.s32 $0xFFFFD800  }
0x193: {  	[tilespmem:s31], [sflag:$0x5] =	stream.linear.gather [hbm4b:s0+s30], $0x2800, $0x38;
	[tilespmem:$0x1F000] =	vst v63  }
0x194: {  	_ =	swait.ge [sflag:s3], $0x2800  }
0x195: {  	[sflag:s3] =	ssyncset.done $0x0  }
0x196: {  	s1 =	rddreg [dreg:$0x3];
	[sflag:s3] =	ssyncadd.s32 $0xFFFFD800  }
0x197: {  	[spmem:s6], [sflag:s5] =	dma.local [hbm:s1], $0x1400  }
0x198: {  	_ =	swait.ge [sflag:s3], $0x1400  }
0x199: {  	[sflag:s3] =	ssyncset.done $0x0  }
0x19a: {  	[sflag:s3] =	ssyncadd.s32 $0xFFFFEC00  }
0x19b: {  	[bflag:$0x0] =	sbarrier.arrive $0xFFFF  }
0x19c: {  	[tilespmem:s9], [sflag:$0x1] =	stream.indirect.gather [hbm4b:s4+s7], $0x40, s30, s7, $0xb8;
	[tilespmem:$0x1F000] =	vst v63  }
0x19d: {  	_ = 	snop  }
0x19e: {  	[tilespmem:s8], [sflag:$0x2] =	stream.indirect.gather [hbm4b:s4+s7], $0x40, s7, s7, $0xb8;
	[tilespmem:$0x1F000] =	vst v63  }
0x19f: {  	_ =	swait.ge [sflag:s13], $0x8000  }
0x1a0: {  	[sflag:s13] =	ssyncset.done $0x0  }
0x1a1: {  	[sflag:s13] =	ssyncadd.s32 $0xFFFF8000  }
0x1a2: {  	[spmem:s2] =	stream.indirect.scatter.add.f32 [tilespmem:s9], [sflag:$0x3], $0x40, s31, s7, $0xb8;
	[tilespmem:$0x1F000] =	vst v63  }
0x1a3: {  	_ =	swait.ge [sflag:s12], $0x8000  }
0x1a4: {  	[sflag:s12] =	ssyncset.done $0x0  }
0x1a5: {  	s1 =	rddreg [dreg:$0x7];
	[sflag:s12] =	ssyncadd.s32 $0xFFFF8000  }
0x1a6: {  	[spmem:s2] =	stream.indirect.scatter.add.f32 [tilespmem:s8], [sflag:$0x4], $0x40, s1, s7, $0xb8;
	[tilespmem:$0x1F000] =	vst v63  }
0x1a7: {  	_ =	swait.ge [sflag:s10], $0x8000  }
0x1a8: {  	[sflag:s10] =	ssyncset.done $0x0  }
0x1a9: {  	s30 =	rddreg [dreg:$0x8];
	[sflag:s10] =	ssyncadd.s32 $0xFFFF8000  }
0x1aa: {  	[tilespmem:s9], [sflag:$0x1] =	stream.indirect.gather [hbm4b:s4+s7], $0x40, s30, s7, $0xb8;
	[tilespmem:$0x1F000] =	vst v63  }
0x1ab: {  	_ =	swait.ge [sflag:s11], $0x8000  }
0x1ac: {  	[sflag:s11] =	ssyncset.done $0x0  }
0x1ad: {  	s31 =	rddreg [dreg:$0x9];
	[sflag:s11] =	ssyncadd.s32 $0xFFFF8000  }
0x1ae: {  	[tilespmem:s8], [sflag:$0x2] =	stream.indirect.gather [hbm4b:s4+s7], $0x40, s31, s7, $0xb8;
	[tilespmem:$0x1F000] =	vst v63  }
0x1af: {  	_ =	swait.ge [sflag:s13], $0x8000  }
0x1b0: {  	[sflag:s13] =	ssyncset.done $0x0  }
0x1b1: {  	s1 =	rddreg [dreg:$0xa];
	[sflag:s13] =	ssyncadd.s32 $0xFFFF8000  }
0x1b2: {  	[spmem:s2] =	stream.indirect.scatter.add.f32 [tilespmem:s9], [sflag:$0x3], $0x40, s1, s7, $0xb8;
	[tilespmem:$0x1F000] =	vst v63  }
0x1b3: {  	_ =	swait.ge [sflag:s12], $0x8000  }
0x1b4: {  	[sflag:s12] =	ssyncset.done $0x0  }
0x1b5: {  	s30 =	rddreg [dreg:$0xb];
	[sflag:s12] =	ssyncadd.s32 $0xFFFF8000  }
0x1b6: {  	[spmem:s2] =	stream.indirect.scatter.add.f32 [tilespmem:s8], [sflag:$0x4], $0x40, s30, s7, $0xb8;
	[tilespmem:$0x1F000] =	vst v63  }
0x1b7: {  	_ =	swait.ge [sflag:s10], $0x8000  }
0x1b8: {  	[sflag:s10] =	ssyncset.done $0x0  }
0x1b9: {  	s31 =	rddreg [dreg:$0xc];
	[sflag:s10] =	ssyncadd.s32 $0xFFFF8000  }
0x1ba: {  	[tilespmem:s9], [sflag:$0x1] =	stream.indirect.gather [hbm4b:s4+s7], $0x40, s31, s7, $0xb8;
	[tilespmem:$0x1F000] =	vst v63  }
0x1bb: {  	_ =	swait.ge [sflag:s11], $0x8000  }
0x1bc: {  	[sflag:s11] =	ssyncset.done $0x0  }
0x1bd: {  	s1 =	rddreg [dreg:$0xd];
	[sflag:s11] =	ssyncadd.s32 $0xFFFF8000  }
0x1be: {  	[tilespmem:s8], [sflag:$0x2] =	stream.indirect.gather [hbm4b:s4+s7], $0x40, s1, s7, $0xb8;
	[tilespmem:$0x1F000] =	vst v63  }
0x1bf: {  	_ =	swait.ge [sflag:s13], $0x8000  }
0x1c0: {  	[sflag:s13] =	ssyncset.done $0x0  }
0x1c1: {  	s30 =	rddreg [dreg:$0xe];
	[sflag:s13] =	ssyncadd.s32 $0xFFFF8000  }
0x1c2: {  	[spmem:s2] =	stream.indirect.scatter.add.f32 [tilespmem:s9], [sflag:$0x3], $0x40, s30, s7, $0xb8;
	[tilespmem:$0x1F000] =	vst v63  }
0x1c3: {  	_ =	swait.ge [sflag:s12], $0x8000  }
0x1c4: {  	[sflag:s12] =	ssyncset.done $0x0  }
0x1c5: {  	s31 =	rddreg [dreg:$0xf];
	[sflag:s12] =	ssyncadd.s32 $0xFFFF8000  }
0x1c6: {  	[spmem:s2] =	stream.indirect.scatter.add.f32 [tilespmem:s8], [sflag:$0x4], $0x40, s31, s7, $0xb8;
	[tilespmem:$0x1F000] =	vst v63  }
0x1c7: {  	_ =	swait.ge [sflag:s10], $0x8000  }
0x1c8: {  	[sflag:s10] =	ssyncset.done $0x0  }
0x1c9: {  	s1 =	rddreg [dreg:$0x10];
	[sflag:s10] =	ssyncadd.s32 $0xFFFF8000  }
0x1ca: {  	[tilespmem:s9], [sflag:$0x1] =	stream.indirect.gather [hbm4b:s4+s7], $0x40, s1, s7, $0xb8;
	[tilespmem:$0x1F000] =	vst v63  }
0x1cb: {  	_ =	swait.ge [sflag:s11], $0x8000  }
0x1cc: {  	[sflag:s11] =	ssyncset.done $0x0  }
0x1cd: {  	s30 =	rddreg [dreg:$0x11];
	[sflag:s11] =	ssyncadd.s32 $0xFFFF8000  }
0x1ce: {  	[tilespmem:s8], [sflag:$0x2] =	stream.indirect.gather [hbm4b:s4+s7], $0x40, s30, s7, $0xb8;
	[tilespmem:$0x1F000] =	vst v63  }
0x1cf: {  	_ =	swait.ge [sflag:s13], $0x8000  }
0x1d0: {  	[sflag:s13] =	ssyncset.done $0x0  }
0x1d1: {  	s31 =	rddreg [dreg:$0x12];
	[sflag:s13] =	ssyncadd.s32 $0xFFFF8000  }
0x1d2: {  	[spmem:s2] =	stream.indirect.scatter.add.f32 [tilespmem:s9], [sflag:$0x3], $0x40, s31, s7, $0xb8;
	[tilespmem:$0x1F000] =	vst v63  }
0x1d3: {  	_ =	swait.ge [sflag:s12], $0x8000  }
0x1d4: {  	[sflag:s12] =	ssyncset.done $0x0  }
0x1d5: {  	s1 =	rddreg [dreg:$0x13];
	[sflag:s12] =	ssyncadd.s32 $0xFFFF8000  }
0x1d6: {  	[spmem:s2] =	stream.indirect.scatter.add.f32 [tilespmem:s8], [sflag:$0x4], $0x40, s1, s7, $0xb8;
	[tilespmem:$0x1F000] =	vst v63  }
0x1d7: {  	_ =	swait.ge [sflag:s10], $0x8000  }
0x1d8: {  	[sflag:s10] =	ssyncset.done $0x0  }
0x1d9: {  	s30 =	rddreg [dreg:$0x14];
	[sflag:s10] =	ssyncadd.s32 $0xFFFF8000  }
0x1da: {  	[tilespmem:s9], [sflag:$0x1] =	stream.indirect.gather [hbm4b:s4+s7], $0x40, s30, s7, $0xb8;
	[tilespmem:$0x1F000] =	vst v63  }
0x1db: {  	_ =	swait.ge [sflag:s11], $0x8000  }
0x1dc: {  	[sflag:s11] =	ssyncset.done $0x0  }
0x1dd: {  	s31 =	rddreg [dreg:$0x15];
	[sflag:s11] =	ssyncadd.s32 $0xFFFF8000  }
0x1de: {  	[tilespmem:s8], [sflag:$0x2] =	stream.indirect.gather [hbm4b:s4+s7], $0x40, s31, s7, $0xb8;
	[tilespmem:$0x1F000] =	vst v63  }
0x1df: {  	_ =	swait.ge [sflag:s13], $0x8000  }
0x1e0: {  	[sflag:s13] =	ssyncset.done $0x0  }
0x1e1: {  	s1 =	rddreg [dreg:$0x16];
	[sflag:s13] =	ssyncadd.s32 $0xFFFF8000  }
0x1e2: {  	[spmem:s2] =	stream.indirect.scatter.add.f32 [tilespmem:s9], [sflag:$0x3], $0x40, s1, s7, $0xb8;
	[tilespmem:$0x1F000] =	vst v63  }
0x1e3: {  	_ =	swait.ge [sflag:s12], $0x8000  }
0x1e4: {  	[sflag:s12] =	ssyncset.done $0x0  }
0x1e5: {  	s30 =	rddreg [dreg:$0x17];
	[sflag:s12] =	ssyncadd.s32 $0xFFFF8000  }
0x1e6: {  	[spmem:s2] =	stream.indirect.scatter.add.f32 [tilespmem:s8], [sflag:$0x4], $0x40, s30, s7, $0xb8;
	[tilespmem:$0x1F000] =	vst v63  }
0x1e7: {  	_ =	swait.ge [sflag:s10], $0x8000  }
0x1e8: {  	[sflag:s10] =	ssyncset.done $0x0  }
0x1e9: {  	s31 =	rddreg [dreg:$0x18];
	[sflag:s10] =	ssyncadd.s32 $0xFFFF8000  }
0x1ea: {  	[tilespmem:s9], [sflag:$0x1] =	stream.indirect.gather [hbm4b:s4+s7], $0x40, s31, s7, $0xb8;
	[tilespmem:$0x1F000] =	vst v63  }
0x1eb: {  	_ =	swait.ge [sflag:s11], $0x8000  }
0x1ec: {  	[sflag:s11] =	ssyncset.done $0x0  }
0x1ed: {  	s1 =	rddreg [dreg:$0x19];
	[sflag:s11] =	ssyncadd.s32 $0xFFFF8000  }
0x1ee: {  	[tilespmem:s8], [sflag:$0x2] =	stream.indirect.gather [hbm4b:s4+s7], $0x40, s1, s7, $0xb8;
	[tilespmem:$0x1F000] =	vst v63  }
0x1ef: {  	_ =	swait.ge [sflag:s13], $0x8000  }
0x1f0: {  	[sflag:s13] =	ssyncset.done $0x0  }
0x1f1: {  	s30 =	rddreg [dreg:$0x1a];
	[sflag:s13] =	ssyncadd.s32 $0xFFFF8000  }
0x1f2: {  	[spmem:s2] =	stream.indirect.scatter.add.f32 [tilespmem:s9], [sflag:$0x3], $0x40, s30, s7, $0xb8;
	[tilespmem:$0x1F000] =	vst v63  }
0x1f3: {  	_ =	swait.ge [sflag:s12], $0x8000  }
0x1f4: {  	[sflag:s12] =	ssyncset.done $0x0  }
0x1f5: {  	s31 =	rddreg [dreg:$0x1b];
	[sflag:s12] =	ssyncadd.s32 $0xFFFF8000  }
0x1f6: {  	[spmem:s2] =	stream.indirect.scatter.add.f32 [tilespmem:s8], [sflag:$0x4], $0x40, s31, s7, $0xb8;
	[tilespmem:$0x1F000] =	vst v63  }
0x1f7: {  	_ =	swait.ge [sflag:s10], $0x8000  }
0x1f8: {  	[sflag:s10] =	ssyncset.done $0x0  }
0x1f9: {  	s1 =	rddreg [dreg:$0x1c];
	[sflag:s10] =	ssyncadd.s32 $0xFFFF8000  }
0x1fa: {  	[tilespmem:s9], [sflag:$0x1] =	stream.indirect.gather [hbm4b:s4+s7], $0x40, s1, s7, $0xb8;
	[tilespmem:$0x1F000] =	vst v63  }
0x1fb: {  	_ =	swait.ge [sflag:s11], $0x8000  }
0x1fc: {  	[sflag:s11] =	ssyncset.done $0x0  }
0x1fd: {  	[sflag:s11] =	ssyncadd.s32 $0xFFFF8000  }
0x1fe: {  	[tilespmem:s8], [sflag:$0x2] =	stream.indirect.gather [hbm4b:s4+s7], $0x40, s29, s7, $0xb8;
	[tilespmem:$0x1F000] =	vst v63  }
0x1ff: {  	_ =	swait.ge [sflag:s13], $0x8000  }
0x200: {  	[sflag:s13] =	ssyncset.done $0x0  }
0x201: {  	[sflag:s13] =	ssyncadd.s32 $0xFFFF8000  }
0x202: {  	[spmem:s2] =	stream.indirect.scatter.add.f32 [tilespmem:s9], [sflag:$0x3], $0x40, s28, s7, $0xb8;
	[tilespmem:$0x1F000] =	vst v63  }
0x203: {  	_ =	swait.ge [sflag:s12], $0x8000  }
0x204: {  	[sflag:s12] =	ssyncset.done $0x0  }
0x205: {  	[sflag:s12] =	ssyncadd.s32 $0xFFFF8000  }
0x206: {  	[spmem:s2] =	stream.indirect.scatter.add.f32 [tilespmem:s8], [sflag:$0x4], $0x40, s26, s7, $0xb8;
	[tilespmem:$0x1F000] =	vst v63  }
0x207: {  	_ =	swait.ge [sflag:s10], $0x8000  }
0x208: {  	[sflag:s10] =	ssyncset.done $0x0  }
0x209: {  	[sflag:s10] =	ssyncadd.s32 $0xFFFF8000  }
0x20a: {  	[tilespmem:s9], [sflag:$0x1] =	stream.indirect.gather [hbm4b:s4+s7], $0x40, s25, s7, $0xb8;
	[tilespmem:$0x1F000] =	vst v63  }
0x20b: {  	_ =	swait.ge [sflag:s11], $0x8000  }
0x20c: {  	[sflag:s11] =	ssyncset.done $0x0  }
0x20d: {  	[sflag:s11] =	ssyncadd.s32 $0xFFFF8000  }
0x20e: {  	[tilespmem:s8], [sflag:$0x2] =	stream.indirect.gather [hbm4b:s4+s7], $0x40, s24, s7, $0xb8;
	[tilespmem:$0x1F000] =	vst v63  }
0x20f: {  	_ =	swait.ge [sflag:s13], $0x8000  }
0x210: {  	[sflag:s13] =	ssyncset.done $0x0  }
0x211: {  	[sflag:s13] =	ssyncadd.s32 $0xFFFF8000  }
0x212: {  	[spmem:s2] =	stream.indirect.scatter.add.f32 [tilespmem:s9], [sflag:$0x3], $0x40, s23, s7, $0xb8;
	[tilespmem:$0x1F000] =	vst v63  }
0x213: {  	_ =	swait.ge [sflag:s12], $0x8000  }
0x214: {  	[sflag:s12] =	ssyncset.done $0x0  }
0x215: {  	[sflag:s12] =	ssyncadd.s32 $0xFFFF8000  }
0x216: {  	[spmem:s2] =	stream.indirect.scatter.add.f32 [tilespmem:s8], [sflag:$0x4], $0x40, s22, s7, $0xb8;
	[tilespmem:$0x1F000] =	vst v63  }
0x217: {  	_ =	swait.ge [sflag:s10], $0x8000  }
0x218: {  	[sflag:s10] =	ssyncset.done $0x0  }
0x219: {  	[sflag:s10] =	ssyncadd.s32 $0xFFFF8000  }
0x21a: {  	[tilespmem:s9], [sflag:$0x1] =	stream.indirect.gather [hbm4b:s4+s7], $0x40, s21, s7, $0xb8;
	[tilespmem:$0x1F000] =	vst v63  }
0x21b: {  	_ =	swait.ge [sflag:s11], $0x8000  }
0x21c: {  	[sflag:s11] =	ssyncset.done $0x0  }
0x21d: {  	[sflag:s11] =	ssyncadd.s32 $0xFFFF8000  }
0x21e: {  	[tilespmem:s8], [sflag:$0x2] =	stream.indirect.gather [hbm4b:s4+s7], $0x40, s19, s7, $0xb8;
	[tilespmem:$0x1F000] =	vst v63  }
0x21f: {  	_ =	swait.ge [sflag:s13], $0x8000  }
0x220: {  	[sflag:s13] =	ssyncset.done $0x0  }
0x221: {  	[sflag:s13] =	ssyncadd.s32 $0xFFFF8000  }
0x222: {  	[spmem:s2] =	stream.indirect.scatter.add.f32 [tilespmem:s9], [sflag:$0x3], $0x40, s20, s7, $0xb8;
	[tilespmem:$0x1F000] =	vst v63  }
0x223: {  	_ =	swait.ge [sflag:s12], $0x8000  }
0x224: {  	[sflag:s12] =	ssyncset.done $0x0  }
0x225: {  	[sflag:s12] =	ssyncadd.s32 $0xFFFF8000  }
0x226: {  	[spmem:s2] =	stream.indirect.scatter.add.f32 [tilespmem:s8], [sflag:$0x4], $0x40, s18, s7, $0xb8;
	[tilespmem:$0x1F000] =	vst v63  }
0x227: {  	_ =	swait.ge [sflag:s10], $0x8000  }
0x228: {  	[sflag:s10] =	ssyncset.done $0x0  }
0x229: {  	[sflag:s10] =	ssyncadd.s32 $0xFFFF8000  }
0x22a: {  	[tilespmem:s9], [sflag:$0x1] =	stream.indirect.gather [hbm4b:s4+s7], $0x40, s17, s7, $0xb8;
	[tilespmem:$0x1F000] =	vst v63  }
0x22b: {  	_ =	swait.ge [sflag:s11], $0x8000  }
0x22c: {  	[sflag:s11] =	ssyncset.done $0x0  }
0x22d: {  	[sflag:s11] =	ssyncadd.s32 $0xFFFF8000  }
0x22e: {  	[tilespmem:s8], [sflag:$0x2] =	stream.indirect.gather [hbm4b:s4+s7], $0x40, s16, s7, $0xb8;
	[tilespmem:$0x1F000] =	vst v63  }
0x22f: {  	_ =	swait.ge [sflag:s13], $0x8000  }
0x230: {  	[sflag:s13] =	ssyncset.done $0x0  }
0x231: {  	[sflag:s13] =	ssyncadd.s32 $0xFFFF8000  }
0x232: {  	[spmem:s2] =	stream.indirect.scatter.add.f32 [tilespmem:s9], [sflag:$0x3], $0x40, s15, s7, $0xb8;
	[tilespmem:$0x1F000] =	vst v63  }
0x233: {  	_ =	swait.ge [sflag:s12], $0x8000  }
0x234: {  	[sflag:s12] =	ssyncset.done $0x0  }
0x235: {  	[sflag:s12] =	ssyncadd.s32 $0xFFFF8000  }
0x236: {  	[spmem:s2] =	stream.indirect.scatter.add.f32 [tilespmem:s8], [sflag:$0x4], $0x40, s14, s7, $0xb8;
	[tilespmem:$0x1F000] =	vst v63  }
0x237: {  	_ =	swait.ge [sflag:s10], $0x8000  }
0x238: {  	[sflag:s10] =	ssyncset.done $0x0  }
0x239: {  	[sflag:s10] =	ssyncadd.s32 $0xFFFF8000  }
0x23a: {  	_ =	swait.ge [sflag:s11], $0x8000  }
0x23b: {  	[sflag:s11] =	ssyncset.done $0x0  }
0x23c: {  	[sflag:s11] =	ssyncadd.s32 $0xFFFF8000  }
0x23d: {  	[bflag:$0x0] =	sbarrier.arrive $0xFFFF  }
0x23e: {  	s30 =	rddreg [dreg:$0x4]  }
0x23f: {  	[hbm:s30], [sflag:s5] =	dma.local [spmem:s6], $0x1400  }
0x240: {  	_ =	swait.ge [sflag:s3], $0x1400  }
0x241: {  	[sflag:s3] =	ssyncset.done $0x0  }
0x242: {  	[sflag:s3] =	ssyncadd.s32 $0xFFFFEC00  }
0x243: {  	_ =	sfence.sel $0x180000  }
0x244: {  	[bflag:$0x0] =	sbarrier.arrive $0xFFFF  }
0x245: {  	_ =	strace $0x9000004A  }
0x246: {  	s31 =	stileid.u32;
	[bflag:$0x2] =	sbarrier.arrive $0xFFFF  }
0x247: {  	p0 =	sne.s32 s31, $0x0;
	s0 =	rddreg [dreg:$0x2]  }
0x248: {  	s0 =	sadd.s32 @!p0 $0x100000, s0  }
0x249: {  	[sflag:s0] =	ssyncadd.tile.s32 @!p0 $0x1;
	_ =	shalt  }
.Lfunc_end2:
_tile_overlayer_lowered:
.L_overlay_start_2:
0x24a: {  	(tag) =	ssettag $0x2  }
0x24b: {  	s0 =	rddreg [dreg:$0x0];
	s2 =	stileid.u32  }
0x24c: {  	s1 =	rddreg [dreg:$0x1];
	p0 =	sne.s32 s2, $0x0  }
0x24d: {  	s3 =	rddreg [dreg:$0x2];
	[bflag:$0x3] =	sbarrier.arrive $0xFFFF;
	s2 =	simm.s32 @!p0 $0x1C05  }
0x24e: {  	[timem:s3], [sflag:s2] =	dma.local @!p0 [hbm:s0], s1  }
0x24f: {  	s0 =	simm.s32 @!p0 $0x5  }
0x250: {  	_ =	swait.ge @!p0 [sflag:s0], s1  }
0x251: {  	s1 =	ssub.s32 @!p0 $0x0, s1;
	[sflag:s0] =	ssyncset.done @!p0 $0x0  }
0x252: {  	[sflag:s0] =	ssyncadd.s32 @!p0 s1  }
0x253: {  	[bflag:$0x3] =	sbarrier.arrive $0xFFFF  }
0x254: {  	_ =	shalt  }

// kernel: kernel.7.cloned.1.call-start
scs
__scs_entry_jumppad:
0x0: {  	(pc) =	sbr.rel $0x88, $3  }
0x1: {  	(tag) =	ssettag $0x0;
	lr =	simm.s32 $0x1  }
0x2: {  	[smem:$0x3F96] =	sst lr;
	_ =	strace $0xD0000000  }
0x3: {  	_ = 	snop  }
0x4: {  	_ = 	snop  }
0x5: {  	_ = 	snop  }
0x6: {  	_ = 	snop  }
0x7: {  	_ = 	snop  }
__scs_overlays_trampoline_lowered:
0x8: {  	[smem:$0x3FA5] =	sst s0  }
0x9: {  	[smem:$0x3FA6] =	sst s1  }
0xa: {  	[smem:$0x3FA7] =	sst s2  }
0xb: {  	[smem:$0x3FA8] =	sst s3  }
0xc: {  	[smem:$0x3FA9] =	sst s4  }
0xd: {  	[smem:$0x3FAA] =	sst s5  }
0xe: {  	[smem:$0x3FAB] =	sst s6  }
0xf: {  	[smem:$0x3FAC] =	sst s7  }
0x10: {  	[smem:$0x3FAD] =	sst s8  }
0x11: {  	[smem:$0x3FAE] =	sst s9;
	s0 =	simm.s32 @!p0 $0x0  }
0x12: {  	s1 =	sld [smem:$0x3F94];
	s0 =	simm.s32 @p0 $0x1  }
0x13: {  	[smem:$0x3FAF] =	sst s0;
	s0 =	simm.s32 @!p1 $0x0  }
0x14: {  	s2 =	sld [smem:$0x3F93];
	s0 =	simm.s32 @p1 $0x1  }
0x15: {  	[smem:$0x3FB0] =	sst s0;
	s0 =	simm.s32 @!p2 $0x0  }
0x16: {  	s3 =	sld [smem:$0x3FDB];
	s0 =	simm.s32 @p2 $0x1  }
0x17: {  	s4 =	simm.s32 $0x1BF5;
	[smem:$0x3FB2] =	sst s0  }
0x18: {  	s0 =	sld [smem:$0x3F95];
	_ =	swait.ge [sflag:s4], $0x0  }
0x19: {  	s7 =	sld [smem:$0x3F96]  }
0x1a: {  	s8 =	sadd.s32 $0xFFFFE003, lr  }
0x1b: {  	s9 =	sadd.s32 $0xFFFFFEF7, lr;
	s5 =	simm.s32 $0xFFFFFFFF;
	p2 =	slt.u32 s8, $0xFFFFF086  }
0x1c: {  	p1 =	slt.u32 s9, $0xF7A;
	s5 =	simm.s32 @!p2 $0x0  }
0x1d: {  	s5 =	simm.s32 @p1 $0x1;
	p0 =	seq.s32 s7, s2  }
0x1e: {  	s7 =	smul.u32 @!p0 $0xF7A, s2;
	p2 =	seq.s32 @!p0 s5, $0x0  }
0x1f: {  	s9 =	smul.u32 $0xF7A, s1;
	s8 =	simm.s32 @!p0 $0x1BF5;
	p2 =	por !p2, p0  }
0x20: {  	[sflag:s8] =	ssyncset.s32 @!p0 $0xFFFFF086;
	s6 =	sadd.s32 @!p0 s3, s7;
	s7 =	simm.s32 @!p0 $0x108  }
0x21: {  	s3 =	sadd.s32 s3, s9;
	s6 =	sadd.s32 @!p0 $0x88, s6;
	s7 =	simm.s32 @p2 $0x1082  }
0x22: {  	[simem:s7], [sflag:s8] =	dma.local @!p0 [hbm:s6], $0xF7A  }
0x23: {  	s9 =	sor.u32 $0xD0000000, s2;
	s6 =	simm.s32 $0x108;
	_ =	swait.ge @!p0 [sflag:s8], $0x0  }
0x24: {  	s3 =	sadd.s32 $0x88, s3;
	s6 =	simm.s32 @!p1 $0x1082;
	[sflag:s4] =	ssyncset.s32 $0xFFFFF086  }
0x25: {  	[simem:s6], [sflag:s4] =	dma.local [hbm:s3], $0xF7A  }
0x26: {  	[smem:$0x3F96] =	sst s1;
	(tag) =	ssettag s2;
	_ =	strace s9  }
0x27: {  	s1 =	sld [smem:$0x3FA6]  }
0x28: {  	s2 =	sld [smem:$0x3FA7]  }
0x29: {  	s4 =	sld [smem:$0x3FA9]  }
0x2a: {  	p0 =	seq.s32 s5, $0x0;
	s5 =	sld [smem:$0x3FAA]  }
0x2b: {  	s6 =	sld [smem:$0x3FAB]  }
0x2c: {  	s7 =	sld [smem:$0x3FAC]  }
0x2d: {  	s3 =	simm.s32 $0x108;
	s8 =	sld [smem:$0x3FAD]  }
0x2e: {  	s3 =	simm.s32 @!p0 $0x1082;
	s9 =	sld [smem:$0x3FAE]  }
0x2f: {  	lr =	sadd.s32 s0, s3;
	s0 =	sld [smem:$0x3FA5]  }
0x30: {  	s3 =	sld [smem:$0x3FA8]  }
0x31: {  	[smem:$0x3FB1] =	sst s10  }
0x32: {  	s10 =	sld [smem:$0x3FAF];
	_ =	sdelay $0x3  }
0x33: {  	p0 =	seq.s32 s10, $0x1;
	s10 =	sld [smem:$0x3FB1];
	_ =	sdelay $0x3  }
0x34: {  	[smem:$0x3FB1] =	sst s10  }
0x35: {  	s10 =	sld [smem:$0x3FB0];
	_ =	sdelay $0x3  }
0x36: {  	p1 =	seq.s32 s10, $0x1;
	s10 =	sld [smem:$0x3FB1];
	_ =	sdelay $0x3  }
0x37: {  	[smem:$0x3FB1] =	sst s10  }
0x38: {  	s10 =	sld [smem:$0x3FB2]  }
0x39: {  	_ = 	snop;
	(pc) =	sbr.ind lr, $3  }
0x3a: {  	_ = 	snop  }
0x3b: {  	_ = 	snop  }
0x3c: {  	p2 =	seq.s32 s10, $0x1;
	s10 =	sld [smem:$0x3FB1]  }
0x3d: {  	_ =	shalt  }
0x3e: {  	_ =	shalt  }
0x3f: {  	_ =	shalt  }
0x40: {  	_ =	shalt  }
0x41: {  	_ =	shalt  }
0x42: {  	_ =	shalt  }
0x43: {  	_ =	shalt  }
0x44: {  	_ =	shalt  }
0x45: {  	_ =	shalt  }
0x46: {  	_ =	shalt  }
0x47: {  	_ =	shalt  }
0x48: {  	_ =	shalt  }
0x49: {  	_ =	shalt  }
0x4a: {  	_ =	shalt  }
0x4b: {  	_ =	shalt  }
0x4c: {  	_ =	shalt  }
0x4d: {  	_ =	shalt  }
0x4e: {  	_ =	shalt  }
0x4f: {  	_ =	shalt  }
0x50: {  	_ =	shalt  }
0x51: {  	_ =	shalt  }
0x52: {  	_ =	shalt  }
0x53: {  	_ =	shalt  }
0x54: {  	_ =	shalt  }
0x55: {  	_ =	shalt  }
0x56: {  	_ =	shalt  }
0x57: {  	_ =	shalt  }
0x58: {  	_ =	shalt  }
0x59: {  	_ =	shalt  }
0x5a: {  	_ =	shalt  }
0x5b: {  	_ =	shalt  }
0x5c: {  	_ =	shalt  }
0x5d: {  	_ =	shalt  }
0x5e: {  	_ =	shalt  }
0x5f: {  	_ =	shalt  }
0x60: {  	_ =	shalt  }
0x61: {  	_ =	shalt  }
0x62: {  	_ =	shalt  }
0x63: {  	_ =	shalt  }
0x64: {  	_ =	shalt  }
0x65: {  	_ =	shalt  }
0x66: {  	_ =	shalt  }
0x67: {  	_ =	shalt  }
0x68: {  	_ =	shalt  }
0x69: {  	_ =	shalt  }
0x6a: {  	_ =	shalt  }
0x6b: {  	_ =	shalt  }
0x6c: {  	_ =	shalt  }
0x6d: {  	_ =	shalt  }
0x6e: {  	_ =	shalt  }
0x6f: {  	_ =	shalt  }
0x70: {  	_ =	shalt  }
0x71: {  	_ =	shalt  }
0x72: {  	_ =	shalt  }
0x73: {  	_ =	shalt  }
0x74: {  	_ =	shalt  }
0x75: {  	_ =	shalt  }
0x76: {  	_ =	shalt  }
0x77: {  	_ =	shalt  }
0x78: {  	_ =	shalt  }
0x79: {  	_ =	shalt  }
0x7a: {  	_ =	shalt  }
0x7b: {  	_ =	shalt  }
0x7c: {  	_ =	shalt  }
0x7d: {  	_ =	shalt  }
0x7e: {  	_ =	shalt  }
0x7f: {  	_ =	shalt  }
0x80: {  	_ =	shalt  }
0x81: {  	_ =	shalt  }
0x82: {  	_ =	shalt  }
0x83: {  	_ =	shalt  }
0x84: {  	_ =	shalt  }
0x85: {  	_ =	shalt  }
0x86: {  	_ =	shalt  }
0x87: {  	_ =	shalt  }
.Lfunc_end0:
.L_simem_size_0:
called_computation_lowered:
.L_overlay_start_0:
0x88: {  	s2 =	sld [smem:$0x3FD9]  }
0x89: {  	s3 =	sld [smem:$0x3FFE];
	_ =	sdelay $0x1  }
0x8a: {  	s1 =	srdreg.scid  }
0x8b: {  	s0 =	sand.u32 $0x1, s1  }
0x8c: {  	s16 =	sshll.u32 s0, $0xA;
	s2 =	sadd.s32 s3, s2  }
0x8d: {  	s2 =	sadd.s32 s2, s16  }
0x8e: {  	[smem:$0x3FBD] =	sst s2  }
0x8f: {  	_ = 	snop  }
0x90: {  	(tm) =	ssettm $0x1  }
0x91: {  	s17 =	sld [smem:$0x3FFB];
	_ =	sdelay $0x3  }
0x92: {  	_ =	strace s17  }
0x93: {  	s2 =	sld [smem:$0x3FFC];
	_ =	sdelay $0x3  }
0x94: {  	_ =	strace s2  }
0x95: {  	s2 =	sld [smem:$0x3FFD];
	_ =	sdelay $0x3  }
0x96: {  	_ =	strace s2  }
0x97: {  	_ =	strace $0x8FFFFFFF  }
0x98: {  	s18 =	sld [smem:$0x3FDB];
	_ =	sdelay $0x1  }
0x99: {  	s19 =	simm.s32 $_scs_section_size  }
0x9a: {  	s4 =	simm.s32 $_size__tile_overlayer_lowered;
	s5 =	simm.s32 $_tile_overlayer_lowered  }
0x9b: {  	s22 =	simm.s32 $0x1BFF;
	s21 =	sshll.u32 s5, $0x1;
	s2 =	sadd.s32 s19, s18  }
0x9c: {  	s6 =	simm.s32 $0x0;
	s20 =	sshll.u32 s4, $0x1;
	s4 =	sadd.s32 s21, s2  }
0x9d: {  	[timem:s6], [sflag:s22] =	dma.local [hbm:s4], s20  }
0x9e: {  	_ =	swait.ge [sflag:s22], s20  }
0x9f: {  	s3 =	ssub.s32 $0x0, s20;
	[sflag:s22] =	ssyncset.done $0x0  }
0xa0: {  	[sflag:s22] =	ssyncadd.s32 s3;
	_ =	sdelay $0x1  }
0xa1: {  	s23 =	simm.s32 $0x1B8B  }
0xa2: {  	_ =	swait.ge [sflag:s23], $0x1  }
0xa3: {  	[sflag:s23] =	ssyncset.done $0x0  }
0xa4: {  	s25 =	simm.s32 $0x1B8E;
	s24 =	sld [smem:$0x3FFE];
	[sflag:s23] =	ssyncadd.s32 $0xFFFFFFFF  }
0xa5: {  	s26 =	simm.s32 $execute0_lowered;
	[smem:$0x3FD2] =	sst s25  }
0xa6: {  	s4 =	sshll.u32 s26, $0x1;
	_ =	strace $0x80000046;
	[dreg:$0x1] =	wrdreg $0xFFFFFFFF  }
0xa7: {  	s28 =	simm.s32 $_size_execute0_lowered;
	s2 =	sadd.s32 s2, s4;
	[dreg:$0x0] =	wrdreg $0x0  }
0xa8: {  	s4 =	sshll.u32 s28, $0x1;
	[dreg:$0x2] =	wrdreg s2  }
0xa9: {  	[dreg:$0x3] =	wrdreg s4  }
0xaa: {  	[dreg:$0x4] =	wrdreg $0xC0  }
0xab: {  	_ =	task [dreg:s6], $0x5FFFF  }
0xac: {  	[dreg:$0x1] =	wrdreg $0xFFFFFFFF  }
0xad: {  	[dreg:$0x0] =	wrdreg $0x60  }
0xae: {  	[dreg:$0x2] =	wrdreg s24  }
0xaf: {  	[dreg:$0x3] =	wrdreg $0x150000  }
0xb0: {  	[dreg:$0x4] =	wrdreg $0x9  }
0xb1: {  	_ =	task.clear_ibuf [dreg:s6], $0x5FFFF;
	_ =	strace $0x90000046  }
0xb2: {  	s29 =	simm.s32 $0x9;
	_ =	strace $0x80000048  }
0xb3: {  	_ =	swait.ge [sflag:s29], $0x1  }
0xb4: {  	[sflag:s29] =	ssyncadd.s32 $0xFFFFFFFF  }
0xb5: {  	_ =	strace $0x90000048  }
0xb6: {  	_ =	sfence  }
0xb7: {  	s30 =	sld [smem:$0x0];
	_ =	sdelay $0x2  }
0xb8: {  	s31 =	sshll.u32 s1, $0xD;
	s1 =	sshrl.u32 s1, $0x2  }
0xb9: {  	s3 =	sand.u32 $0x4000, s31;
	s1 =	sadd.s32 s1, s30  }
0xba: {  	s0 =	sor.u32 s3, s0;
	s1 =	sshll.u32 s1, $0x11  }
0xbb: {  	s0 =	sor.u32 s1, s0  }
0xbc: {  	s0 =	sadd.s32 $0x8F2B, s0  }
0xbd: {  	[sflag:s0] =	ssyncadd.remote.s32 $0x1  }
0xbe: {  	_ =	sfence.sel $0xFFFF  }
0xbf: {  	[dreg:$0x0] =	wrdreg $0xFFFFFFFF;
	(pc) =	sbr.abs _section_cstart, $3  }
0xc0: {  	[dreg:$0x1] =	wrdreg $0xFFFFFFFF  }
0xc1: {  	_ =	task.clear_ibuf [dreg:s6], $0x2FFFF;
	_ =	strace $0x9FFFFFFF  }
0xc2: {  	(tm) =	ssettm $0x7FFFFFFF  }
0xc3: {  	_ =	shalt  }
tec
execute0_lowered:
.L_overlay_start_1:
0x0: {  	(tag) =	ssettag $0x1  }
0x1: {  	s0 =	rddreg [dreg:$0x0]  }
0x2: {  	s2 =	rddreg [dreg:$0x1];
	s1 =	srdreg.scid  }
0x3: {  	s11 =	stileid.u32;
	s30 =	simm.s32 $0x0;
	s22 =	simm.s32 $0x2A00  }
0x4: {  	s23 =	simm.s32 $0x400;
	s24 =	simm.s32 $0x600;
	s25 =	simm.s32 $0x2C00  }
0x5: {  	s26 =	simm.s32 $0x2E00;
	[smem:$0x7FF] =	sst s30;
	s9 =	sadd.s32 $0x29C00, s0  }
0x6: {  	s13 =	simm.s32 $0xC00;
	_ =	strace $0x80000047;
	[dreg:$0x3] =	wrdreg s9  }
0x7: {  	s14 =	simm.s32 $0xE00;
	s15 =	simm.s32 $0x3400;
	[dreg:$0x7] =	wrdreg s22  }
0x8: {  	s31 =	simm.s32 $0x2800;
	s16 =	simm.s32 $0x3600;
	[dreg:$0x8] =	wrdreg s23  }
0x9: {  	s18 =	simm.s32 $0x1000;
	s19 =	simm.s32 $0x1200;
	[dreg:$0x9] =	wrdreg s24  }
0xa: {  	s29 =	simm.s32 $0x1A00;
	s28 =	simm.s32 $0x4000;
	[dreg:$0xa] =	wrdreg s25  }
0xb: {  	s1 =	sand.u32 $0x1, s1;
	s3 =	smul.u32 $0xA000, s11;
	[dreg:$0xb] =	wrdreg s26  }
0xc: {  	s5 =	sadd.s32 $0x7200, s0;
	s6 =	sadd.s32 $0x2200, s0;
	[dreg:$0x10] =	wrdreg s13  }
0xd: {  	s7 =	sadd.s32 $0xC200, s0;
	s8 =	sadd.s32 $0x11200, s0;
	[dreg:$0x11] =	wrdreg s14  }
0xe: {  	s10 =	smul.u32 $0x500, s11;
	s17 =	sshll.u32 s11, $0x6;
	[dreg:$0x12] =	wrdreg s15  }
0xf: {  	s11 =	simm.s32 $0x4;
	s4 =	smul.u32 $0xA0000, s1;
	[dreg:$0x13] =	wrdreg s16  }
0x10: {  	p0 =	seq.s32 s1, $0x1;
	s1 =	ssub.s32 $0x2, s1;
	[dreg:$0x14] =	wrdreg s18  }
0x11: {  	s9 =	simm.s32 $0x3000;
	[dreg:$0x15] =	wrdreg s19;
	s22 =	simm.s32 $0x1400  }
0x12: {  	s23 =	simm.s32 $0x1600;
	s13 =	simm.s32 $0x1;
	s24 =	simm.s32 $0x3C00  }
0x13: {  	s25 =	simm.s32 $0x3E00;
	s26 =	simm.s32 $0x1800;
	s19 =	simm.s32 $0x2200  }
0x14: {  	s18 =	simm.s32 $0x4A00;
	s16 =	simm.s32 $0x2600;
	[dreg:$0xe] =	wrdreg s9  }
0x15: {  	s15 =	simm.s32 $0x4C00;
	s14 =	simm.s32 $0x4E00;
	[dreg:$0x18] =	wrdreg s22  }
0x16: {  	s5 =	smov.u32 @p0 s7;
	s6 =	smov.u32 @p0 s8;
	[dreg:$0x19] =	wrdreg s23  }
0x17: {  	s7 =	simm.s32 $0xA00;
	s8 =	sshrl.u32 s1, $0x1;
	[dreg:$0x1a] =	wrdreg s24  }
0x18: {  	s12 =	sadd.s32 s3, s2;
	s9 =	simm.s32 $0x5000;
	[dreg:$0x1b] =	wrdreg s25  }
0x19: {  	[dreg:$0x1c] =	wrdreg s26;
	s26 =	simm.s32 $0x4200;
	s25 =	simm.s32 $0x1C00  }
0x1a: {  	s24 =	simm.s32 $0x1E00;
	s23 =	simm.s32 $0x4400;
	s22 =	simm.s32 $0x4600  }
0x1b: {  	p0 =	por $0x0, $0x0;
	s4 =	sadd.s32 s3, s4;
	s20 =	sadd.s32 s5, s10  }
0x1c: {  	s21 =	sadd.s32 s6, s10;
	s6 =	simm.s32 $0x800;
	[dreg:$0xd] =	wrdreg s7  }
0x1d: {  	s1 =	ssub.s32 s1, s8;
	s10 =	simm.s32 $0x3200;
	s3 =	simm.s32 $0x5  }
0x1e: {  	s5 =	sor.u32 $0x1C05, s17;
	s7 =	simm.s32 $0x200;
	[dreg:$0x6] =	wrdreg s20  }
0x1f: {  	s8 =	simm.s32 $0xD000;
	s17 =	simm.s32 $0x2400;
	[dreg:$0x5] =	wrdreg s21  }
0x20: {  	s4 =	sshrl.u32 s4, $0x3;
	[dreg:$0xc] =	wrdreg s6;
	s1 =	smax.u32 s1, $0x1  }
0x21: {  	[dreg:$0xf] =	wrdreg s10;
	s6 =	sshrl.u32 s12, $0x3;
	p1 =	sne.s32 s1, $0x1  }
.Ltmp0:
0x22: {  	s20 =	simm.s32 $0x3800;
	s21 =	simm.s32 $0x3A00;
	(pc) =	sbr.rel @!p1 .LBB2_3-.Ltmp0, $4  }
0x23: {  	s12 =	simm.s32 $0x2;
	s4 =	sadd.s32 s4, s0;
	[dreg:$0x16] =	wrdreg s20  }
0x24: {  	s10 =	simm.s32 $0x3;
	[dreg:$0x17] =	wrdreg s21;
	s4 =	sadd.s32 $0x2B000, s4  }
0x25: {  	s21 =	simm.s32 $0x2000;
	s20 =	simm.s32 $0x4800;
	[dreg:$0x4] =	wrdreg s4  }
0x26: {  	s4 =	sadd.s32 $0x16200, s0;
	s0 =	sadd.s32 $0xFFFFFFFF, s1;
	s1 =	rddreg [dreg:$0x6]  }
0x27: {  	[tilespmem:s30], [sflag:$0x5] =	stream.linear.gather [hbm4b:s1+s30], $0x2800, $0x38;
	[tilespmem:$0x1F000] =	vst v63  }
0x28: {  	_ =	swait.ge [sflag:s3], $0x2800  }
0x29: {  	[sflag:s3] =	ssyncset.done $0x0  }
0x2a: {  	s1 =	rddreg [dreg:$0x5];
	[sflag:s3] =	ssyncadd.s32 $0xFFFFD800  }
0x2b: {  	[tilespmem:s31], [sflag:$0x5] =	stream.linear.gather [hbm4b:s1+s30], $0x2800, $0x38;
	[tilespmem:$0x1F000] =	vst v63  }
0x2c: {  	_ =	swait.ge [sflag:s3], $0x2800  }
0x2d: {  	[sflag:s3] =	ssyncset.done $0x0  }
0x2e: {  	s1 =	rddreg [dreg:$0x3];
	[sflag:s3] =	ssyncadd.s32 $0xFFFFD800  }
0x2f: {  	[spmem:s6], [sflag:s5] =	dma.local [hbm:s1], $0x1400  }
0x30: {  	_ =	swait.ge [sflag:s3], $0x1400  }
0x31: {  	[sflag:s3] =	ssyncset.done $0x0  }
0x32: {  	[sflag:s3] =	ssyncadd.s32 $0xFFFFEC00  }
0x33: {  	[bflag:$0x0] =	sbarrier.arrive $0xFFFF  }
0x34: {  	[tilespmem:s9], [sflag:$0x1] =	stream.indirect.gather [hbm4b:s4+s7], $0x40, s30, s7, $0xb8;
	[tilespmem:$0x1F000] =	vst v63  }
0x35: {  	_ = 	snop  }
0x36: {  	[tilespmem:s8], [sflag:$0x2] =	stream.indirect.gather [hbm4b:s4+s7], $0x40, s7, s7, $0xb8;
	[tilespmem:$0x1F000] =	vst v63  }
0x37: {  	_ =	swait.ge [sflag:s13], $0x8000  }
0x38: {  	[sflag:s13] =	ssyncset.done $0x0  }
0x39: {  	[sflag:s13] =	ssyncadd.s32 $0xFFFF8000  }
0x3a: {  	[spmem:s2] =	stream.indirect.scatter.add.f32 [tilespmem:s9], [sflag:$0x3], $0x40, s31, s7, $0xb8;
	[tilespmem:$0x1F000] =	vst v63  }
0x3b: {  	_ =	swait.ge [sflag:s12], $0x8000  }
0x3c: {  	[sflag:s12] =	ssyncset.done $0x0  }
0x3d: {  	s1 =	rddreg [dreg:$0x7];
	[sflag:s12] =	ssyncadd.s32 $0xFFFF8000  }
0x3e: {  	[spmem:s2] =	stream.indirect.scatter.add.f32 [tilespmem:s8], [sflag:$0x4], $0x40, s1, s7, $0xb8;
	[tilespmem:$0x1F000] =	vst v63  }
0x3f: {  	_ =	swait.ge [sflag:s10], $0x8000  }
0x40: {  	[sflag:s10] =	ssyncset.done $0x0  }
0x41: {  	s1 =	rddreg [dreg:$0x8];
	[sflag:s10] =	ssyncadd.s32 $0xFFFF8000  }
0x42: {  	[tilespmem:s9], [sflag:$0x1] =	stream.indirect.gather [hbm4b:s4+s7], $0x40, s1, s7, $0xb8;
	[tilespmem:$0x1F000] =	vst v63  }
0x43: {  	_ =	swait.ge [sflag:s11], $0x8000  }
0x44: {  	[sflag:s11] =	ssyncset.done $0x0  }
0x45: {  	s1 =	rddreg [dreg:$0x9];
	[sflag:s11] =	ssyncadd.s32 $0xFFFF8000  }
0x46: {  	[tilespmem:s8], [sflag:$0x2] =	stream.indirect.gather [hbm4b:s4+s7], $0x40, s1, s7, $0xb8;
	[tilespmem:$0x1F000] =	vst v63  }
0x47: {  	_ =	swait.ge [sflag:s13], $0x8000  }
0x48: {  	[sflag:s13] =	ssyncset.done $0x0  }
0x49: {  	s1 =	rddreg [dreg:$0xa];
	[sflag:s13] =	ssyncadd.s32 $0xFFFF8000  }
0x4a: {  	[spmem:s2] =	stream.indirect.scatter.add.f32 [tilespmem:s9], [sflag:$0x3], $0x40, s1, s7, $0xb8;
	[tilespmem:$0x1F000] =	vst v63  }
0x4b: {  	_ =	swait.ge [sflag:s12], $0x8000  }
0x4c: {  	[sflag:s12] =	ssyncset.done $0x0  }
0x4d: {  	s1 =	rddreg [dreg:$0xb];
	[sflag:s12] =	ssyncadd.s32 $0xFFFF8000  }
0x4e: {  	[spmem:s2] =	stream.indirect.scatter.add.f32 [tilespmem:s8], [sflag:$0x4], $0x40, s1, s7, $0xb8;
	[tilespmem:$0x1F000] =	vst v63  }
0x4f: {  	_ =	swait.ge [sflag:s10], $0x8000  }
0x50: {  	[sflag:s10] =	ssyncset.done $0x0  }
0x51: {  	s1 =	rddreg [dreg:$0xc];
	[sflag:s10] =	ssyncadd.s32 $0xFFFF8000  }
0x52: {  	[tilespmem:s9], [sflag:$0x1] =	stream.indirect.gather [hbm4b:s4+s7], $0x40, s1, s7, $0xb8;
	[tilespmem:$0x1F000] =	vst v63  }
0x53: {  	_ =	swait.ge [sflag:s11], $0x8000  }
0x54: {  	[sflag:s11] =	ssyncset.done $0x0  }
0x55: {  	s1 =	rddreg [dreg:$0xd];
	[sflag:s11] =	ssyncadd.s32 $0xFFFF8000  }
0x56: {  	[tilespmem:s8], [sflag:$0x2] =	stream.indirect.gather [hbm4b:s4+s7], $0x40, s1, s7, $0xb8;
	[tilespmem:$0x1F000] =	vst v63  }
0x57: {  	_ =	swait.ge [sflag:s13], $0x8000  }
0x58: {  	[sflag:s13] =	ssyncset.done $0x0  }
0x59: {  	s1 =	rddreg [dreg:$0xe];
	[sflag:s13] =	ssyncadd.s32 $0xFFFF8000  }
0x5a: {  	[spmem:s2] =	stream.indirect.scatter.add.f32 [tilespmem:s9], [sflag:$0x3], $0x40, s1, s7, $0xb8;
	[tilespmem:$0x1F000] =	vst v63  }
0x5b: {  	_ =	swait.ge [sflag:s12], $0x8000  }
0x5c: {  	[sflag:s12] =	ssyncset.done $0x0  }
0x5d: {  	s1 =	rddreg [dreg:$0xf];
	[sflag:s12] =	ssyncadd.s32 $0xFFFF8000  }
0x5e: {  	[spmem:s2] =	stream.indirect.scatter.add.f32 [tilespmem:s8], [sflag:$0x4], $0x40, s1, s7, $0xb8;
	[tilespmem:$0x1F000] =	vst v63  }
0x5f: {  	_ =	swait.ge [sflag:s10], $0x8000  }
0x60: {  	[sflag:s10] =	ssyncset.done $0x0  }
0x61: {  	s1 =	rddreg [dreg:$0x10];
	[sflag:s10] =	ssyncadd.s32 $0xFFFF8000  }
0x62: {  	[tilespmem:s9], [sflag:$0x1] =	stream.indirect.gather [hbm4b:s4+s7], $0x40, s1, s7, $0xb8;
	[tilespmem:$0x1F000] =	vst v63  }
0x63: {  	_ =	swait.ge [sflag:s11], $0x8000  }
0x64: {  	[sflag:s11] =	ssyncset.done $0x0  }
0x65: {  	s1 =	rddreg [dreg:$0x11];
	[sflag:s11] =	ssyncadd.s32 $0xFFFF8000  }
0x66: {  	[tilespmem:s8], [sflag:$0x2] =	stream.indirect.gather [hbm4b:s4+s7], $0x40, s1, s7, $0xb8;
	[tilespmem:$0x1F000] =	vst v63  }
0x67: {  	_ =	swait.ge [sflag:s13], $0x8000  }
0x68: {  	[sflag:s13] =	ssyncset.done $0x0  }
0x69: {  	s1 =	rddreg [dreg:$0x12];
	[sflag:s13] =	ssyncadd.s32 $0xFFFF8000  }
0x6a: {  	[spmem:s2] =	stream.indirect.scatter.add.f32 [tilespmem:s9], [sflag:$0x3], $0x40, s1, s7, $0xb8;
	[tilespmem:$0x1F000] =	vst v63  }
0x6b: {  	_ =	swait.ge [sflag:s12], $0x8000  }
0x6c: {  	[sflag:s12] =	ssyncset.done $0x0  }
0x6d: {  	s1 =	rddreg [dreg:$0x13];
	[sflag:s12] =	ssyncadd.s32 $0xFFFF8000  }
0x6e: {  	[spmem:s2] =	stream.indirect.scatter.add.f32 [tilespmem:s8], [sflag:$0x4], $0x40, s1, s7, $0xb8;
	[tilespmem:$0x1F000] =	vst v63  }
0x6f: {  	_ =	swait.ge [sflag:s10], $0x8000  }
0x70: {  	[sflag:s10] =	ssyncset.done $0x0  }
0x71: {  	s1 =	rddreg [dreg:$0x14];
	[sflag:s10] =	ssyncadd.s32 $0xFFFF8000  }
0x72: {  	[tilespmem:s9], [sflag:$0x1] =	stream.indirect.gather [hbm4b:s4+s7], $0x40, s1, s7, $0xb8;
	[tilespmem:$0x1F000] =	vst v63  }
0x73: {  	_ =	swait.ge [sflag:s11], $0x8000  }
0x74: {  	[sflag:s11] =	ssyncset.done $0x0  }
0x75: {  	s1 =	rddreg [dreg:$0x15];
	[sflag:s11] =	ssyncadd.s32 $0xFFFF8000  }
0x76: {  	[tilespmem:s8], [sflag:$0x2] =	stream.indirect.gather [hbm4b:s4+s7], $0x40, s1, s7, $0xb8;
	[tilespmem:$0x1F000] =	vst v63  }
0x77: {  	_ =	swait.ge [sflag:s13], $0x8000  }
0x78: {  	[sflag:s13] =	ssyncset.done $0x0  }
0x79: {  	s1 =	rddreg [dreg:$0x16];
	[sflag:s13] =	ssyncadd.s32 $0xFFFF8000  }
0x7a: {  	[spmem:s2] =	stream.indirect.scatter.add.f32 [tilespmem:s9], [sflag:$0x3], $0x40, s1, s7, $0xb8;
	[tilespmem:$0x1F000] =	vst v63  }
0x7b: {  	_ =	swait.ge [sflag:s12], $0x8000  }
0x7c: {  	[sflag:s12] =	ssyncset.done $0x0  }
0x7d: {  	s1 =	rddreg [dreg:$0x17];
	[sflag:s12] =	ssyncadd.s32 $0xFFFF8000  }
0x7e: {  	[spmem:s2] =	stream.indirect.scatter.add.f32 [tilespmem:s8], [sflag:$0x4], $0x40, s1, s7, $0xb8;
	[tilespmem:$0x1F000] =	vst v63  }
0x7f: {  	_ =	swait.ge [sflag:s10], $0x8000  }
0x80: {  	[sflag:s10] =	ssyncset.done $0x0  }
0x81: {  	s1 =	rddreg [dreg:$0x18];
	[sflag:s10] =	ssyncadd.s32 $0xFFFF8000  }
0x82: {  	[tilespmem:s9], [sflag:$0x1] =	stream.indirect.gather [hbm4b:s4+s7], $0x40, s1, s7, $0xb8;
	[tilespmem:$0x1F000] =	vst v63  }
0x83: {  	_ =	swait.ge [sflag:s11], $0x8000  }
0x84: {  	[sflag:s11] =	ssyncset.done $0x0  }
0x85: {  	s1 =	rddreg [dreg:$0x19];
	[sflag:s11] =	ssyncadd.s32 $0xFFFF8000  }
0x86: {  	[tilespmem:s8], [sflag:$0x2] =	stream.indirect.gather [hbm4b:s4+s7], $0x40, s1, s7, $0xb8;
	[tilespmem:$0x1F000] =	vst v63  }
0x87: {  	_ =	swait.ge [sflag:s13], $0x8000  }
0x88: {  	[sflag:s13] =	ssyncset.done $0x0  }
0x89: {  	s1 =	rddreg [dreg:$0x1a];
	[sflag:s13] =	ssyncadd.s32 $0xFFFF8000  }
0x8a: {  	[spmem:s2] =	stream.indirect.scatter.add.f32 [tilespmem:s9], [sflag:$0x3], $0x40, s1, s7, $0xb8;
	[tilespmem:$0x1F000] =	vst v63  }
0x8b: {  	_ =	swait.ge [sflag:s12], $0x8000  }
0x8c: {  	[sflag:s12] =	ssyncset.done $0x0  }
0x8d: {  	s1 =	rddreg [dreg:$0x1b];
	[sflag:s12] =	ssyncadd.s32 $0xFFFF8000  }
0x8e: {  	[spmem:s2] =	stream.indirect.scatter.add.f32 [tilespmem:s8], [sflag:$0x4], $0x40, s1, s7, $0xb8;
	[tilespmem:$0x1F000] =	vst v63  }
0x8f: {  	_ =	swait.ge [sflag:s10], $0x8000  }
0x90: {  	[sflag:s10] =	ssyncset.done $0x0  }
0x91: {  	s1 =	rddreg [dreg:$0x1c];
	[sflag:s10] =	ssyncadd.s32 $0xFFFF8000  }
0x92: {  	[tilespmem:s9], [sflag:$0x1] =	stream.indirect.gather [hbm4b:s4+s7], $0x40, s1, s7, $0xb8;
	[tilespmem:$0x1F000] =	vst v63  }
0x93: {  	_ =	swait.ge [sflag:s11], $0x8000  }
0x94: {  	[sflag:s11] =	ssyncset.done $0x0  }
0x95: {  	[sflag:s11] =	ssyncadd.s32 $0xFFFF8000  }
0x96: {  	[tilespmem:s8], [sflag:$0x2] =	stream.indirect.gather [hbm4b:s4+s7], $0x40, s29, s7, $0xb8;
	[tilespmem:$0x1F000] =	vst v63  }
0x97: {  	_ =	swait.ge [sflag:s13], $0x8000  }
0x98: {  	[sflag:s13] =	ssyncset.done $0x0  }
0x99: {  	[sflag:s13] =	ssyncadd.s32 $0xFFFF8000  }
0x9a: {  	[spmem:s2] =	stream.indirect.scatter.add.f32 [tilespmem:s9], [sflag:$0x3], $0x40, s28, s7, $0xb8;
	[tilespmem:$0x1F000] =	vst v63  }
0x9b: {  	_ =	swait.ge [sflag:s12], $0x8000  }
0x9c: {  	[sflag:s12] =	ssyncset.done $0x0  }
0x9d: {  	[sflag:s12] =	ssyncadd.s32 $0xFFFF8000  }
0x9e: {  	[spmem:s2] =	stream.indirect.scatter.add.f32 [tilespmem:s8], [sflag:$0x4], $0x40, s26, s7, $0xb8;
	[tilespmem:$0x1F000] =	vst v63  }
0x9f: {  	_ =	swait.ge [sflag:s10], $0x8000  }
0xa0: {  	[sflag:s10] =	ssyncset.done $0x0  }
0xa1: {  	[sflag:s10] =	ssyncadd.s32 $0xFFFF8000  }
0xa2: {  	[tilespmem:s9], [sflag:$0x1] =	stream.indirect.gather [hbm4b:s4+s7], $0x40, s25, s7, $0xb8;
	[tilespmem:$0x1F000] =	vst v63  }
0xa3: {  	_ =	swait.ge [sflag:s11], $0x8000  }
0xa4: {  	[sflag:s11] =	ssyncset.done $0x0  }
0xa5: {  	[sflag:s11] =	ssyncadd.s32 $0xFFFF8000  }
0xa6: {  	[tilespmem:s8], [sflag:$0x2] =	stream.indirect.gather [hbm4b:s4+s7], $0x40, s24, s7, $0xb8;
	[tilespmem:$0x1F000] =	vst v63  }
0xa7: {  	_ =	swait.ge [sflag:s13], $0x8000  }
0xa8: {  	[sflag:s13] =	ssyncset.done $0x0  }
0xa9: {  	[sflag:s13] =	ssyncadd.s32 $0xFFFF8000  }
0xaa: {  	[spmem:s2] =	stream.indirect.scatter.add.f32 [tilespmem:s9], [sflag:$0x3], $0x40, s23, s7, $0xb8;
	[tilespmem:$0x1F000] =	vst v63  }
0xab: {  	_ =	swait.ge [sflag:s12], $0x8000  }
0xac: {  	[sflag:s12] =	ssyncset.done $0x0  }
0xad: {  	[sflag:s12] =	ssyncadd.s32 $0xFFFF8000  }
0xae: {  	[spmem:s2] =	stream.indirect.scatter.add.f32 [tilespmem:s8], [sflag:$0x4], $0x40, s22, s7, $0xb8;
	[tilespmem:$0x1F000] =	vst v63  }
0xaf: {  	_ =	swait.ge [sflag:s10], $0x8000  }
0xb0: {  	[sflag:s10] =	ssyncset.done $0x0  }
0xb1: {  	[sflag:s10] =	ssyncadd.s32 $0xFFFF8000  }
0xb2: {  	[tilespmem:s9], [sflag:$0x1] =	stream.indirect.gather [hbm4b:s4+s7], $0x40, s21, s7, $0xb8;
	[tilespmem:$0x1F000] =	vst v63  }
0xb3: {  	_ =	swait.ge [sflag:s11], $0x8000  }
0xb4: {  	[sflag:s11] =	ssyncset.done $0x0  }
0xb5: {  	[sflag:s11] =	ssyncadd.s32 $0xFFFF8000  }
0xb6: {  	[tilespmem:s8], [sflag:$0x2] =	stream.indirect.gather [hbm4b:s4+s7], $0x40, s19, s7, $0xb8;
	[tilespmem:$0x1F000] =	vst v63  }
0xb7: {  	_ =	swait.ge [sflag:s13], $0x8000  }
0xb8: {  	[sflag:s13] =	ssyncset.done $0x0  }
0xb9: {  	[sflag:s13] =	ssyncadd.s32 $0xFFFF8000  }
0xba: {  	[spmem:s2] =	stream.indirect.scatter.add.f32 [tilespmem:s9], [sflag:$0x3], $0x40, s20, s7, $0xb8;
	[tilespmem:$0x1F000] =	vst v63  }
0xbb: {  	_ =	swait.ge [sflag:s12], $0x8000  }
0xbc: {  	[sflag:s12] =	ssyncset.done $0x0  }
0xbd: {  	[sflag:s12] =	ssyncadd.s32 $0xFFFF8000  }
0xbe: {  	[spmem:s2] =	stream.indirect.scatter.add.f32 [tilespmem:s8], [sflag:$0x4], $0x40, s18, s7, $0xb8;
	[tilespmem:$0x1F000] =	vst v63  }
0xbf: {  	_ =	swait.ge [sflag:s10], $0x8000  }
0xc0: {  	[sflag:s10] =	ssyncset.done $0x0  }
0xc1: {  	[sflag:s10] =	ssyncadd.s32 $0xFFFF8000  }
0xc2: {  	[tilespmem:s9], [sflag:$0x1] =	stream.indirect.gather [hbm4b:s4+s7], $0x40, s17, s7, $0xb8;
	[tilespmem:$0x1F000] =	vst v63  }
0xc3: {  	_ =	swait.ge [sflag:s11], $0x8000  }
0xc4: {  	[sflag:s11] =	ssyncset.done $0x0  }
0xc5: {  	[sflag:s11] =	ssyncadd.s32 $0xFFFF8000  }
0xc6: {  	[tilespmem:s8], [sflag:$0x2] =	stream.indirect.gather [hbm4b:s4+s7], $0x40, s16, s7, $0xb8;
	[tilespmem:$0x1F000] =	vst v63  }
0xc7: {  	_ =	swait.ge [sflag:s13], $0x8000  }
0xc8: {  	[sflag:s13] =	ssyncset.done $0x0  }
0xc9: {  	[sflag:s13] =	ssyncadd.s32 $0xFFFF8000  }
0xca: {  	[spmem:s2] =	stream.indirect.scatter.add.f32 [tilespmem:s9], [sflag:$0x3], $0x40, s15, s7, $0xb8;
	[tilespmem:$0x1F000] =	vst v63  }
0xcb: {  	_ =	swait.ge [sflag:s12], $0x8000  }
0xcc: {  	[sflag:s12] =	ssyncset.done $0x0  }
0xcd: {  	[sflag:s12] =	ssyncadd.s32 $0xFFFF8000  }
0xce: {  	[spmem:s2] =	stream.indirect.scatter.add.f32 [tilespmem:s8], [sflag:$0x4], $0x40, s14, s7, $0xb8;
	[tilespmem:$0x1F000] =	vst v63  }
0xcf: {  	_ =	swait.ge [sflag:s10], $0x8000  }
0xd0: {  	[sflag:s10] =	ssyncset.done $0x0  }
0xd1: {  	[sflag:s10] =	ssyncadd.s32 $0xFFFF8000  }
0xd2: {  	_ =	swait.ge [sflag:s11], $0x8000  }
0xd3: {  	[sflag:s11] =	ssyncset.done $0x0  }
0xd4: {  	p1 =	sne.s32 s0, $0x1;
	[sflag:s11] =	ssyncadd.s32 $0xFFFF8000  }
.Ltmp1:
0xd5: {  	[bflag:$0x0] =	sbarrier.arrive $0xFFFF;
	(pc) =	sbr.rel @!p1 .LBB2_3-.Ltmp1, $4  }
0xd6: {  	s1 =	rddreg [dreg:$0x4]  }
0xd7: {  	[hbm:s1], [sflag:s5] =	dma.local [spmem:s6], $0x1400  }
0xd8: {  	s0 =	sadd.s32 $0xFFFFFFFF, s0;
	_ =	swait.ge [sflag:s3], $0x1400  }
0xd9: {  	p0 =	por $0x1, $0x1;
	s1 =	rddreg [dreg:$0x6];
	[sflag:s3] =	ssyncset.done $0x0  }
.LBB2_2:
0xda: {  	[sflag:s3] =	ssyncadd.s32 $0xFFFFEC00  }
0xdb: {  	[tilespmem:s30], [sflag:$0x5] =	stream.linear.gather [hbm4b:s1+s30], $0x2800, $0x38;
	[tilespmem:$0x1F000] =	vst v63  }
0xdc: {  	_ =	swait.ge [sflag:s3], $0x2800  }
0xdd: {  	[sflag:s3] =	ssyncset.done $0x0  }
0xde: {  	s1 =	rddreg [dreg:$0x5];
	[sflag:s3] =	ssyncadd.s32 $0xFFFFD800  }
0xdf: {  	[tilespmem:s31], [sflag:$0x5] =	stream.linear.gather [hbm4b:s1+s30], $0x2800, $0x38;
	[tilespmem:$0x1F000] =	vst v63  }
0xe0: {  	_ =	swait.ge [sflag:s3], $0x2800  }
0xe1: {  	[sflag:s3] =	ssyncset.done $0x0  }
0xe2: {  	s1 =	rddreg [dreg:$0x3];
	[sflag:s3] =	ssyncadd.s32 $0xFFFFD800  }
0xe3: {  	[spmem:s6], [sflag:s5] =	dma.local [hbm:s1], $0x1400  }
0xe4: {  	_ =	swait.ge [sflag:s3], $0x1400  }
0xe5: {  	[sflag:s3] =	ssyncset.done $0x0  }
0xe6: {  	[sflag:s3] =	ssyncadd.s32 $0xFFFFEC00  }
0xe7: {  	[bflag:$0x0] =	sbarrier.arrive $0xFFFF  }
0xe8: {  	[tilespmem:s9], [sflag:$0x1] =	stream.indirect.gather [hbm4b:s4+s7], $0x40, s30, s7, $0xb8;
	[tilespmem:$0x1F000] =	vst v63  }
0xe9: {  	_ = 	snop  }
0xea: {  	[tilespmem:s8], [sflag:$0x2] =	stream.indirect.gather [hbm4b:s4+s7], $0x40, s7, s7, $0xb8;
	[tilespmem:$0x1F000] =	vst v63  }
0xeb: {  	_ =	swait.ge [sflag:s13], $0x8000  }
0xec: {  	[sflag:s13] =	ssyncset.done $0x0  }
0xed: {  	[sflag:s13] =	ssyncadd.s32 $0xFFFF8000  }
0xee: {  	[spmem:s2] =	stream.indirect.scatter.add.f32 [tilespmem:s9], [sflag:$0x3], $0x40, s31, s7, $0xb8;
	[tilespmem:$0x1F000] =	vst v63  }
0xef: {  	_ =	swait.ge [sflag:s12], $0x8000  }
0xf0: {  	[sflag:s12] =	ssyncset.done $0x0  }
0xf1: {  	s1 =	rddreg [dreg:$0x7];
	[sflag:s12] =	ssyncadd.s32 $0xFFFF8000  }
0xf2: {  	[spmem:s2] =	stream.indirect.scatter.add.f32 [tilespmem:s8], [sflag:$0x4], $0x40, s1, s7, $0xb8;
	[tilespmem:$0x1F000] =	vst v63  }
0xf3: {  	_ =	swait.ge [sflag:s10], $0x8000  }
0xf4: {  	[sflag:s10] =	ssyncset.done $0x0  }
0xf5: {  	s1 =	rddreg [dreg:$0x8];
	[sflag:s10] =	ssyncadd.s32 $0xFFFF8000  }
0xf6: {  	[tilespmem:s9], [sflag:$0x1] =	stream.indirect.gather [hbm4b:s4+s7], $0x40, s1, s7, $0xb8;
	[tilespmem:$0x1F000] =	vst v63  }
0xf7: {  	_ =	swait.ge [sflag:s11], $0x8000  }
0xf8: {  	[sflag:s11] =	ssyncset.done $0x0  }
0xf9: {  	s1 =	rddreg [dreg:$0x9];
	[sflag:s11] =	ssyncadd.s32 $0xFFFF8000  }
0xfa: {  	[tilespmem:s8], [sflag:$0x2] =	stream.indirect.gather [hbm4b:s4+s7], $0x40, s1, s7, $0xb8;
	[tilespmem:$0x1F000] =	vst v63  }
0xfb: {  	_ =	swait.ge [sflag:s13], $0x8000  }
0xfc: {  	[sflag:s13] =	ssyncset.done $0x0  }
0xfd: {  	s1 =	rddreg [dreg:$0xa];
	[sflag:s13] =	ssyncadd.s32 $0xFFFF8000  }
0xfe: {  	[spmem:s2] =	stream.indirect.scatter.add.f32 [tilespmem:s9], [sflag:$0x3], $0x40, s1, s7, $0xb8;
	[tilespmem:$0x1F000] =	vst v63  }
0xff: {  	_ =	swait.ge [sflag:s12], $0x8000  }
0x100: {  	[sflag:s12] =	ssyncset.done $0x0  }
0x101: {  	s1 =	rddreg [dreg:$0xb];
	[sflag:s12] =	ssyncadd.s32 $0xFFFF8000  }
0x102: {  	[spmem:s2] =	stream.indirect.scatter.add.f32 [tilespmem:s8], [sflag:$0x4], $0x40, s1, s7, $0xb8;
	[tilespmem:$0x1F000] =	vst v63  }
0x103: {  	_ =	swait.ge [sflag:s10], $0x8000  }
0x104: {  	[sflag:s10] =	ssyncset.done $0x0  }
0x105: {  	s1 =	rddreg [dreg:$0xc];
	[sflag:s10] =	ssyncadd.s32 $0xFFFF8000  }
0x106: {  	[tilespmem:s9], [sflag:$0x1] =	stream.indirect.gather [hbm4b:s4+s7], $0x40, s1, s7, $0xb8;
	[tilespmem:$0x1F000] =	vst v63  }
0x107: {  	_ =	swait.ge [sflag:s11], $0x8000  }
0x108: {  	[sflag:s11] =	ssyncset.done $0x0  }
0x109: {  	s1 =	rddreg [dreg:$0xd];
	[sflag:s11] =	ssyncadd.s32 $0xFFFF8000  }
0x10a: {  	[tilespmem:s8], [sflag:$0x2] =	stream.indirect.gather [hbm4b:s4+s7], $0x40, s1, s7, $0xb8;
	[tilespmem:$0x1F000] =	vst v63  }
0x10b: {  	_ =	swait.ge [sflag:s13], $0x8000  }
0x10c: {  	[sflag:s13] =	ssyncset.done $0x0  }
0x10d: {  	s1 =	rddreg [dreg:$0xe];
	[sflag:s13] =	ssyncadd.s32 $0xFFFF8000  }
0x10e: {  	[spmem:s2] =	stream.indirect.scatter.add.f32 [tilespmem:s9], [sflag:$0x3], $0x40, s1, s7, $0xb8;
	[tilespmem:$0x1F000] =	vst v63  }
0x10f: {  	_ =	swait.ge [sflag:s12], $0x8000  }
0x110: {  	[sflag:s12] =	ssyncset.done $0x0  }
0x111: {  	s1 =	rddreg [dreg:$0xf];
	[sflag:s12] =	ssyncadd.s32 $0xFFFF8000  }
0x112: {  	[spmem:s2] =	stream.indirect.scatter.add.f32 [tilespmem:s8], [sflag:$0x4], $0x40, s1, s7, $0xb8;
	[tilespmem:$0x1F000] =	vst v63  }
0x113: {  	_ =	swait.ge [sflag:s10], $0x8000  }
0x114: {  	[sflag:s10] =	ssyncset.done $0x0  }
0x115: {  	s1 =	rddreg [dreg:$0x10];
	[sflag:s10] =	ssyncadd.s32 $0xFFFF8000  }
0x116: {  	[tilespmem:s9], [sflag:$0x1] =	stream.indirect.gather [hbm4b:s4+s7], $0x40, s1, s7, $0xb8;
	[tilespmem:$0x1F000] =	vst v63  }
0x117: {  	_ =	swait.ge [sflag:s11], $0x8000  }
0x118: {  	[sflag:s11] =	ssyncset.done $0x0  }
0x119: {  	s1 =	rddreg [dreg:$0x11];
	[sflag:s11] =	ssyncadd.s32 $0xFFFF8000  }
0x11a: {  	[tilespmem:s8], [sflag:$0x2] =	stream.indirect.gather [hbm4b:s4+s7], $0x40, s1, s7, $0xb8;
	[tilespmem:$0x1F000] =	vst v63  }
0x11b: {  	_ =	swait.ge [sflag:s13], $0x8000  }
0x11c: {  	[sflag:s13] =	ssyncset.done $0x0  }
0x11d: {  	s1 =	rddreg [dreg:$0x12];
	[sflag:s13] =	ssyncadd.s32 $0xFFFF8000  }
0x11e: {  	[spmem:s2] =	stream.indirect.scatter.add.f32 [tilespmem:s9], [sflag:$0x3], $0x40, s1, s7, $0xb8;
	[tilespmem:$0x1F000] =	vst v63  }
0x11f: {  	_ =	swait.ge [sflag:s12], $0x8000  }
0x120: {  	[sflag:s12] =	ssyncset.done $0x0  }
0x121: {  	s1 =	rddreg [dreg:$0x13];
	[sflag:s12] =	ssyncadd.s32 $0xFFFF8000  }
0x122: {  	[spmem:s2] =	stream.indirect.scatter.add.f32 [tilespmem:s8], [sflag:$0x4], $0x40, s1, s7, $0xb8;
	[tilespmem:$0x1F000] =	vst v63  }
0x123: {  	_ =	swait.ge [sflag:s10], $0x8000  }
0x124: {  	[sflag:s10] =	ssyncset.done $0x0  }
0x125: {  	s1 =	rddreg [dreg:$0x14];
	[sflag:s10] =	ssyncadd.s32 $0xFFFF8000  }
0x126: {  	[tilespmem:s9], [sflag:$0x1] =	stream.indirect.gather [hbm4b:s4+s7], $0x40, s1, s7, $0xb8;
	[tilespmem:$0x1F000] =	vst v63  }
0x127: {  	_ =	swait.ge [sflag:s11], $0x8000  }
0x128: {  	[sflag:s11] =	ssyncset.done $0x0  }
0x129: {  	s1 =	rddreg [dreg:$0x15];
	[sflag:s11] =	ssyncadd.s32 $0xFFFF8000  }
0x12a: {  	[tilespmem:s8], [sflag:$0x2] =	stream.indirect.gather [hbm4b:s4+s7], $0x40, s1, s7, $0xb8;
	[tilespmem:$0x1F000] =	vst v63  }
0x12b: {  	_ =	swait.ge [sflag:s13], $0x8000  }
0x12c: {  	[sflag:s13] =	ssyncset.done $0x0  }
0x12d: {  	s1 =	rddreg [dreg:$0x16];
	[sflag:s13] =	ssyncadd.s32 $0xFFFF8000  }
0x12e: {  	[spmem:s2] =	stream.indirect.scatter.add.f32 [tilespmem:s9], [sflag:$0x3], $0x40, s1, s7, $0xb8;
	[tilespmem:$0x1F000] =	vst v63  }
0x12f: {  	_ =	swait.ge [sflag:s12], $0x8000  }
0x130: {  	[sflag:s12] =	ssyncset.done $0x0  }
0x131: {  	s1 =	rddreg [dreg:$0x17];
	[sflag:s12] =	ssyncadd.s32 $0xFFFF8000  }
0x132: {  	[spmem:s2] =	stream.indirect.scatter.add.f32 [tilespmem:s8], [sflag:$0x4], $0x40, s1, s7, $0xb8;
	[tilespmem:$0x1F000] =	vst v63  }
0x133: {  	_ =	swait.ge [sflag:s10], $0x8000  }
0x134: {  	[sflag:s10] =	ssyncset.done $0x0  }
0x135: {  	s1 =	rddreg [dreg:$0x18];
	[sflag:s10] =	ssyncadd.s32 $0xFFFF8000  }
0x136: {  	[tilespmem:s9], [sflag:$0x1] =	stream.indirect.gather [hbm4b:s4+s7], $0x40, s1, s7, $0xb8;
	[tilespmem:$0x1F000] =	vst v63  }
0x137: {  	_ =	swait.ge [sflag:s11], $0x8000  }
0x138: {  	[sflag:s11] =	ssyncset.done $0x0  }
0x139: {  	s1 =	rddreg [dreg:$0x19];
	[sflag:s11] =	ssyncadd.s32 $0xFFFF8000  }
0x13a: {  	[tilespmem:s8], [sflag:$0x2] =	stream.indirect.gather [hbm4b:s4+s7], $0x40, s1, s7, $0xb8;
	[tilespmem:$0x1F000] =	vst v63  }
0x13b: {  	_ =	swait.ge [sflag:s13], $0x8000  }
0x13c: {  	[sflag:s13] =	ssyncset.done $0x0  }
0x13d: {  	s1 =	rddreg [dreg:$0x1a];
	[sflag:s13] =	ssyncadd.s32 $0xFFFF8000  }
0x13e: {  	[spmem:s2] =	stream.indirect.scatter.add.f32 [tilespmem:s9], [sflag:$0x3], $0x40, s1, s7, $0xb8;
	[tilespmem:$0x1F000] =	vst v63  }
0x13f: {  	_ =	swait.ge [sflag:s12], $0x8000  }
0x140: {  	[sflag:s12] =	ssyncset.done $0x0  }
0x141: {  	s1 =	rddreg [dreg:$0x1b];
	[sflag:s12] =	ssyncadd.s32 $0xFFFF8000  }
0x142: {  	[spmem:s2] =	stream.indirect.scatter.add.f32 [tilespmem:s8], [sflag:$0x4], $0x40, s1, s7, $0xb8;
	[tilespmem:$0x1F000] =	vst v63  }
0x143: {  	_ =	swait.ge [sflag:s10], $0x8000  }
0x144: {  	[sflag:s10] =	ssyncset.done $0x0  }
0x145: {  	s1 =	rddreg [dreg:$0x1c];
	[sflag:s10] =	ssyncadd.s32 $0xFFFF8000  }
0x146: {  	[tilespmem:s9], [sflag:$0x1] =	stream.indirect.gather [hbm4b:s4+s7], $0x40, s1, s7, $0xb8;
	[tilespmem:$0x1F000] =	vst v63  }
0x147: {  	_ =	swait.ge [sflag:s11], $0x8000  }
0x148: {  	[sflag:s11] =	ssyncset.done $0x0  }
0x149: {  	[sflag:s11] =	ssyncadd.s32 $0xFFFF8000  }
0x14a: {  	[tilespmem:s8], [sflag:$0x2] =	stream.indirect.gather [hbm4b:s4+s7], $0x40, s29, s7, $0xb8;
	[tilespmem:$0x1F000] =	vst v63  }
0x14b: {  	_ =	swait.ge [sflag:s13], $0x8000  }
0x14c: {  	[sflag:s13] =	ssyncset.done $0x0  }
0x14d: {  	[sflag:s13] =	ssyncadd.s32 $0xFFFF8000  }
0x14e: {  	[spmem:s2] =	stream.indirect.scatter.add.f32 [tilespmem:s9], [sflag:$0x3], $0x40, s28, s7, $0xb8;
	[tilespmem:$0x1F000] =	vst v63  }
0x14f: {  	_ =	swait.ge [sflag:s12], $0x8000  }
0x150: {  	[sflag:s12] =	ssyncset.done $0x0  }
0x151: {  	[sflag:s12] =	ssyncadd.s32 $0xFFFF8000  }
0x152: {  	[spmem:s2] =	stream.indirect.scatter.add.f32 [tilespmem:s8], [sflag:$0x4], $0x40, s26, s7, $0xb8;
	[tilespmem:$0x1F000] =	vst v63  }
0x153: {  	_ =	swait.ge [sflag:s10], $0x8000  }
0x154: {  	[sflag:s10] =	ssyncset.done $0x0  }
0x155: {  	[sflag:s10] =	ssyncadd.s32 $0xFFFF8000  }
0x156: {  	[tilespmem:s9], [sflag:$0x1] =	stream.indirect.gather [hbm4b:s4+s7], $0x40, s25, s7, $0xb8;
	[tilespmem:$0x1F000] =	vst v63  }
0x157: {  	_ =	swait.ge [sflag:s11], $0x8000  }
0x158: {  	[sflag:s11] =	ssyncset.done $0x0  }
0x159: {  	[sflag:s11] =	ssyncadd.s32 $0xFFFF8000  }
0x15a: {  	[tilespmem:s8], [sflag:$0x2] =	stream.indirect.gather [hbm4b:s4+s7], $0x40, s24, s7, $0xb8;
	[tilespmem:$0x1F000] =	vst v63  }
0x15b: {  	_ =	swait.ge [sflag:s13], $0x8000  }
0x15c: {  	[sflag:s13] =	ssyncset.done $0x0  }
0x15d: {  	[sflag:s13] =	ssyncadd.s32 $0xFFFF8000  }
0x15e: {  	[spmem:s2] =	stream.indirect.scatter.add.f32 [tilespmem:s9], [sflag:$0x3], $0x40, s23, s7, $0xb8;
	[tilespmem:$0x1F000] =	vst v63  }
0x15f: {  	_ =	swait.ge [sflag:s12], $0x8000  }
0x160: {  	[sflag:s12] =	ssyncset.done $0x0  }
0x161: {  	[sflag:s12] =	ssyncadd.s32 $0xFFFF8000  }
0x162: {  	[spmem:s2] =	stream.indirect.scatter.add.f32 [tilespmem:s8], [sflag:$0x4], $0x40, s22, s7, $0xb8;
	[tilespmem:$0x1F000] =	vst v63  }
0x163: {  	_ =	swait.ge [sflag:s10], $0x8000  }
0x164: {  	[sflag:s10] =	ssyncset.done $0x0  }
0x165: {  	[sflag:s10] =	ssyncadd.s32 $0xFFFF8000  }
0x166: {  	[tilespmem:s9], [sflag:$0x1] =	stream.indirect.gather [hbm4b:s4+s7], $0x40, s21, s7, $0xb8;
	[tilespmem:$0x1F000] =	vst v63  }
0x167: {  	_ =	swait.ge [sflag:s11], $0x8000  }
0x168: {  	[sflag:s11] =	ssyncset.done $0x0  }
0x169: {  	[sflag:s11] =	ssyncadd.s32 $0xFFFF8000  }
0x16a: {  	[tilespmem:s8], [sflag:$0x2] =	stream.indirect.gather [hbm4b:s4+s7], $0x40, s19, s7, $0xb8;
	[tilespmem:$0x1F000] =	vst v63  }
0x16b: {  	_ =	swait.ge [sflag:s13], $0x8000  }
0x16c: {  	[sflag:s13] =	ssyncset.done $0x0  }
0x16d: {  	[sflag:s13] =	ssyncadd.s32 $0xFFFF8000  }
0x16e: {  	[spmem:s2] =	stream.indirect.scatter.add.f32 [tilespmem:s9], [sflag:$0x3], $0x40, s20, s7, $0xb8;
	[tilespmem:$0x1F000] =	vst v63  }
0x16f: {  	_ =	swait.ge [sflag:s12], $0x8000  }
0x170: {  	[sflag:s12] =	ssyncset.done $0x0  }
0x171: {  	[sflag:s12] =	ssyncadd.s32 $0xFFFF8000  }
0x172: {  	[spmem:s2] =	stream.indirect.scatter.add.f32 [tilespmem:s8], [sflag:$0x4], $0x40, s18, s7, $0xb8;
	[tilespmem:$0x1F000] =	vst v63  }
0x173: {  	_ =	swait.ge [sflag:s10], $0x8000  }
0x174: {  	[sflag:s10] =	ssyncset.done $0x0  }
0x175: {  	[sflag:s10] =	ssyncadd.s32 $0xFFFF8000  }
0x176: {  	[tilespmem:s9], [sflag:$0x1] =	stream.indirect.gather [hbm4b:s4+s7], $0x40, s17, s7, $0xb8;
	[tilespmem:$0x1F000] =	vst v63  }
0x177: {  	_ =	swait.ge [sflag:s11], $0x8000  }
0x178: {  	[sflag:s11] =	ssyncset.done $0x0  }
0x179: {  	[sflag:s11] =	ssyncadd.s32 $0xFFFF8000  }
0x17a: {  	[tilespmem:s8], [sflag:$0x2] =	stream.indirect.gather [hbm4b:s4+s7], $0x40, s16, s7, $0xb8;
	[tilespmem:$0x1F000] =	vst v63  }
0x17b: {  	_ =	swait.ge [sflag:s13], $0x8000  }
0x17c: {  	[sflag:s13] =	ssyncset.done $0x0  }
0x17d: {  	[sflag:s13] =	ssyncadd.s32 $0xFFFF8000  }
0x17e: {  	[spmem:s2] =	stream.indirect.scatter.add.f32 [tilespmem:s9], [sflag:$0x3], $0x40, s15, s7, $0xb8;
	[tilespmem:$0x1F000] =	vst v63  }
0x17f: {  	_ =	swait.ge [sflag:s12], $0x8000  }
0x180: {  	[sflag:s12] =	ssyncset.done $0x0  }
0x181: {  	[sflag:s12] =	ssyncadd.s32 $0xFFFF8000  }
0x182: {  	[spmem:s2] =	stream.indirect.scatter.add.f32 [tilespmem:s8], [sflag:$0x4], $0x40, s14, s7, $0xb8;
	[tilespmem:$0x1F000] =	vst v63  }
0x183: {  	_ =	swait.ge [sflag:s10], $0x8000  }
0x184: {  	[sflag:s10] =	ssyncset.done $0x0  }
0x185: {  	[sflag:s10] =	ssyncadd.s32 $0xFFFF8000  }
0x186: {  	_ =	swait.ge [sflag:s11], $0x8000  }
0x187: {  	[sflag:s11] =	ssyncset.done $0x0  }
0x188: {  	p1 =	sne.s32 s0, $0x1;
	[sflag:s11] =	ssyncadd.s32 $0xFFFF8000  }
.Ltmp2:
0x189: {  	[bflag:$0x0] =	sbarrier.arrive $0xFFFF;
	(pc) =	sbr.rel @p1 .LBB2_2-.Ltmp2, $4  }
0x18a: {  	s1 =	rddreg [dreg:$0x4]  }
0x18b: {  	[hbm:s1], [sflag:s5] =	dma.local [spmem:s6], $0x1400  }
0x18c: {  	_ =	swait.ge [sflag:s3], $0x1400  }
0x18d: {  	s0 =	sadd.s32 $0xFFFFFFFF, s0;
	s1 =	rddreg [dreg:$0x6];
	[sflag:s3] =	ssyncset.done $0x0  }
.LBB2_3:
0x18e: {  	[sflag:s3] =	ssyncadd.s32 @p0 $0xFFFFEC00  }
0x18f: {  	[tilespmem:s30], [sflag:$0x5] =	stream.linear.gather [hbm4b:s1+s30], $0x2800, $0x38;
	[tilespmem:$0x1F000] =	vst v63  }
0x190: {  	_ =	swait.ge [sflag:s3], $0x2800  }
0x191: {  	[sflag:s3] =	ssyncset.done $0x0  }
0x192: {  	s0 =	rddreg [dreg:$0x5];
	[sflag:s3] =	ssyncadd.s32 $0xFFFFD800  }
0x193: {  	[tilespmem:s31], [sflag:$0x5] =	stream.linear.gather [hbm4b:s0+s30], $0x2800, $0x38;
	[tilespmem:$0x1F000] =	vst v63  }
0x194: {  	_ =	swait.ge [sflag:s3], $0x2800  }
0x195: {  	[sflag:s3] =	ssyncset.done $0x0  }
0x196: {  	s1 =	rddreg [dreg:$0x3];
	[sflag:s3] =	ssyncadd.s32 $0xFFFFD800  }
0x197: {  	[spmem:s6], [sflag:s5] =	dma.local [hbm:s1], $0x1400  }
0x198: {  	_ =	swait.ge [sflag:s3], $0x1400  }
0x199: {  	[sflag:s3] =	ssyncset.done $0x0  }
0x19a: {  	[sflag:s3] =	ssyncadd.s32 $0xFFFFEC00  }
0x19b: {  	[bflag:$0x0] =	sbarrier.arrive $0xFFFF  }
0x19c: {  	[tilespmem:s9], [sflag:$0x1] =	stream.indirect.gather [hbm4b:s4+s7], $0x40, s30, s7, $0xb8;
	[tilespmem:$0x1F000] =	vst v63  }
0x19d: {  	_ = 	snop  }
0x19e: {  	[tilespmem:s8], [sflag:$0x2] =	stream.indirect.gather [hbm4b:s4+s7], $0x40, s7, s7, $0xb8;
	[tilespmem:$0x1F000] =	vst v63  }
0x19f: {  	_ =	swait.ge [sflag:s13], $0x8000  }
0x1a0: {  	[sflag:s13] =	ssyncset.done $0x0  }
0x1a1: {  	[sflag:s13] =	ssyncadd.s32 $0xFFFF8000  }
0x1a2: {  	[spmem:s2] =	stream.indirect.scatter.add.f32 [tilespmem:s9], [sflag:$0x3], $0x40, s31, s7, $0xb8;
	[tilespmem:$0x1F000] =	vst v63  }
0x1a3: {  	_ =	swait.ge [sflag:s12], $0x8000  }
0x1a4: {  	[sflag:s12] =	ssyncset.done $0x0  }
0x1a5: {  	s1 =	rddreg [dreg:$0x7];
	[sflag:s12] =	ssyncadd.s32 $0xFFFF8000  }
0x1a6: {  	[spmem:s2] =	stream.indirect.scatter.add.f32 [tilespmem:s8], [sflag:$0x4], $0x40, s1, s7, $0xb8;
	[tilespmem:$0x1F000] =	vst v63  }
0x1a7: {  	_ =	swait.ge [sflag:s10], $0x8000  }
0x1a8: {  	[sflag:s10] =	ssyncset.done $0x0  }
0x1a9: {  	s30 =	rddreg [dreg:$0x8];
	[sflag:s10] =	ssyncadd.s32 $0xFFFF8000  }
0x1aa: {  	[tilespmem:s9], [sflag:$0x1] =	stream.indirect.gather [hbm4b:s4+s7], $0x40, s30, s7, $0xb8;
	[tilespmem:$0x1F000] =	vst v63  }
0x1ab: {  	_ =	swait.ge [sflag:s11], $0x8000  }
0x1ac: {  	[sflag:s11] =	ssyncset.done $0x0  }
0x1ad: {  	s31 =	rddreg [dreg:$0x9];
	[sflag:s11] =	ssyncadd.s32 $0xFFFF8000  }
0x1ae: {  	[tilespmem:s8], [sflag:$0x2] =	stream.indirect.gather [hbm4b:s4+s7], $0x40, s31, s7, $0xb8;
	[tilespmem:$0x1F000] =	vst v63  }
0x1af: {  	_ =	swait.ge [sflag:s13], $0x8000  }
0x1b0: {  	[sflag:s13] =	ssyncset.done $0x0  }
0x1b1: {  	s1 =	rddreg [dreg:$0xa];
	[sflag:s13] =	ssyncadd.s32 $0xFFFF8000  }
0x1b2: {  	[spmem:s2] =	stream.indirect.scatter.add.f32 [tilespmem:s9], [sflag:$0x3], $0x40, s1, s7, $0xb8;
	[tilespmem:$0x1F000] =	vst v63  }
0x1b3: {  	_ =	swait.ge [sflag:s12], $0x8000  }
0x1b4: {  	[sflag:s12] =	ssyncset.done $0x0  }
0x1b5: {  	s30 =	rddreg [dreg:$0xb];
	[sflag:s12] =	ssyncadd.s32 $0xFFFF8000  }
0x1b6: {  	[spmem:s2] =	stream.indirect.scatter.add.f32 [tilespmem:s8], [sflag:$0x4], $0x40, s30, s7, $0xb8;
	[tilespmem:$0x1F000] =	vst v63  }
0x1b7: {  	_ =	swait.ge [sflag:s10], $0x8000  }
0x1b8: {  	[sflag:s10] =	ssyncset.done $0x0  }
0x1b9: {  	s31 =	rddreg [dreg:$0xc];
	[sflag:s10] =	ssyncadd.s32 $0xFFFF8000  }
0x1ba: {  	[tilespmem:s9], [sflag:$0x1] =	stream.indirect.gather [hbm4b:s4+s7], $0x40, s31, s7, $0xb8;
	[tilespmem:$0x1F000] =	vst v63  }
0x1bb: {  	_ =	swait.ge [sflag:s11], $0x8000  }
0x1bc: {  	[sflag:s11] =	ssyncset.done $0x0  }
0x1bd: {  	s1 =	rddreg [dreg:$0xd];
	[sflag:s11] =	ssyncadd.s32 $0xFFFF8000  }
0x1be: {  	[tilespmem:s8], [sflag:$0x2] =	stream.indirect.gather [hbm4b:s4+s7], $0x40, s1, s7, $0xb8;
	[tilespmem:$0x1F000] =	vst v63  }
0x1bf: {  	_ =	swait.ge [sflag:s13], $0x8000  }
0x1c0: {  	[sflag:s13] =	ssyncset.done $0x0  }
0x1c1: {  	s30 =	rddreg [dreg:$0xe];
	[sflag:s13] =	ssyncadd.s32 $0xFFFF8000  }
0x1c2: {  	[spmem:s2] =	stream.indirect.scatter.add.f32 [tilespmem:s9], [sflag:$0x3], $0x40, s30, s7, $0xb8;
	[tilespmem:$0x1F000] =	vst v63  }
0x1c3: {  	_ =	swait.ge [sflag:s12], $0x8000  }
0x1c4: {  	[sflag:s12] =	ssyncset.done $0x0  }
0x1c5: {  	s31 =	rddreg [dreg:$0xf];
	[sflag:s12] =	ssyncadd.s32 $0xFFFF8000  }
0x1c6: {  	[spmem:s2] =	stream.indirect.scatter.add.f32 [tilespmem:s8], [sflag:$0x4], $0x40, s31, s7, $0xb8;
	[tilespmem:$0x1F000] =	vst v63  }
0x1c7: {  	_ =	swait.ge [sflag:s10], $0x8000  }
0x1c8: {  	[sflag:s10] =	ssyncset.done $0x0  }
0x1c9: {  	s1 =	rddreg [dreg:$0x10];
	[sflag:s10] =	ssyncadd.s32 $0xFFFF8000  }
0x1ca: {  	[tilespmem:s9], [sflag:$0x1] =	stream.indirect.gather [hbm4b:s4+s7], $0x40, s1, s7, $0xb8;
	[tilespmem:$0x1F000] =	vst v63  }
0x1cb: {  	_ =	swait.ge [sflag:s11], $0x8000  }
0x1cc: {  	[sflag:s11] =	ssyncset.done $0x0  }
0x1cd: {  	s30 =	rddreg [dreg:$0x11];
	[sflag:s11] =	ssyncadd.s32 $0xFFFF8000  }
0x1ce: {  	[tilespmem:s8], [sflag:$0x2] =	stream.indirect.gather [hbm4b:s4+s7], $0x40, s30, s7, $0xb8;
	[tilespmem:$0x1F000] =	vst v63  }
0x1cf: {  	_ =	swait.ge [sflag:s13], $0x8000  }
0x1d0: {  	[sflag:s13] =	ssyncset.done $0x0  }
0x1d1: {  	s31 =	rddreg [dreg:$0x12];
	[sflag:s13] =	ssyncadd.s32 $0xFFFF8000  }
0x1d2: {  	[spmem:s2] =	stream.indirect.scatter.add.f32 [tilespmem:s9], [sflag:$0x3], $0x40, s31, s7, $0xb8;
	[tilespmem:$0x1F000] =	vst v63  }
0x1d3: {  	_ =	swait.ge [sflag:s12], $0x8000  }
0x1d4: {  	[sflag:s12] =	ssyncset.done $0x0  }
0x1d5: {  	s1 =	rddreg [dreg:$0x13];
	[sflag:s12] =	ssyncadd.s32 $0xFFFF8000  }
0x1d6: {  	[spmem:s2] =	stream.indirect.scatter.add.f32 [tilespmem:s8], [sflag:$0x4], $0x40, s1, s7, $0xb8;
	[tilespmem:$0x1F000] =	vst v63  }
0x1d7: {  	_ =	swait.ge [sflag:s10], $0x8000  }
0x1d8: {  	[sflag:s10] =	ssyncset.done $0x0  }
0x1d9: {  	s30 =	rddreg [dreg:$0x14];
	[sflag:s10] =	ssyncadd.s32 $0xFFFF8000  }
0x1da: {  	[tilespmem:s9], [sflag:$0x1] =	stream.indirect.gather [hbm4b:s4+s7], $0x40, s30, s7, $0xb8;
	[tilespmem:$0x1F000] =	vst v63  }
0x1db: {  	_ =	swait.ge [sflag:s11], $0x8000  }
0x1dc: {  	[sflag:s11] =	ssyncset.done $0x0  }
0x1dd: {  	s31 =	rddreg [dreg:$0x15];
	[sflag:s11] =	ssyncadd.s32 $0xFFFF8000  }
0x1de: {  	[tilespmem:s8], [sflag:$0x2] =	stream.indirect.gather [hbm4b:s4+s7], $0x40, s31, s7, $0xb8;
	[tilespmem:$0x1F000] =	vst v63  }
0x1df: {  	_ =	swait.ge [sflag:s13], $0x8000  }
0x1e0: {  	[sflag:s13] =	ssyncset.done $0x0  }
0x1e1: {  	s1 =	rddreg [dreg:$0x16];
	[sflag:s13] =	ssyncadd.s32 $0xFFFF8000  }
0x1e2: {  	[spmem:s2] =	stream.indirect.scatter.add.f32 [tilespmem:s9], [sflag:$0x3], $0x40, s1, s7, $0xb8;
	[tilespmem:$0x1F000] =	vst v63  }
0x1e3: {  	_ =	swait.ge [sflag:s12], $0x8000  }
0x1e4: {  	[sflag:s12] =	ssyncset.done $0x0  }
0x1e5: {  	s30 =	rddreg [dreg:$0x17];
	[sflag:s12] =	ssyncadd.s32 $0xFFFF8000  }
0x1e6: {  	[spmem:s2] =	stream.indirect.scatter.add.f32 [tilespmem:s8], [sflag:$0x4], $0x40, s30, s7, $0xb8;
	[tilespmem:$0x1F000] =	vst v63  }
0x1e7: {  	_ =	swait.ge [sflag:s10], $0x8000  }
0x1e8: {  	[sflag:s10] =	ssyncset.done $0x0  }
0x1e9: {  	s31 =	rddreg [dreg:$0x18];
	[sflag:s10] =	ssyncadd.s32 $0xFFFF8000  }
0x1ea: {  	[tilespmem:s9], [sflag:$0x1] =	stream.indirect.gather [hbm4b:s4+s7], $0x40, s31, s7, $0xb8;
	[tilespmem:$0x1F000] =	vst v63  }
0x1eb: {  	_ =	swait.ge [sflag:s11], $0x8000  }
0x1ec: {  	[sflag:s11] =	ssyncset.done $0x0  }
0x1ed: {  	s1 =	rddreg [dreg:$0x19];
	[sflag:s11] =	ssyncadd.s32 $0xFFFF8000  }
0x1ee: {  	[tilespmem:s8], [sflag:$0x2] =	stream.indirect.gather [hbm4b:s4+s7], $0x40, s1, s7, $0xb8;
	[tilespmem:$0x1F000] =	vst v63  }
0x1ef: {  	_ =	swait.ge [sflag:s13], $0x8000  }
0x1f0: {  	[sflag:s13] =	ssyncset.done $0x0  }
0x1f1: {  	s30 =	rddreg [dreg:$0x1a];
	[sflag:s13] =	ssyncadd.s32 $0xFFFF8000  }
0x1f2: {  	[spmem:s2] =	stream.indirect.scatter.add.f32 [tilespmem:s9], [sflag:$0x3], $0x40, s30, s7, $0xb8;
	[tilespmem:$0x1F000] =	vst v63  }
0x1f3: {  	_ =	swait.ge [sflag:s12], $0x8000  }
0x1f4: {  	[sflag:s12] =	ssyncset.done $0x0  }
0x1f5: {  	s31 =	rddreg [dreg:$0x1b];
	[sflag:s12] =	ssyncadd.s32 $0xFFFF8000  }
0x1f6: {  	[spmem:s2] =	stream.indirect.scatter.add.f32 [tilespmem:s8], [sflag:$0x4], $0x40, s31, s7, $0xb8;
	[tilespmem:$0x1F000] =	vst v63  }
0x1f7: {  	_ =	swait.ge [sflag:s10], $0x8000  }
0x1f8: {  	[sflag:s10] =	ssyncset.done $0x0  }
0x1f9: {  	s1 =	rddreg [dreg:$0x1c];
	[sflag:s10] =	ssyncadd.s32 $0xFFFF8000  }
0x1fa: {  	[tilespmem:s9], [sflag:$0x1] =	stream.indirect.gather [hbm4b:s4+s7], $0x40, s1, s7, $0xb8;
	[tilespmem:$0x1F000] =	vst v63  }
0x1fb: {  	_ =	swait.ge [sflag:s11], $0x8000  }
0x1fc: {  	[sflag:s11] =	ssyncset.done $0x0  }
0x1fd: {  	[sflag:s11] =	ssyncadd.s32 $0xFFFF8000  }
0x1fe: {  	[tilespmem:s8], [sflag:$0x2] =	stream.indirect.gather [hbm4b:s4+s7], $0x40, s29, s7, $0xb8;
	[tilespmem:$0x1F000] =	vst v63  }
0x1ff: {  	_ =	swait.ge [sflag:s13], $0x8000  }
0x200: {  	[sflag:s13] =	ssyncset.done $0x0  }
0x201: {  	[sflag:s13] =	ssyncadd.s32 $0xFFFF8000  }
0x202: {  	[spmem:s2] =	stream.indirect.scatter.add.f32 [tilespmem:s9], [sflag:$0x3], $0x40, s28, s7, $0xb8;
	[tilespmem:$0x1F000] =	vst v63  }
0x203: {  	_ =	swait.ge [sflag:s12], $0x8000  }
0x204: {  	[sflag:s12] =	ssyncset.done $0x0  }
0x205: {  	[sflag:s12] =	ssyncadd.s32 $0xFFFF8000  }
0x206: {  	[spmem:s2] =	stream.indirect.scatter.add.f32 [tilespmem:s8], [sflag:$0x4], $0x40, s26, s7, $0xb8;
	[tilespmem:$0x1F000] =	vst v63  }
0x207: {  	_ =	swait.ge [sflag:s10], $0x8000  }
0x208: {  	[sflag:s10] =	ssyncset.done $0x0  }
0x209: {  	[sflag:s10] =	ssyncadd.s32 $0xFFFF8000  }
0x20a: {  	[tilespmem:s9], [sflag:$0x1] =	stream.indirect.gather [hbm4b:s4+s7], $0x40, s25, s7, $0xb8;
	[tilespmem:$0x1F000] =	vst v63  }
0x20b: {  	_ =	swait.ge [sflag:s11], $0x8000  }
0x20c: {  	[sflag:s11] =	ssyncset.done $0x0  }
0x20d: {  	[sflag:s11] =	ssyncadd.s32 $0xFFFF8000  }
0x20e: {  	[tilespmem:s8], [sflag:$0x2] =	stream.indirect.gather [hbm4b:s4+s7], $0x40, s24, s7, $0xb8;
	[tilespmem:$0x1F000] =	vst v63  }
0x20f: {  	_ =	swait.ge [sflag:s13], $0x8000  }
0x210: {  	[sflag:s13] =	ssyncset.done $0x0  }
0x211: {  	[sflag:s13] =	ssyncadd.s32 $0xFFFF8000  }
0x212: {  	[spmem:s2] =	stream.indirect.scatter.add.f32 [tilespmem:s9], [sflag:$0x3], $0x40, s23, s7, $0xb8;
	[tilespmem:$0x1F000] =	vst v63  }
0x213: {  	_ =	swait.ge [sflag:s12], $0x8000  }
0x214: {  	[sflag:s12] =	ssyncset.done $0x0  }
0x215: {  	[sflag:s12] =	ssyncadd.s32 $0xFFFF8000  }
0x216: {  	[spmem:s2] =	stream.indirect.scatter.add.f32 [tilespmem:s8], [sflag:$0x4], $0x40, s22, s7, $0xb8;
	[tilespmem:$0x1F000] =	vst v63  }
0x217: {  	_ =	swait.ge [sflag:s10], $0x8000  }
0x218: {  	[sflag:s10] =	ssyncset.done $0x0  }
0x219: {  	[sflag:s10] =	ssyncadd.s32 $0xFFFF8000  }
0x21a: {  	[tilespmem:s9], [sflag:$0x1] =	stream.indirect.gather [hbm4b:s4+s7], $0x40, s21, s7, $0xb8;
	[tilespmem:$0x1F000] =	vst v63  }
0x21b: {  	_ =	swait.ge [sflag:s11], $0x8000  }
0x21c: {  	[sflag:s11] =	ssyncset.done $0x0  }
0x21d: {  	[sflag:s11] =	ssyncadd.s32 $0xFFFF8000  }
0x21e: {  	[tilespmem:s8], [sflag:$0x2] =	stream.indirect.gather [hbm4b:s4+s7], $0x40, s19, s7, $0xb8;
	[tilespmem:$0x1F000] =	vst v63  }
0x21f: {  	_ =	swait.ge [sflag:s13], $0x8000  }
0x220: {  	[sflag:s13] =	ssyncset.done $0x0  }
0x221: {  	[sflag:s13] =	ssyncadd.s32 $0xFFFF8000  }
0x222: {  	[spmem:s2] =	stream.indirect.scatter.add.f32 [tilespmem:s9], [sflag:$0x3], $0x40, s20, s7, $0xb8;
	[tilespmem:$0x1F000] =	vst v63  }
0x223: {  	_ =	swait.ge [sflag:s12], $0x8000  }
0x224: {  	[sflag:s12] =	ssyncset.done $0x0  }
0x225: {  	[sflag:s12] =	ssyncadd.s32 $0xFFFF8000  }
0x226: {  	[spmem:s2] =	stream.indirect.scatter.add.f32 [tilespmem:s8], [sflag:$0x4], $0x40, s18, s7, $0xb8;
	[tilespmem:$0x1F000] =	vst v63  }
0x227: {  	_ =	swait.ge [sflag:s10], $0x8000  }
0x228: {  	[sflag:s10] =	ssyncset.done $0x0  }
0x229: {  	[sflag:s10] =	ssyncadd.s32 $0xFFFF8000  }
0x22a: {  	[tilespmem:s9], [sflag:$0x1] =	stream.indirect.gather [hbm4b:s4+s7], $0x40, s17, s7, $0xb8;
	[tilespmem:$0x1F000] =	vst v63  }
0x22b: {  	_ =	swait.ge [sflag:s11], $0x8000  }
0x22c: {  	[sflag:s11] =	ssyncset.done $0x0  }
0x22d: {  	[sflag:s11] =	ssyncadd.s32 $0xFFFF8000  }
0x22e: {  	[tilespmem:s8], [sflag:$0x2] =	stream.indirect.gather [hbm4b:s4+s7], $0x40, s16, s7, $0xb8;
	[tilespmem:$0x1F000] =	vst v63  }
0x22f: {  	_ =	swait.ge [sflag:s13], $0x8000  }
0x230: {  	[sflag:s13] =	ssyncset.done $0x0  }
0x231: {  	[sflag:s13] =	ssyncadd.s32 $0xFFFF8000  }
0x232: {  	[spmem:s2] =	stream.indirect.scatter.add.f32 [tilespmem:s9], [sflag:$0x3], $0x40, s15, s7, $0xb8;
	[tilespmem:$0x1F000] =	vst v63  }
0x233: {  	_ =	swait.ge [sflag:s12], $0x8000  }
0x234: {  	[sflag:s12] =	ssyncset.done $0x0  }
0x235: {  	[sflag:s12] =	ssyncadd.s32 $0xFFFF8000  }
0x236: {  	[spmem:s2] =	stream.indirect.scatter.add.f32 [tilespmem:s8], [sflag:$0x4], $0x40, s14, s7, $0xb8;
	[tilespmem:$0x1F000] =	vst v63  }
0x237: {  	_ =	swait.ge [sflag:s10], $0x8000  }
0x238: {  	[sflag:s10] =	ssyncset.done $0x0  }
0x239: {  	[sflag:s10] =	ssyncadd.s32 $0xFFFF8000  }
0x23a: {  	_ =	swait.ge [sflag:s11], $0x8000  }
0x23b: {  	[sflag:s11] =	ssyncset.done $0x0  }
0x23c: {  	[sflag:s11] =	ssyncadd.s32 $0xFFFF8000  }
0x23d: {  	[bflag:$0x0] =	sbarrier.arrive $0xFFFF  }
0x23e: {  	s30 =	rddreg [dreg:$0x4]  }
0x23f: {  	[hbm:s30], [sflag:s5] =	dma.local [spmem:s6], $0x1400  }
0x240: {  	_ =	swait.ge [sflag:s3], $0x1400  }
0x241: {  	[sflag:s3] =	ssyncset.done $0x0  }
0x242: {  	[sflag:s3] =	ssyncadd.s32 $0xFFFFEC00  }
0x243: {  	_ =	sfence.sel $0x180000  }
0x244: {  	[bflag:$0x0] =	sbarrier.arrive $0xFFFF  }
0x245: {  	_ =	strace $0x90000047  }
0x246: {  	s31 =	stileid.u32;
	[bflag:$0x2] =	sbarrier.arrive $0xFFFF  }
0x247: {  	p0 =	sne.s32 s31, $0x0;
	s0 =	rddreg [dreg:$0x2]  }
0x248: {  	s0 =	sadd.s32 @!p0 $0x100000, s0  }
0x249: {  	[sflag:s0] =	ssyncadd.tile.s32 @!p0 $0x1;
	_ =	shalt  }
.Lfunc_end2:
_tile_overlayer_lowered:
.L_overlay_start_2:
0x24a: {  	(tag) =	ssettag $0x2  }
0x24b: {  	s0 =	rddreg [dreg:$0x0];
	s2 =	stileid.u32  }
0x24c: {  	s1 =	rddreg [dreg:$0x1];
	p0 =	sne.s32 s2, $0x0  }
0x24d: {  	s3 =	rddreg [dreg:$0x2];
	[bflag:$0x3] =	sbarrier.arrive $0xFFFF;
	s2 =	simm.s32 @!p0 $0x1C05  }
0x24e: {  	[timem:s3], [sflag:s2] =	dma.local @!p0 [hbm:s0], s1  }
0x24f: {  	s0 =	simm.s32 @!p0 $0x5  }
0x250: {  	_ =	swait.ge @!p0 [sflag:s0], s1  }
0x251: {  	s1 =	ssub.s32 @!p0 $0x0, s1;
	[sflag:s0] =	ssyncset.done @!p0 $0x0  }
0x252: {  	[sflag:s0] =	ssyncadd.s32 @!p0 s1  }
0x253: {  	[bflag:$0x3] =	sbarrier.arrive $0xFFFF  }
0x254: {  	_ =	shalt  }

</sc_bundles>
